<compile_context>
chip_gen: v7x
topology: tpu7x:2x2x1
jax: 0.10.2.dev20260603
libtpu: 0.0.44.dev20260713+nightly
codegen_flags: <defaults>
</compile_context>

<pallas_src>
import jax
import jax.numpy as jnp
from jax import lax
from jax.experimental import pallas as pl
from jax.experimental.pallas import tpu as pltpu
from jax.experimental.pallas import tpu_sc as plsc

B = 4
S = 8192
D = 1024
L = 16
NC = 2
NS = 16
NW = NC * NS
R = B * S
RPW = R // NW
CH = 16
NCH = RPW // CH
NBUF = 4
AHEAD = 2


def _body(xf, sgn, perm, out, perm_v, sgn_v, s_v, bufs, gsems, ssems):
    wid = lax.axis_index("s") * NC + lax.axis_index("c")
    wbase = wid * RPW
    bofs = (wbase // S) * S
    ibase = wbase - bofs

    pltpu.sync_copy(perm.at[pl.ds(ibase, RPW)], perm_v)
    pltpu.sync_copy(sgn, sgn_v)

    vofs = jnp.full((L,), bofs, jnp.int32)

    def prep(k, _):
        idx16 = perm_v[pl.ds(k * L, L)]
        s_v[pl.ds(k * L, L)] = plsc.load_gather(sgn_v, [idx16])
        perm_v[pl.ds(k * L, L)] = idx16 + vofs
        return 0

    lax.fori_loop(0, RPW // L, prep, 0, unroll=2)

    def start_gather(c, b):
        pltpu.async_copy(xf.at[perm_v.at[pl.ds(c * CH, CH)]], bufs[b], gsems[b])

    def wait_sem(sem, b):
        pltpu.make_async_copy(xf.at[pl.ds(0, CH)], bufs[b], sem).wait()

    for c in range(AHEAD):
        start_gather(c, c)

    def group(g, _):
        c0 = g * NBUF
        for b in range(NBUF):
            c = c0 + b
            bn = (b + AHEAD) % NBUF

            @pl.when(c >= NBUF - AHEAD)
            def _():
                wait_sem(ssems[bn], bn)

            @pl.when(c + AHEAD < NCH)
            def _():
                start_gather(c + AHEAD, bn)

            wait_sem(gsems[b], b)

            def row(r, _):
                svec = plsc.load_gather(
                    s_v, [jnp.full((L,), c * CH + r, jnp.int32)])
                for j in range(D // L):
                    sl = pl.ds(j * L, L)
                    bufs[b][r, sl] = bufs[b][r, sl] * svec
                return 0

            lax.fori_loop(0, CH, row, 0)
            pltpu.async_copy(bufs[b], out.at[pl.ds(wbase + c * CH, CH)],
                             ssems[b])
        return 0

    lax.fori_loop(0, NCH // NBUF, group, 0)

    for c in range(NCH - (NBUF - AHEAD), NCH):
        wait_sem(ssems[c % NBUF], c % NBUF)


@jax.jit
def kernel(x, signs, perm):
    xf = x.reshape(R, D)
    sgn = signs.reshape(S)
    mesh = plsc.VectorSubcoreMesh(core_axis_name="c", subcore_axis_name="s",
                                  num_cores=NC, num_subcores=NS)
    out = pl.kernel(
        _body,
        out_type=jax.ShapeDtypeStruct((R, D), jnp.float32),
        mesh=mesh,
        scratch_types=[
            pltpu.VMEM((RPW,), jnp.int32),
            pltpu.VMEM((S,), jnp.float32),
            pltpu.VMEM((RPW,), jnp.float32),
            [pltpu.VMEM((CH, D), jnp.float32) for _ in range(NBUF)],
            [pltpu.SemaphoreType.DMA for _ in range(NBUF)],
            [pltpu.SemaphoreType.DMA for _ in range(NBUF)],
        ],
        compiler_params=pltpu.CompilerParams(needs_layout_passes=False),
    )(xf, sgn, perm)
    return out.reshape(B, S, D)

# --- scband reference (transcript-rebuilt; emitter-appended) ---
"""Pipeline reference for scband-sign-permute-mix-29334626632014 (READ-ONLY COPY).

The authoritative reference and input builder live on the scoring server;
editing this copy changes nothing except your own understanding.
"""

import jax, jax.numpy as jnp
import numpy as np


def setup_inputs(seed: int = 0) -> dict:
    key = jax.random.key(seed)
    k1, k2, k3 = jax.random.split(key, 3)
    size = 8192
    x = jax.random.normal(k1, (4, size, 1024), dtype=jnp.float32)
    perm = jax.random.permutation(k2, jnp.arange(size, dtype=jnp.int32))
    signs = (jax.random.randint(k3, (size,), 0, 2).astype(jnp.float32) * 2.0 - 1.0).reshape(1, size, 1)
    return {"x": x, "signs": signs, "perm": perm}


def reference(x, signs, perm):
    # x * signs (broadcast over batch and last dim), then permute along dim=1
    y = x * signs
    y = jnp.take(y, perm, axis=1)
    return y

if __name__ == "__main__":
    import jax
    _d = setup_inputs()
    print(jax.jit(kernel)(*tuple(_d.values())))

</pallas_src>

<mosaic_0001>
#map = affine_map<(d0, d1) -> (0, 0)>
#map1 = affine_map<(d0, d1) -> (0)>
module attributes {stable_mosaic.version = 14 : i64} {
  func.func @_body(%arg0: i32, %arg1: i32, %arg2: memref<32768x1024xf32, #tpu.memory_space<hbm>>, %arg3: memref<8192xf32, #tpu.memory_space<hbm>>, %arg4: memref<8192xi32, #tpu.memory_space<hbm>>, %arg5: memref<32768x1024xf32, #tpu.memory_space<hbm>>, %arg6: memref<1024xi32, #tpu.memory_space<vmem>>, %arg7: memref<8192xf32, #tpu.memory_space<vmem>>, %arg8: memref<1024xf32, #tpu.memory_space<vmem>>, %arg9: memref<16x1024xf32, #tpu.memory_space<vmem>>, %arg10: memref<16x1024xf32, #tpu.memory_space<vmem>>, %arg11: memref<16x1024xf32, #tpu.memory_space<vmem>>, %arg12: memref<16x1024xf32, #tpu.memory_space<vmem>>, %arg13: memref<!tpu.dma_semaphore, #tpu.memory_space<semaphore_mem>>, %arg14: memref<!tpu.dma_semaphore, #tpu.memory_space<semaphore_mem>>, %arg15: memref<!tpu.dma_semaphore, #tpu.memory_space<semaphore_mem>>, %arg16: memref<!tpu.dma_semaphore, #tpu.memory_space<semaphore_mem>>, %arg17: memref<!tpu.dma_semaphore, #tpu.memory_space<semaphore_mem>>, %arg18: memref<!tpu.dma_semaphore, #tpu.memory_space<semaphore_mem>>, %arg19: memref<!tpu.dma_semaphore, #tpu.memory_space<semaphore_mem>>, %arg20: memref<!tpu.dma_semaphore, #tpu.memory_space<semaphore_mem>>) attributes {dimension_semantics = [#tpu.dimension_semantics<core_parallel>, #tpu.dimension_semantics<subcore_parallel>], iteration_bounds = array<i64: 2, 16>, scalar_prefetch = 0 : i64, scratch_operands = 15 : i64, tpu.core_type = #tpu.core_type<sc_vector_subcore>, window_params = [{transform_indices = #map}, {transform_indices = #map1}, {transform_indices = #map1}, {transform_indices = #map}]} {
    %mul3A = arith.constant 2 : i32
    %mul3A_0 = arith.muli %arg1, %mul3A : i32
    %add3A = arith.addi %mul3A_0, %arg0 : i32
    %mul3A_1 = arith.constant 1024 : i32
    %mul3A_2 = arith.muli %add3A, %mul3A_1 : i32
    %jit3A = arith.constant 8192 : i32
    %div3A = arith.divsi %mul3A_2, %jit3A : i32
    %sign3A = arith.constant 0 : i32
    %sign3A_3 = arith.cmpi sgt, %mul3A_2, %sign3A : i32
    %sign3A_4 = arith.extui %sign3A_3 : i1 to i32
    %sign3A_5 = arith.constant 0 : i32
    %sign3A_6 = arith.cmpi slt, %mul3A_2, %sign3A_5 : i32
    %sign3A_7 = arith.extui %sign3A_6 : i1 to i32
    %sign3A_8 = arith.subi %sign3A_4, %sign3A_7 : i32
    %sign3A_9 = arith.constant 0 : i32
    %sign3A_10 = arith.cmpi sgt, %jit3A, %sign3A_9 : i32
    %sign3A_11 = arith.extui %sign3A_10 : i1 to i32
    %sign3A_12 = arith.constant 0 : i32
    %sign3A_13 = arith.cmpi slt, %jit3A, %sign3A_12 : i32
    %sign3A_14 = arith.extui %sign3A_13 : i1 to i32
    %sign3A_15 = arith.subi %sign3A_11, %sign3A_14 : i32
    %ne3A = arith.cmpi ne, %sign3A_8, %sign3A_15 : i32
    %rem3A = arith.remsi %mul3A_2, %jit3A : i32
    %ne3A_16 = arith.constant 0 : i32
    %ne3A_17 = arith.cmpi ne, %rem3A, %ne3A_16 : i32
    %and3A = arith.andi %ne3A, %ne3A_17 : i1
    %sub3A = arith.constant 1 : i32
    %sub3A_18 = arith.subi %div3A, %sub3A : i32
    %select_n3A = arith.select %and3A, %sub3A_18, %div3A : i32
    %mul3A_19 = arith.constant 8192 : i32
    %mul3A_20 = arith.muli %select_n3A, %mul3A_19 : i32
    %sub3A_21 = arith.subi %mul3A_2, %mul3A_20 : i32
    "tpu.region"() ({
      %run_scoped3A = tpu.sem_alloc : memref<!tpu.dma_semaphore, #tpu.memory_space<semaphore_mem>>
      %dma_start3A_55 = tpu.memref_slice %arg4[%sub3A_21] : memref<8192xi32, #tpu.memory_space<hbm>> -> memref<1024xi32, #tpu.memory_space<hbm>>
      %dma_start3A_56 = tpu.memref_slice %arg4[%sub3A_21] : memref<8192xi32, #tpu.memory_space<hbm>> -> memref<1024xi32, #tpu.memory_space<hbm>>
      tpu.enqueue_dma source(%dma_start3A_56 : memref<1024xi32, #tpu.memory_space<hbm>>) target(%arg6 : memref<1024xi32, #tpu.memory_space<vmem>>) target_semaphore(%run_scoped3A : memref<!tpu.dma_semaphore, #tpu.memory_space<semaphore_mem>>)
      %dma_wait3A_57 = tpu.memref_slice %arg4[%sub3A_21] : memref<8192xi32, #tpu.memory_space<hbm>> -> memref<1024xi32, #tpu.memory_space<hbm>>
      %dma_wait3A_58 = tpu.memref_slice %arg4[%sub3A_21] : memref<8192xi32, #tpu.memory_space<hbm>> -> memref<1024xi32, #tpu.memory_space<hbm>>
      tpu.wait_dma2 semaphore(%run_scoped3A : memref<!tpu.dma_semaphore, #tpu.memory_space<semaphore_mem>>) src(%dma_wait3A_58 : memref<1024xi32, #tpu.memory_space<hbm>>) dst(%arg6 : memref<1024xi32, #tpu.memory_space<vmem>>)
      tpu.yield
    }) : () -> ()
    "tpu.region"() ({
      %run_scoped3A = tpu.sem_alloc : memref<!tpu.dma_semaphore, #tpu.memory_space<semaphore_mem>>
      tpu.enqueue_dma source(%arg3 : memref<8192xf32, #tpu.memory_space<hbm>>) target(%arg7 : memref<8192xf32, #tpu.memory_space<vmem>>) target_semaphore(%run_scoped3A : memref<!tpu.dma_semaphore, #tpu.memory_space<semaphore_mem>>)
      tpu.wait_dma2 semaphore(%run_scoped3A : memref<!tpu.dma_semaphore, #tpu.memory_space<semaphore_mem>>) src(%arg3 : memref<8192xf32, #tpu.memory_space<hbm>>) dst(%arg7 : memref<8192xf32, #tpu.memory_space<vmem>>)
      tpu.yield
    }) : () -> ()
    %broadcast_in_dim3A = vector.broadcast %mul3A_20 : i32 to vector<16xi32>
    %scan3A = arith.constant 0 : i32
    %scan3A_22 = arith.constant 0 : i32
    %scan3A_23 = arith.constant 64 : i32
    %scan3A_24 = arith.addi %scan3A_22, %scan3A_23 : i32
    %scan3A_25 = arith.constant 2 : i32
    %scan3A_26 = scf.for %scan3A_55 = %scan3A_22 to %scan3A_24 step %scan3A_25 iter_args(%scan3A_56 = %scan3A) -> (i32)  : i32 {
      %mul3A_57 = arith.constant 16 : i32
      %mul3A_58 = arith.muli %scan3A_55, %mul3A_57 : i32
      %get3A = arith.index_cast %mul3A_58 : i32 to index
      %get3A_59 = tpu.vector_load %arg6[%get3A] {strides = array<i32>} : memref<1024xi32, #tpu.memory_space<vmem>>, vector<16xi32>,
      %gather3A = tpu.vector_load_idx %arg7[%get3A_59] : memref<8192xf32, #tpu.memory_space<vmem>>[vector<16xi32>], vector<16xf32>,
      %mul3A_60 = arith.constant 16 : i32
      %mul3A_61 = arith.muli %scan3A_55, %mul3A_60 : i32
      %swap3A = arith.index_cast %mul3A_61 : i32 to index
      %swap3A_62 = tpu.vector_load %arg8[%swap3A] {strides = array<i32>} : memref<1024xf32, #tpu.memory_space<vmem>>, vector<16xf32>,
      tpu.vector_store %arg8[%swap3A], %gather3A {strides = array<i32>} : memref<1024xf32, #tpu.memory_space<vmem>>, vector<16xf32>,
      %add3A_63 = arith.addi %get3A_59, %broadcast_in_dim3A : vector<16xi32>
      %mul3A_64 = arith.constant 16 : i32
      %mul3A_65 = arith.muli %scan3A_55, %mul3A_64 : i32
      %swap3A_66 = arith.index_cast %mul3A_65 : i32 to index
      %swap3A_67 = tpu.vector_load %arg6[%swap3A_66] {strides = array<i32>} : memref<1024xi32, #tpu.memory_space<vmem>>, vector<16xi32>,
      tpu.vector_store %arg6[%swap3A_66], %add3A_63 {strides = array<i32>} : memref<1024xi32, #tpu.memory_space<vmem>>, vector<16xi32>,
      %scan3A_68 = arith.constant 0 : i32
      %scan3A_69 = arith.constant 1 : i32
      %scan3A_70 = arith.addi %scan3A_55, %scan3A_69 : i32
      %mul3A_71 = arith.constant 16 : i32
      %mul3A_72 = arith.muli %scan3A_70, %mul3A_71 : i32
      %get3A_73 = arith.index_cast %mul3A_72 : i32 to index
      %get3A_74 = tpu.vector_load %arg6[%get3A_73] {strides = array<i32>} : memref<1024xi32, #tpu.memory_space<vmem>>, vector<16xi32>,
      %gather3A_75 = tpu.vector_load_idx %arg7[%get3A_74] : memref<8192xf32, #tpu.memory_space<vmem>>[vector<16xi32>], vector<16xf32>,
      %mul3A_76 = arith.constant 16 : i32
      %mul3A_77 = arith.muli %scan3A_70, %mul3A_76 : i32
      %swap3A_78 = arith.index_cast %mul3A_77 : i32 to index
      %swap3A_79 = tpu.vector_load %arg8[%swap3A_78] {strides = array<i32>} : memref<1024xf32, #tpu.memory_space<vmem>>, vector<16xf32>,
      tpu.vector_store %arg8[%swap3A_78], %gather3A_75 {strides = array<i32>} : memref<1024xf32, #tpu.memory_space<vmem>>, vector<16xf32>,
      %add3A_80 = arith.addi %get3A_74, %broadcast_in_dim3A : vector<16xi32>
      %mul3A_81 = arith.constant 16 : i32
      %mul3A_82 = arith.muli %scan3A_70, %mul3A_81 : i32
      %swap3A_83 = arith.index_cast %mul3A_82 : i32 to index
      %swap3A_84 = tpu.vector_load %arg6[%swap3A_83] {strides = array<i32>} : memref<1024xi32, #tpu.memory_space<vmem>>, vector<16xi32>,
      tpu.vector_store %arg6[%swap3A_83], %add3A_80 {strides = array<i32>} : memref<1024xi32, #tpu.memory_space<vmem>>, vector<16xi32>,
      %scan3A_85 = arith.constant 0 : i32
      scf.yield %scan3A_85 : i32
    }
    %scan3A_27 = arith.constant 64 : i32
    %dma_start3A = arith.constant 0 : i32
    %dma_start3A_28 = tpu.memref_slice %arg6[%dma_start3A] : memref<1024xi32, #tpu.memory_space<vmem>> -> memref<16xi32, #tpu.memory_space<vmem>>
    %dma_start3A_29 = arith.constant 0 : i32
    %dma_start3A_30 = arith.constant 0 : i32
    %dma_start3A_31 = tpu.memref_slice %arg2[%dma_start3A_29, %dma_start3A_30] : memref<32768x1024xf32, #tpu.memory_space<hbm>> -> memref<32768x1024xf32, #tpu.memory_space<hbm>>
    tpu.enqueue_indirect_dma source(%dma_start3A_31 : memref<32768x1024xf32, #tpu.memory_space<hbm>>) target(%arg9 : memref<16x1024xf32, #tpu.memory_space<vmem>>) offsets(%dma_start3A_28 : memref<16xi32, #tpu.memory_space<vmem>>) semaphore(%arg13 : memref<!tpu.dma_semaphore, #tpu.memory_space<semaphore_mem>>)
    %dma_start3A_32 = arith.constant 16 : i32
    %dma_start3A_33 = tpu.memref_slice %arg6[%dma_start3A_32] : memref<1024xi32, #tpu.memory_space<vmem>> -> memref<16xi32, #tpu.memory_space<vmem>>
    %dma_start3A_34 = arith.constant 0 : i32
    %dma_start3A_35 = arith.constant 0 : i32
    %dma_start3A_36 = tpu.memref_slice %arg2[%dma_start3A_34, %dma_start3A_35] : memref<32768x1024xf32, #tpu.memory_space<hbm>> -> memref<32768x1024xf32, #tpu.memory_space<hbm>>
    tpu.enqueue_indirect_dma source(%dma_start3A_36 : memref<32768x1024xf32, #tpu.memory_space<hbm>>) target(%arg10 : memref<16x1024xf32, #tpu.memory_space<vmem>>) offsets(%dma_start3A_33 : memref<16xi32, #tpu.memory_space<vmem>>) semaphore(%arg14 : memref<!tpu.dma_semaphore, #tpu.memory_space<semaphore_mem>>)
    %scan3A_37 = arith.constant 0 : i32
    %scan3A_38 = arith.constant 0 : i32
    %scan3A_39 = arith.constant 16 : i32
    %scan3A_40 = arith.addi %scan3A_38, %scan3A_39 : i32
    %scan3A_41 = arith.constant 1 : i32
    %scan3A_42 = scf.for %scan3A_55 = %scan3A_38 to %scan3A_40 step %scan3A_41 iter_args(%scan3A_56 = %scan3A_37) -> (i32)  : i32 {
      %mul3A_57 = arith.constant 4 : i32
      %mul3A_58 = arith.muli %scan3A_55, %mul3A_57 : i32
      %add3A_59 = arith.constant 0 : i32
      %add3A_60 = arith.addi %mul3A_58, %add3A_59 : i32
      %ge3A = arith.constant 2 : i32
      %ge3A_61 = arith.cmpi sge, %add3A_60, %ge3A : i32
      %convert_element_type3A = arith.extui %ge3A_61 : i1 to i32
      %cond3A = arith.constant 0 : i32
      %cond3A_62 = arith.cmpi ne, %convert_element_type3A, %cond3A : i32
      scf.if %cond3A_62 {
        %dma_wait3A_192 = arith.constant 0 : i32
        %dma_wait3A_193 = arith.constant 0 : i32
        %dma_wait3A_194 = tpu.memref_slice %arg2[%dma_wait3A_192, %dma_wait3A_193] : memref<32768x1024xf32, #tpu.memory_space<hbm>> -> memref<16x1024xf32, #tpu.memory_space<hbm>>
        %dma_wait3A_195 = arith.constant 0 : i32
        %dma_wait3A_196 = arith.constant 0 : i32
        %dma_wait3A_197 = tpu.memref_slice %arg2[%dma_wait3A_195, %dma_wait3A_196] : memref<32768x1024xf32, #tpu.memory_space<hbm>> -> memref<16x1024xf32, #tpu.memory_space<hbm>>
        tpu.wait_dma2 semaphore(%arg19 : memref<!tpu.dma_semaphore, #tpu.memory_space<semaphore_mem>>) src(%dma_wait3A_197 : memref<16x1024xf32, #tpu.memory_space<hbm>>) dst(%arg11 : memref<16x1024xf32, #tpu.memory_space<vmem>>)
      } else {
      }
      %add3A_63 = arith.constant 2 : i32
      %add3A_64 = arith.addi %add3A_60, %add3A_63 : i32
      %lt3A = arith.constant 64 : i32
      %lt3A_65 = arith.cmpi slt, %add3A_64, %lt3A : i32
      %convert_element_type3A_66 = arith.extui %lt3A_65 : i1 to i32
      %cond3A_67 = arith.constant 0 : i32
      %cond3A_68 = arith.cmpi ne, %convert_element_type3A_66, %cond3A_67 : i32
      scf.if %cond3A_68 {
        %add3A_192 = arith.constant 2 : i32
        %add3A_193 = arith.addi %add3A_60, %add3A_192 : i32
        %mul3A_194 = arith.constant 16 : i32
        %mul3A_195 = arith.muli %add3A_193, %mul3A_194 : i32
        %dma_start3A_196 = tpu.memref_slice %arg6[%mul3A_195] : memref<1024xi32, #tpu.memory_space<vmem>> -> memref<16xi32, #tpu.memory_space<vmem>>
        %dma_start3A_197 = arith.constant 0 : i32
        %dma_start3A_198 = arith.constant 0 : i32
        %dma_start3A_199 = tpu.memref_slice %arg2[%dma_start3A_197, %dma_start3A_198] : memref<32768x1024xf32, #tpu.memory_space<hbm>> -> memref<32768x1024xf32, #tpu.memory_space<hbm>>
        tpu.enqueue_indirect_dma source(%dma_start3A_199 : memref<32768x1024xf32, #tpu.memory_space<hbm>>) target(%arg11 : memref<16x1024xf32, #tpu.memory_space<vmem>>) offsets(%dma_start3A_196 : memref<16xi32, #tpu.memory_space<vmem>>) semaphore(%arg15 : memref<!tpu.dma_semaphore, #tpu.memory_space<semaphore_mem>>)
      } else {
      }
      %dma_wait3A_69 = arith.constant 0 : i32
      %dma_wait3A_70 = arith.constant 0 : i32
      %dma_wait3A_71 = tpu.memref_slice %arg2[%dma_wait3A_69, %dma_wait3A_70] : memref<32768x1024xf32, #tpu.memory_space<hbm>> -> memref<16x1024xf32, #tpu.memory_space<hbm>>
      %dma_wait3A_72 = arith.constant 0 : i32
      %dma_wait3A_73 = arith.constant 0 : i32
      %dma_wait3A_74 = tpu.memref_slice %arg2[%dma_wait3A_72, %dma_wait3A_73] : memref<32768x1024xf32, #tpu.memory_space<hbm>> -> memref<16x1024xf32, #tpu.memory_space<hbm>>
      tpu.wait_dma2 semaphore(%arg13 : memref<!tpu.dma_semaphore, #tpu.memory_space<semaphore_mem>>) src(%dma_wait3A_74 : memref<16x1024xf32, #tpu.memory_space<hbm>>) dst(%arg9 : memref<16x1024xf32, #tpu.memory_space<vmem>>)
      %scan3A_75 = arith.constant 0 : i32
      %scan3A_76 = arith.constant 0 : i32
      %scan3A_77 = arith.constant 16 : i32
      %scan3A_78 = arith.addi %scan3A_76, %scan3A_77 : i32
      %scan3A_79 = arith.constant 1 : i32
      %scan3A_80 = scf.for %scan3A_192 = %scan3A_76 to %scan3A_78 step %scan3A_79 iter_args(%scan3A_193 = %scan3A_75) -> (i32)  : i32 {
        %mul3A_194 = arith.constant 16 : i32
        %mul3A_195 = arith.muli %add3A_60, %mul3A_194 : i32
        %add3A_196 = arith.addi %mul3A_195, %scan3A_192 : i32
        %broadcast_in_dim3A_197 = vector.broadcast %add3A_196 : i32 to vector<16xi32>
        %gather3A = tpu.vector_load_idx %arg8[%broadcast_in_dim3A_197] : memref<1024xf32, #tpu.memory_space<vmem>>[vector<16xi32>], vector<16xf32>,
        %get3A = arith.index_cast %scan3A_192 : i32 to index
        %get3A_198 = arith.constant 0 : index
        %get3A_199 = tpu.vector_load %arg9[%get3A, %get3A_198] {strides = array<i32>} : memref<16x1024xf32, #tpu.memory_space<vmem>>, vector<16xf32>,
        %mul3A_200 = arith.mulf %get3A_199, %gather3A : vector<16xf32>
        %swap3A = arith.index_cast %scan3A_192 : i32 to index
        %swap3A_201 = arith.constant 0 : index
        %swap3A_202 = tpu.vector_load %arg9[%swap3A, %swap3A_201] {strides = array<i32>} : memref<16x1024xf32, #tpu.memory_space<vmem>>, vector<16xf32>,
        tpu.vector_store %arg9[%swap3A, %swap3A_201], %mul3A_200 {strides = array<i32>} : memref<16x1024xf32, #tpu.memory_space<vmem>>, vector<16xf32>,
        %get3A_203 = arith.index_cast %scan3A_192 : i32 to index
        %get3A_204 = arith.constant 16 : index
        %get3A_205 = tpu.vector_load %arg9[%get3A_203, %get3A_204] {strides = array<i32>} : memref<16x1024xf32, #tpu.memory_space<vmem>>, vector<16xf32>,
        %mul3A_206 = arith.mulf %get3A_205, %gather3A : vector<16xf32>
        %swap3A_207 = arith.index_cast %scan3A_192 : i32 to index
        %swap3A_208 = arith.constant 16 : index
        %swap3A_209 = tpu.vector_load %arg9[%swap3A_207, %swap3A_208] {strides = array<i32>} : memref<16x1024xf32, #tpu.memory_space<vmem>>, vector<16xf32>,
        tpu.vector_store %arg9[%swap3A_207, %swap3A_208], %mul3A_206 {strides = array<i32>} : memref<16x1024xf32, #tpu.memory_space<vmem>>, vector<16xf32>,
        %get3A_210 = arith.index_cast %scan3A_192 : i32 to index
        %get3A_211 = arith.constant 32 : index
        %get3A_212 = tpu.vector_load %arg9[%get3A_210, %get3A_211] {strides = array<i32>} : memref<16x1024xf32, #tpu.memory_space<vmem>>, vector<16xf32>,
        %mul3A_213 = arith.mulf %get3A_212, %gather3A : vector<16xf32>
        %swap3A_214 = arith.index_cast %scan3A_192 : i32 to index
        %swap3A_215 = arith.constant 32 : index
        %swap3A_216 = tpu.vector_load %arg9[%swap3A_214, %swap3A_215] {strides = array<i32>} : memref<16x1024xf32, #tpu.memory_space<vmem>>, vector<16xf32>,
        tpu.vector_store %arg9[%swap3A_214, %swap3A_215], %mul3A_213 {strides = array<i32>} : memref<16x1024xf32, #tpu.memory_space<vmem>>, vector<16xf32>,
        %get3A_217 = arith.index_cast %scan3A_192 : i32 to index
        %get3A_218 = arith.constant 48 : index
        %get3A_219 = tpu.vector_load %arg9[%get3A_217, %get3A_218] {strides = array<i32>} : memref<16x1024xf32, #tpu.memory_space<vmem>>, vector<16xf32>,
        %mul3A_220 = arith.mulf %get3A_219, %gather3A : vector<16xf32>
        %swap3A_221 = arith.index_cast %scan3A_192 : i32 to index
        %swap3A_222 = arith.constant 48 : index
        %swap3A_223 = tpu.vector_load %arg9[%swap3A_221, %swap3A_222] {strides = array<i32>} : memref<16x1024xf32, #tpu.memory_space<vmem>>, vector<16xf32>,
        tpu.vector_store %arg9[%swap3A_221, %swap3A_222], %mul3A_220 {strides = array<i32>} : memref<16x1024xf32, #tpu.memory_space<vmem>>, vector<16xf32>,
        %get3A_224 = arith.index_cast %scan3A_192 : i32 to index
        %get3A_225 = arith.constant 64 : index
        %get3A_226 = tpu.vector_load %arg9[%get3A_224, %get3A_225] {strides = array<i32>} : memref<16x1024xf32, #tpu.memory_space<vmem>>, vector<16xf32>,
        %mul3A_227 = arith.mulf %get3A_226, %gather3A : vector<16xf32>
        %swap3A_228 = arith.index_cast %scan3A_192 : i32 to index
        %swap3A_229 = arith.constant 64 : index
        %swap3A_230 = tpu.vector_load %arg9[%swap3A_228, %swap3A_229] {strides = array<i32>} : memref<16x1024xf32, #tpu.memory_space<vmem>>, vector<16xf32>,
        tpu.vector_store %arg9[%swap3A_228, %swap3A_229], %mul3A_227 {strides = array<i32>} : memref<16x1024xf32, #tpu.memory_space<vmem>>, vector<16xf32>,
        %get3A_231 = arith.index_cast %scan3A_192 : i32 to index
        %get3A_232 = arith.constant 80 : index
        %get3A_233 = tpu.vector_load %arg9[%get3A_231, %get3A_232] {strides = array<i32>} : memref<16x1024xf32, #tpu.memory_space<vmem>>, vector<16xf32>,
        %mul3A_234 = arith.mulf %get3A_233, %gather3A : vector<16xf32>
        %swap3A_235 = arith.index_cast %scan3A_192 : i32 to index
        %swap3A_236 = arith.constant 80 : index
        %swap3A_237 = tpu.vector_load %arg9[%swap3A_235, %swap3A_236] {strides = array<i32>} : memref<16x1024xf32, #tpu.memory_space<vmem>>, vector<16xf32>,
        tpu.vector_store %arg9[%swap3A_235, %swap3A_236], %mul3A_234 {strides = array<i32>} : memref<16x1024xf32, #tpu.memory_space<vmem>>, vector<16xf32>,
        %get3A_238 = arith.index_cast %scan3A_192 : i32 to index
        %get3A_239 = arith.constant 96 : index
        %get3A_240 = tpu.vector_load %arg9[%get3A_238, %get3A_239] {strides = array<i32>} : memref<16x1024xf32, #tpu.memory_space<vmem>>, vector<16xf32>,
        %mul3A_241 = arith.mulf %get3A_240, %gather3A : vector<16xf32>
        %swap3A_242 = arith.index_cast %scan3A_192 : i32 to index
        %swap3A_243 = arith.constant 96 : index
        %swap3A_244 = tpu.vector_load %arg9[%swap3A_242, %swap3A_243] {strides = array<i32>} : memref<16x1024xf32, #tpu.memory_space<vmem>>, vector<16xf32>,
        tpu.vector_store %arg9[%swap3A_242, %swap3A_243], %mul3A_241 {strides = array<i32>} : memref<16x1024xf32, #tpu.memory_space<vmem>>, vector<16xf32>,
        %get3A_245 = arith.index_cast %scan3A_192 : i32 to index
        %get3A_246 = arith.constant 112 : index
        %get3A_247 = tpu.vector_load %arg9[%get3A_245, %get3A_246] {strides = array<i32>} : memref<16x1024xf32, #tpu.memory_space<vmem>>, vector<16xf32>,
        %mul3A_248 = arith.mulf %get3A_247, %gather3A : vector<16xf32>
        %swap3A_249 = arith.index_cast %scan3A_192 : i32 to index
        %swap3A_250 = arith.constant 112 : index
        %swap3A_251 = tpu.vector_load %arg9[%swap3A_249, %swap3A_250] {strides = array<i32>} : memref<16x1024xf32, #tpu.memory_space<vmem>>, vector<16xf32>,
        tpu.vector_store %arg9[%swap3A_249, %swap3A_250], %mul3A_248 {strides = array<i32>} : memref<16x1024xf32, #tpu.memory_space<vmem>>, vector<16xf32>,
        %get3A_252 = arith.index_cast %scan3A_192 : i32 to index
        %get3A_253 = arith.constant 128 : index
        %get3A_254 = tpu.vector_load %arg9[%get3A_252, %get3A_253] {strides = array<i32>} : memref<16x1024xf32, #tpu.memory_space<vmem>>, vector<16xf32>,
        %mul3A_255 = arith.mulf %get3A_254, %gather3A : vector<16xf32>
        %swap3A_256 = arith.index_cast %scan3A_192 : i32 to index
        %swap3A_257 = arith.constant 128 : index
        %swap3A_258 = tpu.vector_load %arg9[%swap3A_256, %swap3A_257] {strides = array<i32>} : memref<16x1024xf32, #tpu.memory_space<vmem>>, vector<16xf32>,
        tpu.vector_store %arg9[%swap3A_256, %swap3A_257], %mul3A_255 {strides = array<i32>} : memref<16x1024xf32, #tpu.memory_space<vmem>>, vector<16xf32>,
        %get3A_259 = arith.index_cast %scan3A_192 : i32 to index
        %get3A_260 = arith.constant 144 : index
        %get3A_261 = tpu.vector_load %arg9[%get3A_259, %get3A_260] {strides = array<i32>} : memref<16x1024xf32, #tpu.memory_space<vmem>>, vector<16xf32>,
        %mul3A_262 = arith.mulf %get3A_261, %gather3A : vector<16xf32>
        %swap3A_263 = arith.index_cast %scan3A_192 : i32 to index
        %swap3A_264 = arith.constant 144 : index
        %swap3A_265 = tpu.vector_load %arg9[%swap3A_263, %swap3A_264] {strides = array<i32>} : memref<16x1024xf32, #tpu.memory_space<vmem>>, vector<16xf32>,
        tpu.vector_store %arg9[%swap3A_263, %swap3A_264], %mul3A_262 {strides = array<i32>} : memref<16x1024xf32, #tpu.memory_space<vmem>>, vector<16xf32>,
        %get3A_266 = arith.index_cast %scan3A_192 : i32 to index
        %get3A_267 = arith.constant 160 : index
        %get3A_268 = tpu.vector_load %arg9[%get3A_266, %get3A_267] {strides = array<i32>} : memref<16x1024xf32, #tpu.memory_space<vmem>>, vector<16xf32>,
        %mul3A_269 = arith.mulf %get3A_268, %gather3A : vector<16xf32>
        %swap3A_270 = arith.index_cast %scan3A_192 : i32 to index
        %swap3A_271 = arith.constant 160 : index
        %swap3A_272 = tpu.vector_load %arg9[%swap3A_270, %swap3A_271] {strides = array<i32>} : memref<16x1024xf32, #tpu.memory_space<vmem>>, vector<16xf32>,
        tpu.vector_store %arg9[%swap3A_270, %swap3A_271], %mul3A_269 {strides = array<i32>} : memref<16x1024xf32, #tpu.memory_space<vmem>>, vector<16xf32>,
        %get3A_273 = arith.index_cast %scan3A_192 : i32 to index
        %get3A_274 = arith.constant 176 : index
        %get3A_275 = tpu.vector_load %arg9[%get3A_273, %get3A_274] {strides = array<i32>} : memref<16x1024xf32, #tpu.memory_space<vmem>>, vector<16xf32>,
        %mul3A_276 = arith.mulf %get3A_275, %gather3A : vector<16xf32>
        %swap3A_277 = arith.index_cast %scan3A_192 : i32 to index
        %swap3A_278 = arith.constant 176 : index
        %swap3A_279 = tpu.vector_load %arg9[%swap3A_277, %swap3A_278] {strides = array<i32>} : memref<16x1024xf32, #tpu.memory_space<vmem>>, vector<16xf32>,
        tpu.vector_store %arg9[%swap3A_277, %swap3A_278], %mul3A_276 {strides = array<i32>} : memref<16x1024xf32, #tpu.memory_space<vmem>>, vector<16xf32>,
        %get3A_280 = arith.index_cast %scan3A_192 : i32 to index
        %get3A_281 = arith.constant 192 : index
        %get3A_282 = tpu.vector_load %arg9[%get3A_280, %get3A_281] {strides = array<i32>} : memref<16x1024xf32, #tpu.memory_space<vmem>>, vector<16xf32>,
        %mul3A_283 = arith.mulf %get3A_282, %gather3A : vector<16xf32>
        %swap3A_284 = arith.index_cast %scan3A_192 : i32 to index
        %swap3A_285 = arith.constant 192 : index
        %swap3A_286 = tpu.vector_load %arg9[%swap3A_284, %swap3A_285] {strides = array<i32>} : memref<16x1024xf32, #tpu.memory_space<vmem>>, vector<16xf32>,
        tpu.vector_store %arg9[%swap3A_284, %swap3A_285], %mul3A_283 {strides = array<i32>} : memref<16x1024xf32, #tpu.memory_space<vmem>>, vector<16xf32>,
        %get3A_287 = arith.index_cast %scan3A_192 : i32 to index
        %get3A_288 = arith.constant 208 : index
        %get3A_289 = tpu.vector_load %arg9[%get3A_287, %get3A_288] {strides = array<i32>} : memref<16x1024xf32, #tpu.memory_space<vmem>>, vector<16xf32>,
        %mul3A_290 = arith.mulf %get3A_289, %gather3A : vector<16xf32>
        %swap3A_291 = arith.index_cast %scan3A_192 : i32 to index
        %swap3A_292 = arith.constant 208 : index
        %swap3A_293 = tpu.vector_load %arg9[%swap3A_291, %swap3A_292] {strides = array<i32>} : memref<16x1024xf32, #tpu.memory_space<vmem>>, vector<16xf32>,
        tpu.vector_store %arg9[%swap3A_291, %swap3A_292], %mul3A_290 {strides = array<i32>} : memref<16x1024xf32, #tpu.memory_space<vmem>>, vector<16xf32>,
        %get3A_294 = arith.index_cast %scan3A_192 : i32 to index
        %get3A_295 = arith.constant 224 : index
        %get3A_296 = tpu.vector_load %arg9[%get3A_294, %get3A_295] {strides = array<i32>} : memref<16x1024xf32, #tpu.memory_space<vmem>>, vector<16xf32>,
        %mul3A_297 = arith.mulf %get3A_296, %gather3A : vector<16xf32>
        %swap3A_298 = arith.index_cast %scan3A_192 : i32 to index
        %swap3A_299 = arith.constant 224 : index
        %swap3A_300 = tpu.vector_load %arg9[%swap3A_298, %swap3A_299] {strides = array<i32>} : memref<16x1024xf32, #tpu.memory_space<vmem>>, vector<16xf32>,
        tpu.vector_store %arg9[%swap3A_298, %swap3A_299], %mul3A_297 {strides = array<i32>} : memref<16x1024xf32, #tpu.memory_space<vmem>>, vector<16xf32>,
        %get3A_301 = arith.index_cast %scan3A_192 : i32 to index
        %get3A_302 = arith.constant 240 : index
        %get3A_303 = tpu.vector_load %arg9[%get3A_301, %get3A_302] {strides = array<i32>} : memref<16x1024xf32, #tpu.memory_space<vmem>>, vector<16xf32>,
        %mul3A_304 = arith.mulf %get3A_303, %gather3A : vector<16xf32>
        %swap3A_305 = arith.index_cast %scan3A_192 : i32 to index
        %swap3A_306 = arith.constant 240 : index
        %swap3A_307 = tpu.vector_load %arg9[%swap3A_305, %swap3A_306] {strides = array<i32>} : memref<16x1024xf32, #tpu.memory_space<vmem>>, vector<16xf32>,
        tpu.vector_store %arg9[%swap3A_305, %swap3A_306], %mul3A_304 {strides = array<i32>} : memref<16x1024xf32, #tpu.memory_space<vmem>>, vector<16xf32>,
        %get3A_308 = arith.index_cast %scan3A_192 : i32 to index
        %get3A_309 = arith.constant 256 : index
        %get3A_310 = tpu.vector_load %arg9[%get3A_308, %get3A_309] {strides = array<i32>} : memref<16x1024xf32, #tpu.memory_space<vmem>>, vector<16xf32>,
        %mul3A_311 = arith.mulf %get3A_310, %gather3A : vector<16xf32>
        %swap3A_312 = arith.index_cast %scan3A_192 : i32 to index
        %swap3A_313 = arith.constant 256 : index
        %swap3A_314 = tpu.vector_load %arg9[%swap3A_312, %swap3A_313] {strides = array<i32>} : memref<16x1024xf32, #tpu.memory_space<vmem>>, vector<16xf32>,
        tpu.vector_store %arg9[%swap3A_312, %swap3A_313], %mul3A_311 {strides = array<i32>} : memref<16x1024xf32, #tpu.memory_space<vmem>>, vector<16xf32>,
        %get3A_315 = arith.index_cast %scan3A_192 : i32 to index
        %get3A_316 = arith.constant 272 : index
        %get3A_317 = tpu.vector_load %arg9[%get3A_315, %get3A_316] {strides = array<i32>} : memref<16x1024xf32, #tpu.memory_space<vmem>>, vector<16xf32>,
        %mul3A_318 = arith.mulf %get3A_317, %gather3A : vector<16xf32>
        %swap3A_319 = arith.index_cast %scan3A_192 : i32 to index
        %swap3A_320 = arith.constant 272 : index
        %swap3A_321 = tpu.vector_load %arg9[%swap3A_319, %swap3A_320] {strides = array<i32>} : memref<16x1024xf32, #tpu.memory_space<vmem>>, vector<16xf32>,
        tpu.vector_store %arg9[%swap3A_319, %swap3A_320], %mul3A_318 {strides = array<i32>} : memref<16x1024xf32, #tpu.memory_space<vmem>>, vector<16xf32>,
        %get3A_322 = arith.index_cast %scan3A_192 : i32 to index
        %get3A_323 = arith.constant 288 : index
        %get3A_324 = tpu.vector_load %arg9[%get3A_322, %get3A_323] {strides = array<i32>} : memref<16x1024xf32, #tpu.memory_space<vmem>>, vector<16xf32>,
        %mul3A_325 = arith.mulf %get3A_324, %gather3A : vector<16xf32>
        %swap3A_326 = arith.index_cast %scan3A_192 : i32 to index
        %swap3A_327 = arith.constant 288 : index
        %swap3A_328 = tpu.vector_load %arg9[%swap3A_326, %swap3A_327] {strides = array<i32>} : memref<16x1024xf32, #tpu.memory_space<vmem>>, vector<16xf32>,
        tpu.vector_store %arg9[%swap3A_326, %swap3A_327], %mul3A_325 {strides = array<i32>} : memref<16x1024xf32, #tpu.memory_space<vmem>>, vector<16xf32>,
        %get3A_329 = arith.index_cast %scan3A_192 : i32 to index
        %get3A_330 = arith.constant 304 : index
        %get3A_331 = tpu.vector_load %arg9[%get3A_329, %get3A_330] {strides = array<i32>} : memref<16x1024xf32, #tpu.memory_space<vmem>>, vector<16xf32>,
        %mul3A_332 = arith.mulf %get3A_331, %gather3A : vector<16xf32>
        %swap3A_333 = arith.index_cast %scan3A_192 : i32 to index
        %swap3A_334 = arith.constant 304 : index
        %swap3A_335 = tpu.vector_load %arg9[%swap3A_333, %swap3A_334] {strides = array<i32>} : memref<16x1024xf32, #tpu.memory_space<vmem>>, vector<16xf32>,
        tpu.vector_store %arg9[%swap3A_333, %swap3A_334], %mul3A_332 {strides = array<i32>} : memref<16x1024xf32, #tpu.memory_space<vmem>>, vector<16xf32>,
        %get3A_336 = arith.index_cast %scan3A_192 : i32 to index
        %get3A_337 = arith.constant 320 : index
        %get3A_338 = tpu.vector_load %arg9[%get3A_336, %get3A_337] {strides = array<i32>} : memref<16x1024xf32, #tpu.memory_space<vmem>>, vector<16xf32>,
        %mul3A_339 = arith.mulf %get3A_338, %gather3A : vector<16xf32>
        %swap3A_340 = arith.index_cast %scan3A_192 : i32 to index
        %swap3A_341 = arith.constant 320 : index
        %swap3A_342 = tpu.vector_load %arg9[%swap3A_340, %swap3A_341] {strides = array<i32>} : memref<16x1024xf32, #tpu.memory_space<vmem>>, vector<16xf32>,
        tpu.vector_store %arg9[%swap3A_340, %swap3A_341], %mul3A_339 {strides = array<i32>} : memref<16x1024xf32, #tpu.memory_space<vmem>>, vector<16xf32>,
        %get3A_343 = arith.index_cast %scan3A_192 : i32 to index
        %get3A_344 = arith.constant 336 : index
        %get3A_345 = tpu.vector_load %arg9[%get3A_343, %get3A_344] {strides = array<i32>} : memref<16x1024xf32, #tpu.memory_space<vmem>>, vector<16xf32>,
        %mul3A_346 = arith.mulf %get3A_345, %gather3A : vector<16xf32>
        %swap3A_347 = arith.index_cast %scan3A_192 : i32 to index
        %swap3A_348 = arith.constant 336 : index
        %swap3A_349 = tpu.vector_load %arg9[%swap3A_347, %swap3A_348] {strides = array<i32>} : memref<16x1024xf32, #tpu.memory_space<vmem>>, vector<16xf32>,
        tpu.vector_store %arg9[%swap3A_347, %swap3A_348], %mul3A_346 {strides = array<i32>} : memref<16x1024xf32, #tpu.memory_space<vmem>>, vector<16xf32>,
        %get3A_350 = arith.index_cast %scan3A_192 : i32 to index
        %get3A_351 = arith.constant 352 : index
        %get3A_352 = tpu.vector_load %arg9[%get3A_350, %get3A_351] {strides = array<i32>} : memref<16x1024xf32, #tpu.memory_space<vmem>>, vector<16xf32>,
        %mul3A_353 = arith.mulf %get3A_352, %gather3A : vector<16xf32>
        %swap3A_354 = arith.index_cast %scan3A_192 : i32 to index
        %swap3A_355 = arith.constant 352 : index
        %swap3A_356 = tpu.vector_load %arg9[%swap3A_354, %swap3A_355] {strides = array<i32>} : memref<16x1024xf32, #tpu.memory_space<vmem>>, vector<16xf32>,
        tpu.vector_store %arg9[%swap3A_354, %swap3A_355], %mul3A_353 {strides = array<i32>} : memref<16x1024xf32, #tpu.memory_space<vmem>>, vector<16xf32>,
        %get3A_357 = arith.index_cast %scan3A_192 : i32 to index
        %get3A_358 = arith.constant 368 : index
        %get3A_359 = tpu.vector_load %arg9[%get3A_357, %get3A_358] {strides = array<i32>} : memref<16x1024xf32, #tpu.memory_space<vmem>>, vector<16xf32>,
        %mul3A_360 = arith.mulf %get3A_359, %gather3A : vector<16xf32>
        %swap3A_361 = arith.index_cast %scan3A_192 : i32 to index
        %swap3A_362 = arith.constant 368 : index
        %swap3A_363 = tpu.vector_load %arg9[%swap3A_361, %swap3A_362] {strides = array<i32>} : memref<16x1024xf32, #tpu.memory_space<vmem>>, vector<16xf32>,
        tpu.vector_store %arg9[%swap3A_361, %swap3A_362], %mul3A_360 {strides = array<i32>} : memref<16x1024xf32, #tpu.memory_space<vmem>>, vector<16xf32>,
        %get3A_364 = arith.index_cast %scan3A_192 : i32 to index
        %get3A_365 = arith.constant 384 : index
        %get3A_366 = tpu.vector_load %arg9[%get3A_364, %get3A_365] {strides = array<i32>} : memref<16x1024xf32, #tpu.memory_space<vmem>>, vector<16xf32>,
        %mul3A_367 = arith.mulf %get3A_366, %gather3A : vector<16xf32>
        %swap3A_368 = arith.index_cast %scan3A_192 : i32 to index
        %swap3A_369 = arith.constant 384 : index
        %swap3A_370 = tpu.vector_load %arg9[%swap3A_368, %swap3A_369] {strides = array<i32>} : memref<16x1024xf32, #tpu.memory_space<vmem>>, vector<16xf32>,
        tpu.vector_store %arg9[%swap3A_368, %swap3A_369], %mul3A_367 {strides = array<i32>} : memref<16x1024xf32, #tpu.memory_space<vmem>>, vector<16xf32>,
        %get3A_371 = arith.index_cast %scan3A_192 : i32 to index
        %get3A_372 = arith.constant 400 : index
        %get3A_373 = tpu.vector_load %arg9[%get3A_371, %get3A_372] {strides = array<i32>} : memref<16x1024xf32, #tpu.memory_space<vmem>>, vector<16xf32>,
        %mul3A_374 = arith.mulf %get3A_373, %gather3A : vector<16xf32>
        %swap3A_375 = arith.index_cast %scan3A_192 : i32 to index
        %swap3A_376 = arith.constant 400 : index
        %swap3A_377 = tpu.vector_load %arg9[%swap3A_375, %swap3A_376] {strides = array<i32>} : memref<16x1024xf32, #tpu.memory_space<vmem>>, vector<16xf32>,
        tpu.vector_store %arg9[%swap3A_375, %swap3A_376], %mul3A_374 {strides = array<i32>} : memref<16x1024xf32, #tpu.memory_space<vmem>>, vector<16xf32>,
        %get3A_378 = arith.index_cast %scan3A_192 : i32 to index
        %get3A_379 = arith.constant 416 : index
        %get3A_380 = tpu.vector_load %arg9[%get3A_378, %get3A_379] {strides = array<i32>} : memref<16x1024xf32, #tpu.memory_space<vmem>>, vector<16xf32>,
        %mul3A_381 = arith.mulf %get3A_380, %gather3A : vector<16xf32>
        %swap3A_382 = arith.index_cast %scan3A_192 : i32 to index
        %swap3A_383 = arith.constant 416 : index
        %swap3A_384 = tpu.vector_load %arg9[%swap3A_382, %swap3A_383] {strides = array<i32>} : memref<16x1024xf32, #tpu.memory_space<vmem>>, vector<16xf32>,
        tpu.vector_store %arg9[%swap3A_382, %swap3A_383], %mul3A_381 {strides = array<i32>} : memref<16x1024xf32, #tpu.memory_space<vmem>>, vector<16xf32>,
        %get3A_385 = arith.index_cast %scan3A_192 : i32 to index
        %get3A_386 = arith.constant 432 : index
        %get3A_387 = tpu.vector_load %arg9[%get3A_385, %get3A_386] {strides = array<i32>} : memref<16x1024xf32, #tpu.memory_space<vmem>>, vector<16xf32>,
        %mul3A_388 = arith.mulf %get3A_387, %gather3A : vector<16xf32>
        %swap3A_389 = arith.index_cast %scan3A_192 : i32 to index
        %swap3A_390 = arith.constant 432 : index
        %swap3A_391 = tpu.vector_load %arg9[%swap3A_389, %swap3A_390] {strides = array<i32>} : memref<16x1024xf32, #tpu.memory_space<vmem>>, vector<16xf32>,
        tpu.vector_store %arg9[%swap3A_389, %swap3A_390], %mul3A_388 {strides = array<i32>} : memref<16x1024xf32, #tpu.memory_space<vmem>>, vector<16xf32>,
        %get3A_392 = arith.index_cast %scan3A_192 : i32 to index
        %get3A_393 = arith.constant 448 : index
        %get3A_394 = tpu.vector_load %arg9[%get3A_392, %get3A_393] {strides = array<i32>} : memref<16x1024xf32, #tpu.memory_space<vmem>>, vector<16xf32>,
        %mul3A_395 = arith.mulf %get3A_394, %gather3A : vector<16xf32>
        %swap3A_396 = arith.index_cast %scan3A_192 : i32 to index
        %swap3A_397 = arith.constant 448 : index
        %swap3A_398 = tpu.vector_load %arg9[%swap3A_396, %swap3A_397] {strides = array<i32>} : memref<16x1024xf32, #tpu.memory_space<vmem>>, vector<16xf32>,
        tpu.vector_store %arg9[%swap3A_396, %swap3A_397], %mul3A_395 {strides = array<i32>} : memref<16x1024xf32, #tpu.memory_space<vmem>>, vector<16xf32>,
        %get3A_399 = arith.index_cast %scan3A_192 : i32 to index
        %get3A_400 = arith.constant 464 : index
        %get3A_401 = tpu.vector_load %arg9[%get3A_399, %get3A_400] {strides = array<i32>} : memref<16x1024xf32, #tpu.memory_space<vmem>>, vector<16xf32>,
        %mul3A_402 = arith.mulf %get3A_401, %gather3A : vector<16xf32>
        %swap3A_403 = arith.index_cast %scan3A_192 : i32 to index
        %swap3A_404 = arith.constant 464 : index
        %swap3A_405 = tpu.vector_load %arg9[%swap3A_403, %swap3A_404] {strides = array<i32>} : memref<16x1024xf32, #tpu.memory_space<vmem>>, vector<16xf32>,
        tpu.vector_store %arg9[%swap3A_403, %swap3A_404], %mul3A_402 {strides = array<i32>} : memref<16x1024xf32, #tpu.memory_space<vmem>>, vector<16xf32>,
        %get3A_406 = arith.index_cast %scan3A_192 : i32 to index
        %get3A_407 = arith.constant 480 : index
        %get3A_408 = tpu.vector_load %arg9[%get3A_406, %get3A_407] {strides = array<i32>} : memref<16x1024xf32, #tpu.memory_space<vmem>>, vector<16xf32>,
        %mul3A_409 = arith.mulf %get3A_408, %gather3A : vector<16xf32>
        %swap3A_410 = arith.index_cast %scan3A_192 : i32 to index
        %swap3A_411 = arith.constant 480 : index
        %swap3A_412 = tpu.vector_load %arg9[%swap3A_410, %swap3A_411] {strides = array<i32>} : memref<16x1024xf32, #tpu.memory_space<vmem>>, vector<16xf32>,
        tpu.vector_store %arg9[%swap3A_410, %swap3A_411], %mul3A_409 {strides = array<i32>} : memref<16x1024xf32, #tpu.memory_space<vmem>>, vector<16xf32>,
        %get3A_413 = arith.index_cast %scan3A_192 : i32 to index
        %get3A_414 = arith.constant 496 : index
        %get3A_415 = tpu.vector_load %arg9[%get3A_413, %get3A_414] {strides = array<i32>} : memref<16x1024xf32, #tpu.memory_space<vmem>>, vector<16xf32>,
        %mul3A_416 = arith.mulf %get3A_415, %gather3A : vector<16xf32>
        %swap3A_417 = arith.index_cast %scan3A_192 : i32 to index
        %swap3A_418 = arith.constant 496 : index
        %swap3A_419 = tpu.vector_load %arg9[%swap3A_417, %swap3A_418] {strides = array<i32>} : memref<16x1024xf32, #tpu.memory_space<vmem>>, vector<16xf32>,
        tpu.vector_store %arg9[%swap3A_417, %swap3A_418], %mul3A_416 {strides = array<i32>} : memref<16x1024xf32, #tpu.memory_space<vmem>>, vector<16xf32>,
        %get3A_420 = arith.index_cast %scan3A_192 : i32 to index
        %get3A_421 = arith.constant 512 : index
        %get3A_422 = tpu.vector_load %arg9[%get3A_420, %get3A_421] {strides = array<i32>} : memref<16x1024xf32, #tpu.memory_space<vmem>>, vector<16xf32>,
        %mul3A_423 = arith.mulf %get3A_422, %gather3A : vector<16xf32>
        %swap3A_424 = arith.index_cast %scan3A_192 : i32 to index
        %swap3A_425 = arith.constant 512 : index
        %swap3A_426 = tpu.vector_load %arg9[%swap3A_424, %swap3A_425] {strides = array<i32>} : memref<16x1024xf32, #tpu.memory_space<vmem>>, vector<16xf32>,
        tpu.vector_store %arg9[%swap3A_424, %swap3A_425], %mul3A_423 {strides = array<i32>} : memref<16x1024xf32, #tpu.memory_space<vmem>>, vector<16xf32>,
        %get3A_427 = arith.index_cast %scan3A_192 : i32 to index
        %get3A_428 = arith.constant 528 : index
        %get3A_429 = tpu.vector_load %arg9[%get3A_427, %get3A_428] {strides = array<i32>} : memref<16x1024xf32, #tpu.memory_space<vmem>>, vector<16xf32>,
        %mul3A_430 = arith.mulf %get3A_429, %gather3A : vector<16xf32>
        %swap3A_431 = arith.index_cast %scan3A_192 : i32 to index
        %swap3A_432 = arith.constant 528 : index
        %swap3A_433 = tpu.vector_load %arg9[%swap3A_431, %swap3A_432] {strides = array<i32>} : memref<16x1024xf32, #tpu.memory_space<vmem>>, vector<16xf32>,
        tpu.vector_store %arg9[%swap3A_431, %swap3A_432], %mul3A_430 {strides = array<i32>} : memref<16x1024xf32, #tpu.memory_space<vmem>>, vector<16xf32>,
        %get3A_434 = arith.index_cast %scan3A_192 : i32 to index
        %get3A_435 = arith.constant 544 : index
        %get3A_436 = tpu.vector_load %arg9[%get3A_434, %get3A_435] {strides = array<i32>} : memref<16x1024xf32, #tpu.memory_space<vmem>>, vector<16xf32>,
        %mul3A_437 = arith.mulf %get3A_436, %gather3A : vector<16xf32>
        %swap3A_438 = arith.index_cast %scan3A_192 : i32 to index
        %swap3A_439 = arith.constant 544 : index
        %swap3A_440 = tpu.vector_load %arg9[%swap3A_438, %swap3A_439] {strides = array<i32>} : memref<16x1024xf32, #tpu.memory_space<vmem>>, vector<16xf32>,
        tpu.vector_store %arg9[%swap3A_438, %swap3A_439], %mul3A_437 {strides = array<i32>} : memref<16x1024xf32, #tpu.memory_space<vmem>>, vector<16xf32>,
        %get3A_441 = arith.index_cast %scan3A_192 : i32 to index
        %get3A_442 = arith.constant 560 : index
        %get3A_443 = tpu.vector_load %arg9[%get3A_441, %get3A_442] {strides = array<i32>} : memref<16x1024xf32, #tpu.memory_space<vmem>>, vector<16xf32>,
        %mul3A_444 = arith.mulf %get3A_443, %gather3A : vector<16xf32>
        %swap3A_445 = arith.index_cast %scan3A_192 : i32 to index
        %swap3A_446 = arith.constant 560 : index
        %swap3A_447 = tpu.vector_load %arg9[%swap3A_445, %swap3A_446] {strides = array<i32>} : memref<16x1024xf32, #tpu.memory_space<vmem>>, vector<16xf32>,
        tpu.vector_store %arg9[%swap3A_445, %swap3A_446], %mul3A_444 {strides = array<i32>} : memref<16x1024xf32, #tpu.memory_space<vmem>>, vector<16xf32>,
        %get3A_448 = arith.index_cast %scan3A_192 : i32 to index
        %get3A_449 = arith.constant 576 : index
        %get3A_450 = tpu.vector_load %arg9[%get3A_448, %get3A_449] {strides = array<i32>} : memref<16x1024xf32, #tpu.memory_space<vmem>>, vector<16xf32>,
        %mul3A_451 = arith.mulf %get3A_450, %gather3A : vector<16xf32>
        %swap3A_452 = arith.index_cast %scan3A_192 : i32 to index
        %swap3A_453 = arith.constant 576 : index
        %swap3A_454 = tpu.vector_load %arg9[%swap3A_452, %swap3A_453] {strides = array<i32>} : memref<16x1024xf32, #tpu.memory_space<vmem>>, vector<16xf32>,
        tpu.vector_store %arg9[%swap3A_452, %swap3A_453], %mul3A_451 {strides = array<i32>} : memref<16x1024xf32, #tpu.memory_space<vmem>>, vector<16xf32>,
        %get3A_455 = arith.index_cast %scan3A_192 : i32 to index
        %get3A_456 = arith.constant 592 : index
        %get3A_457 = tpu.vector_load %arg9[%get3A_455, %get3A_456] {strides = array<i32>} : memref<16x1024xf32, #tpu.memory_space<vmem>>, vector<16xf32>,
        %mul3A_458 = arith.mulf %get3A_457, %gather3A : vector<16xf32>
        %swap3A_459 = arith.index_cast %scan3A_192 : i32 to index
        %swap3A_460 = arith.constant 592 : index
        %swap3A_461 = tpu.vector_load %arg9[%swap3A_459, %swap3A_460] {strides = array<i32>} : memref<16x1024xf32, #tpu.memory_space<vmem>>, vector<16xf32>,
        tpu.vector_store %arg9[%swap3A_459, %swap3A_460], %mul3A_458 {strides = array<i32>} : memref<16x1024xf32, #tpu.memory_space<vmem>>, vector<16xf32>,
        %get3A_462 = arith.index_cast %scan3A_192 : i32 to index
        %get3A_463 = arith.constant 608 : index
        %get3A_464 = tpu.vector_load %arg9[%get3A_462, %get3A_463] {strides = array<i32>} : memref<16x1024xf32, #tpu.memory_space<vmem>>, vector<16xf32>,
        %mul3A_465 = arith.mulf %get3A_464, %gather3A : vector<16xf32>
        %swap3A_466 = arith.index_cast %scan3A_192 : i32 to index
        %swap3A_467 = arith.constant 608 : index
        %swap3A_468 = tpu.vector_load %arg9[%swap3A_466, %swap3A_467] {strides = array<i32>} : memref<16x1024xf32, #tpu.memory_space<vmem>>, vector<16xf32>,
        tpu.vector_store %arg9[%swap3A_466, %swap3A_467], %mul3A_465 {strides = array<i32>} : memref<16x1024xf32, #tpu.memory_space<vmem>>, vector<16xf32>,
        %get3A_469 = arith.index_cast %scan3A_192 : i32 to index
        %get3A_470 = arith.constant 624 : index
        %get3A_471 = tpu.vector_load %arg9[%get3A_469, %get3A_470] {strides = array<i32>} : memref<16x1024xf32, #tpu.memory_space<vmem>>, vector<16xf32>,
        %mul3A_472 = arith.mulf %get3A_471, %gather3A : vector<16xf32>
        %swap3A_473 = arith.index_cast %scan3A_192 : i32 to index
        %swap3A_474 = arith.constant 624 : index
        %swap3A_475 = tpu.vector_load %arg9[%swap3A_473, %swap3A_474] {strides = array<i32>} : memref<16x1024xf32, #tpu.memory_space<vmem>>, vector<16xf32>,
        tpu.vector_store %arg9[%swap3A_473, %swap3A_474], %mul3A_472 {strides = array<i32>} : memref<16x1024xf32, #tpu.memory_space<vmem>>, vector<16xf32>,
        %get3A_476 = arith.index_cast %scan3A_192 : i32 to index
        %get3A_477 = arith.constant 640 : index
        %get3A_478 = tpu.vector_load %arg9[%get3A_476, %get3A_477] {strides = array<i32>} : memref<16x1024xf32, #tpu.memory_space<vmem>>, vector<16xf32>,
        %mul3A_479 = arith.mulf %get3A_478, %gather3A : vector<16xf32>
        %swap3A_480 = arith.index_cast %scan3A_192 : i32 to index
        %swap3A_481 = arith.constant 640 : index
        %swap3A_482 = tpu.vector_load %arg9[%swap3A_480, %swap3A_481] {strides = array<i32>} : memref<16x1024xf32, #tpu.memory_space<vmem>>, vector<16xf32>,
        tpu.vector_store %arg9[%swap3A_480, %swap3A_481], %mul3A_479 {strides = array<i32>} : memref<16x1024xf32, #tpu.memory_space<vmem>>, vector<16xf32>,
        %get3A_483 = arith.index_cast %scan3A_192 : i32 to index
        %get3A_484 = arith.constant 656 : index
        %get3A_485 = tpu.vector_load %arg9[%get3A_483, %get3A_484] {strides = array<i32>} : memref<16x1024xf32, #tpu.memory_space<vmem>>, vector<16xf32>,
        %mul3A_486 = arith.mulf %get3A_485, %gather3A : vector<16xf32>
        %swap3A_487 = arith.index_cast %scan3A_192 : i32 to index
        %swap3A_488 = arith.constant 656 : index
        %swap3A_489 = tpu.vector_load %arg9[%swap3A_487, %swap3A_488] {strides = array<i32>} : memref<16x1024xf32, #tpu.memory_space<vmem>>, vector<16xf32>,
        tpu.vector_store %arg9[%swap3A_487, %swap3A_488], %mul3A_486 {strides = array<i32>} : memref<16x1024xf32, #tpu.memory_space<vmem>>, vector<16xf32>,
        %get3A_490 = arith.index_cast %scan3A_192 : i32 to index
        %get3A_491 = arith.constant 672 : index
        %get3A_492 = tpu.vector_load %arg9[%get3A_490, %get3A_491] {strides = array<i32>} : memref<16x1024xf32, #tpu.memory_space<vmem>>, vector<16xf32>,
        %mul3A_493 = arith.mulf %get3A_492, %gather3A : vector<16xf32>
        %swap3A_494 = arith.index_cast %scan3A_192 : i32 to index
        %swap3A_495 = arith.constant 672 : index
        %swap3A_496 = tpu.vector_load %arg9[%swap3A_494, %swap3A_495] {strides = array<i32>} : memref<16x1024xf32, #tpu.memory_space<vmem>>, vector<16xf32>,
        tpu.vector_store %arg9[%swap3A_494, %swap3A_495], %mul3A_493 {strides = array<i32>} : memref<16x1024xf32, #tpu.memory_space<vmem>>, vector<16xf32>,
        %get3A_497 = arith.index_cast %scan3A_192 : i32 to index
        %get3A_498 = arith.constant 688 : index
        %get3A_499 = tpu.vector_load %arg9[%get3A_497, %get3A_498] {strides = array<i32>} : memref<16x1024xf32, #tpu.memory_space<vmem>>, vector<16xf32>,
        %mul3A_500 = arith.mulf %get3A_499, %gather3A : vector<16xf32>
        %swap3A_501 = arith.index_cast %scan3A_192 : i32 to index
        %swap3A_502 = arith.constant 688 : index
        %swap3A_503 = tpu.vector_load %arg9[%swap3A_501, %swap3A_502] {strides = array<i32>} : memref<16x1024xf32, #tpu.memory_space<vmem>>, vector<16xf32>,
        tpu.vector_store %arg9[%swap3A_501, %swap3A_502], %mul3A_500 {strides = array<i32>} : memref<16x1024xf32, #tpu.memory_space<vmem>>, vector<16xf32>,
        %get3A_504 = arith.index_cast %scan3A_192 : i32 to index
        %get3A_505 = arith.constant 704 : index
        %get3A_506 = tpu.vector_load %arg9[%get3A_504, %get3A_505] {strides = array<i32>} : memref<16x1024xf32, #tpu.memory_space<vmem>>, vector<16xf32>,
        %mul3A_507 = arith.mulf %get3A_506, %gather3A : vector<16xf32>
        %swap3A_508 = arith.index_cast %scan3A_192 : i32 to index
        %swap3A_509 = arith.constant 704 : index
        %swap3A_510 = tpu.vector_load %arg9[%swap3A_508, %swap3A_509] {strides = array<i32>} : memref<16x1024xf32, #tpu.memory_space<vmem>>, vector<16xf32>,
        tpu.vector_store %arg9[%swap3A_508, %swap3A_509], %mul3A_507 {strides = array<i32>} : memref<16x1024xf32, #tpu.memory_space<vmem>>, vector<16xf32>,
        %get3A_511 = arith.index_cast %scan3A_192 : i32 to index
        %get3A_512 = arith.constant 720 : index
        %get3A_513 = tpu.vector_load %arg9[%get3A_511, %get3A_512] {strides = array<i32>} : memref<16x1024xf32, #tpu.memory_space<vmem>>, vector<16xf32>,
        %mul3A_514 = arith.mulf %get3A_513, %gather3A : vector<16xf32>
        %swap3A_515 = arith.index_cast %scan3A_192 : i32 to index
        %swap3A_516 = arith.constant 720 : index
        %swap3A_517 = tpu.vector_load %arg9[%swap3A_515, %swap3A_516] {strides = array<i32>} : memref<16x1024xf32, #tpu.memory_space<vmem>>, vector<16xf32>,
        tpu.vector_store %arg9[%swap3A_515, %swap3A_516], %mul3A_514 {strides = array<i32>} : memref<16x1024xf32, #tpu.memory_space<vmem>>, vector<16xf32>,
        %get3A_518 = arith.index_cast %scan3A_192 : i32 to index
        %get3A_519 = arith.constant 736 : index
        %get3A_520 = tpu.vector_load %arg9[%get3A_518, %get3A_519] {strides = array<i32>} : memref<16x1024xf32, #tpu.memory_space<vmem>>, vector<16xf32>,
        %mul3A_521 = arith.mulf %get3A_520, %gather3A : vector<16xf32>
        %swap3A_522 = arith.index_cast %scan3A_192 : i32 to index
        %swap3A_523 = arith.constant 736 : index
        %swap3A_524 = tpu.vector_load %arg9[%swap3A_522, %swap3A_523] {strides = array<i32>} : memref<16x1024xf32, #tpu.memory_space<vmem>>, vector<16xf32>,
        tpu.vector_store %arg9[%swap3A_522, %swap3A_523], %mul3A_521 {strides = array<i32>} : memref<16x1024xf32, #tpu.memory_space<vmem>>, vector<16xf32>,
        %get3A_525 = arith.index_cast %scan3A_192 : i32 to index
        %get3A_526 = arith.constant 752 : index
        %get3A_527 = tpu.vector_load %arg9[%get3A_525, %get3A_526] {strides = array<i32>} : memref<16x1024xf32, #tpu.memory_space<vmem>>, vector<16xf32>,
        %mul3A_528 = arith.mulf %get3A_527, %gather3A : vector<16xf32>
        %swap3A_529 = arith.index_cast %scan3A_192 : i32 to index
        %swap3A_530 = arith.constant 752 : index
        %swap3A_531 = tpu.vector_load %arg9[%swap3A_529, %swap3A_530] {strides = array<i32>} : memref<16x1024xf32, #tpu.memory_space<vmem>>, vector<16xf32>,
        tpu.vector_store %arg9[%swap3A_529, %swap3A_530], %mul3A_528 {strides = array<i32>} : memref<16x1024xf32, #tpu.memory_space<vmem>>, vector<16xf32>,
        %get3A_532 = arith.index_cast %scan3A_192 : i32 to index
        %get3A_533 = arith.constant 768 : index
        %get3A_534 = tpu.vector_load %arg9[%get3A_532, %get3A_533] {strides = array<i32>} : memref<16x1024xf32, #tpu.memory_space<vmem>>, vector<16xf32>,
        %mul3A_535 = arith.mulf %get3A_534, %gather3A : vector<16xf32>
        %swap3A_536 = arith.index_cast %scan3A_192 : i32 to index
        %swap3A_537 = arith.constant 768 : index
        %swap3A_538 = tpu.vector_load %arg9[%swap3A_536, %swap3A_537] {strides = array<i32>} : memref<16x1024xf32, #tpu.memory_space<vmem>>, vector<16xf32>,
        tpu.vector_store %arg9[%swap3A_536, %swap3A_537], %mul3A_535 {strides = array<i32>} : memref<16x1024xf32, #tpu.memory_space<vmem>>, vector<16xf32>,
        %get3A_539 = arith.index_cast %scan3A_192 : i32 to index
        %get3A_540 = arith.constant 784 : index
        %get3A_541 = tpu.vector_load %arg9[%get3A_539, %get3A_540] {strides = array<i32>} : memref<16x1024xf32, #tpu.memory_space<vmem>>, vector<16xf32>,
        %mul3A_542 = arith.mulf %get3A_541, %gather3A : vector<16xf32>
        %swap3A_543 = arith.index_cast %scan3A_192 : i32 to index
        %swap3A_544 = arith.constant 784 : index
        %swap3A_545 = tpu.vector_load %arg9[%swap3A_543, %swap3A_544] {strides = array<i32>} : memref<16x1024xf32, #tpu.memory_space<vmem>>, vector<16xf32>,
        tpu.vector_store %arg9[%swap3A_543, %swap3A_544], %mul3A_542 {strides = array<i32>} : memref<16x1024xf32, #tpu.memory_space<vmem>>, vector<16xf32>,
        %get3A_546 = arith.index_cast %scan3A_192 : i32 to index
        %get3A_547 = arith.constant 800 : index
        %get3A_548 = tpu.vector_load %arg9[%get3A_546, %get3A_547] {strides = array<i32>} : memref<16x1024xf32, #tpu.memory_space<vmem>>, vector<16xf32>,
        %mul3A_549 = arith.mulf %get3A_548, %gather3A : vector<16xf32>
        %swap3A_550 = arith.index_cast %scan3A_192 : i32 to index
        %swap3A_551 = arith.constant 800 : index
        %swap3A_552 = tpu.vector_load %arg9[%swap3A_550, %swap3A_551] {strides = array<i32>} : memref<16x1024xf32, #tpu.memory_space<vmem>>, vector<16xf32>,
        tpu.vector_store %arg9[%swap3A_550, %swap3A_551], %mul3A_549 {strides = array<i32>} : memref<16x1024xf32, #tpu.memory_space<vmem>>, vector<16xf32>,
        %get3A_553 = arith.index_cast %scan3A_192 : i32 to index
        %get3A_554 = arith.constant 816 : index
        %get3A_555 = tpu.vector_load %arg9[%get3A_553, %get3A_554] {strides = array<i32>} : memref<16x1024xf32, #tpu.memory_space<vmem>>, vector<16xf32>,
        %mul3A_556 = arith.mulf %get3A_555, %gather3A : vector<16xf32>
        %swap3A_557 = arith.index_cast %scan3A_192 : i32 to index
        %swap3A_558 = arith.constant 816 : index
        %swap3A_559 = tpu.vector_load %arg9[%swap3A_557, %swap3A_558] {strides = array<i32>} : memref<16x1024xf32, #tpu.memory_space<vmem>>, vector<16xf32>,
        tpu.vector_store %arg9[%swap3A_557, %swap3A_558], %mul3A_556 {strides = array<i32>} : memref<16x1024xf32, #tpu.memory_space<vmem>>, vector<16xf32>,
        %get3A_560 = arith.index_cast %scan3A_192 : i32 to index
        %get3A_561 = arith.constant 832 : index
        %get3A_562 = tpu.vector_load %arg9[%get3A_560, %get3A_561] {strides = array<i32>} : memref<16x1024xf32, #tpu.memory_space<vmem>>, vector<16xf32>,
        %mul3A_563 = arith.mulf %get3A_562, %gather3A : vector<16xf32>
        %swap3A_564 = arith.index_cast %scan3A_192 : i32 to index
        %swap3A_565 = arith.constant 832 : index
        %swap3A_566 = tpu.vector_load %arg9[%swap3A_564, %swap3A_565] {strides = array<i32>} : memref<16x1024xf32, #tpu.memory_space<vmem>>, vector<16xf32>,
        tpu.vector_store %arg9[%swap3A_564, %swap3A_565], %mul3A_563 {strides = array<i32>} : memref<16x1024xf32, #tpu.memory_space<vmem>>, vector<16xf32>,
        %get3A_567 = arith.index_cast %scan3A_192 : i32 to index
        %get3A_568 = arith.constant 848 : index
        %get3A_569 = tpu.vector_load %arg9[%get3A_567, %get3A_568] {strides = array<i32>} : memref<16x1024xf32, #tpu.memory_space<vmem>>, vector<16xf32>,
        %mul3A_570 = arith.mulf %get3A_569, %gather3A : vector<16xf32>
        %swap3A_571 = arith.index_cast %scan3A_192 : i32 to index
        %swap3A_572 = arith.constant 848 : index
        %swap3A_573 = tpu.vector_load %arg9[%swap3A_571, %swap3A_572] {strides = array<i32>} : memref<16x1024xf32, #tpu.memory_space<vmem>>, vector<16xf32>,
        tpu.vector_store %arg9[%swap3A_571, %swap3A_572], %mul3A_570 {strides = array<i32>} : memref<16x1024xf32, #tpu.memory_space<vmem>>, vector<16xf32>,
        %get3A_574 = arith.index_cast %scan3A_192 : i32 to index
        %get3A_575 = arith.constant 864 : index
        %get3A_576 = tpu.vector_load %arg9[%get3A_574, %get3A_575] {strides = array<i32>} : memref<16x1024xf32, #tpu.memory_space<vmem>>, vector<16xf32>,
        %mul3A_577 = arith.mulf %get3A_576, %gather3A : vector<16xf32>
        %swap3A_578 = arith.index_cast %scan3A_192 : i32 to index
        %swap3A_579 = arith.constant 864 : index
        %swap3A_580 = tpu.vector_load %arg9[%swap3A_578, %swap3A_579] {strides = array<i32>} : memref<16x1024xf32, #tpu.memory_space<vmem>>, vector<16xf32>,
        tpu.vector_store %arg9[%swap3A_578, %swap3A_579], %mul3A_577 {strides = array<i32>} : memref<16x1024xf32, #tpu.memory_space<vmem>>, vector<16xf32>,
        %get3A_581 = arith.index_cast %scan3A_192 : i32 to index
        %get3A_582 = arith.constant 880 : index
        %get3A_583 = tpu.vector_load %arg9[%get3A_581, %get3A_582] {strides = array<i32>} : memref<16x1024xf32, #tpu.memory_space<vmem>>, vector<16xf32>,
        %mul3A_584 = arith.mulf %get3A_583, %gather3A : vector<16xf32>
        %swap3A_585 = arith.index_cast %scan3A_192 : i32 to index
        %swap3A_586 = arith.constant 880 : index
        %swap3A_587 = tpu.vector_load %arg9[%swap3A_585, %swap3A_586] {strides = array<i32>} : memref<16x1024xf32, #tpu.memory_space<vmem>>, vector<16xf32>,
        tpu.vector_store %arg9[%swap3A_585, %swap3A_586], %mul3A_584 {strides = array<i32>} : memref<16x1024xf32, #tpu.memory_space<vmem>>, vector<16xf32>,
        %get3A_588 = arith.index_cast %scan3A_192 : i32 to index
        %get3A_589 = arith.constant 896 : index
        %get3A_590 = tpu.vector_load %arg9[%get3A_588, %get3A_589] {strides = array<i32>} : memref<16x1024xf32, #tpu.memory_space<vmem>>, vector<16xf32>,
        %mul3A_591 = arith.mulf %get3A_590, %gather3A : vector<16xf32>
        %swap3A_592 = arith.index_cast %scan3A_192 : i32 to index
        %swap3A_593 = arith.constant 896 : index
        %swap3A_594 = tpu.vector_load %arg9[%swap3A_592, %swap3A_593] {strides = array<i32>} : memref<16x1024xf32, #tpu.memory_space<vmem>>, vector<16xf32>,
        tpu.vector_store %arg9[%swap3A_592, %swap3A_593], %mul3A_591 {strides = array<i32>} : memref<16x1024xf32, #tpu.memory_space<vmem>>, vector<16xf32>,
        %get3A_595 = arith.index_cast %scan3A_192 : i32 to index
        %get3A_596 = arith.constant 912 : index
        %get3A_597 = tpu.vector_load %arg9[%get3A_595, %get3A_596] {strides = array<i32>} : memref<16x1024xf32, #tpu.memory_space<vmem>>, vector<16xf32>,
        %mul3A_598 = arith.mulf %get3A_597, %gather3A : vector<16xf32>
        %swap3A_599 = arith.index_cast %scan3A_192 : i32 to index
        %swap3A_600 = arith.constant 912 : index
        %swap3A_601 = tpu.vector_load %arg9[%swap3A_599, %swap3A_600] {strides = array<i32>} : memref<16x1024xf32, #tpu.memory_space<vmem>>, vector<16xf32>,
        tpu.vector_store %arg9[%swap3A_599, %swap3A_600], %mul3A_598 {strides = array<i32>} : memref<16x1024xf32, #tpu.memory_space<vmem>>, vector<16xf32>,
        %get3A_602 = arith.index_cast %scan3A_192 : i32 to index
        %get3A_603 = arith.constant 928 : index
        %get3A_604 = tpu.vector_load %arg9[%get3A_602, %get3A_603] {strides = array<i32>} : memref<16x1024xf32, #tpu.memory_space<vmem>>, vector<16xf32>,
        %mul3A_605 = arith.mulf %get3A_604, %gather3A : vector<16xf32>
        %swap3A_606 = arith.index_cast %scan3A_192 : i32 to index
        %swap3A_607 = arith.constant 928 : index
        %swap3A_608 = tpu.vector_load %arg9[%swap3A_606, %swap3A_607] {strides = array<i32>} : memref<16x1024xf32, #tpu.memory_space<vmem>>, vector<16xf32>,
        tpu.vector_store %arg9[%swap3A_606, %swap3A_607], %mul3A_605 {strides = array<i32>} : memref<16x1024xf32, #tpu.memory_space<vmem>>, vector<16xf32>,
        %get3A_609 = arith.index_cast %scan3A_192 : i32 to index
        %get3A_610 = arith.constant 944 : index
        %get3A_611 = tpu.vector_load %arg9[%get3A_609, %get3A_610] {strides = array<i32>} : memref<16x1024xf32, #tpu.memory_space<vmem>>, vector<16xf32>,
        %mul3A_612 = arith.mulf %get3A_611, %gather3A : vector<16xf32>
        %swap3A_613 = arith.index_cast %scan3A_192 : i32 to index
        %swap3A_614 = arith.constant 944 : index
        %swap3A_615 = tpu.vector_load %arg9[%swap3A_613, %swap3A_614] {strides = array<i32>} : memref<16x1024xf32, #tpu.memory_space<vmem>>, vector<16xf32>,
        tpu.vector_store %arg9[%swap3A_613, %swap3A_614], %mul3A_612 {strides = array<i32>} : memref<16x1024xf32, #tpu.memory_space<vmem>>, vector<16xf32>,
        %get3A_616 = arith.index_cast %scan3A_192 : i32 to index
        %get3A_617 = arith.constant 960 : index
        %get3A_618 = tpu.vector_load %arg9[%get3A_616, %get3A_617] {strides = array<i32>} : memref<16x1024xf32, #tpu.memory_space<vmem>>, vector<16xf32>,
        %mul3A_619 = arith.mulf %get3A_618, %gather3A : vector<16xf32>
        %swap3A_620 = arith.index_cast %scan3A_192 : i32 to index
        %swap3A_621 = arith.constant 960 : index
        %swap3A_622 = tpu.vector_load %arg9[%swap3A_620, %swap3A_621] {strides = array<i32>} : memref<16x1024xf32, #tpu.memory_space<vmem>>, vector<16xf32>,
        tpu.vector_store %arg9[%swap3A_620, %swap3A_621], %mul3A_619 {strides = array<i32>} : memref<16x1024xf32, #tpu.memory_space<vmem>>, vector<16xf32>,
        %get3A_623 = arith.index_cast %scan3A_192 : i32 to index
        %get3A_624 = arith.constant 976 : index
        %get3A_625 = tpu.vector_load %arg9[%get3A_623, %get3A_624] {strides = array<i32>} : memref<16x1024xf32, #tpu.memory_space<vmem>>, vector<16xf32>,
        %mul3A_626 = arith.mulf %get3A_625, %gather3A : vector<16xf32>
        %swap3A_627 = arith.index_cast %scan3A_192 : i32 to index
        %swap3A_628 = arith.constant 976 : index
        %swap3A_629 = tpu.vector_load %arg9[%swap3A_627, %swap3A_628] {strides = array<i32>} : memref<16x1024xf32, #tpu.memory_space<vmem>>, vector<16xf32>,
        tpu.vector_store %arg9[%swap3A_627, %swap3A_628], %mul3A_626 {strides = array<i32>} : memref<16x1024xf32, #tpu.memory_space<vmem>>, vector<16xf32>,
        %get3A_630 = arith.index_cast %scan3A_192 : i32 to index
        %get3A_631 = arith.constant 992 : index
        %get3A_632 = tpu.vector_load %arg9[%get3A_630, %get3A_631] {strides = array<i32>} : memref<16x1024xf32, #tpu.memory_space<vmem>>, vector<16xf32>,
        %mul3A_633 = arith.mulf %get3A_632, %gather3A : vector<16xf32>
        %swap3A_634 = arith.index_cast %scan3A_192 : i32 to index
        %swap3A_635 = arith.constant 992 : index
        %swap3A_636 = tpu.vector_load %arg9[%swap3A_634, %swap3A_635] {strides = array<i32>} : memref<16x1024xf32, #tpu.memory_space<vmem>>, vector<16xf32>,
        tpu.vector_store %arg9[%swap3A_634, %swap3A_635], %mul3A_633 {strides = array<i32>} : memref<16x1024xf32, #tpu.memory_space<vmem>>, vector<16xf32>,
        %get3A_637 = arith.index_cast %scan3A_192 : i32 to index
        %get3A_638 = arith.constant 1008 : index
        %get3A_639 = tpu.vector_load %arg9[%get3A_637, %get3A_638] {strides = array<i32>} : memref<16x1024xf32, #tpu.memory_space<vmem>>, vector<16xf32>,
        %mul3A_640 = arith.mulf %get3A_639, %gather3A : vector<16xf32>
        %swap3A_641 = arith.index_cast %scan3A_192 : i32 to index
        %swap3A_642 = arith.constant 1008 : index
        %swap3A_643 = tpu.vector_load %arg9[%swap3A_641, %swap3A_642] {strides = array<i32>} : memref<16x1024xf32, #tpu.memory_space<vmem>>, vector<16xf32>,
        tpu.vector_store %arg9[%swap3A_641, %swap3A_642], %mul3A_640 {strides = array<i32>} : memref<16x1024xf32, #tpu.memory_space<vmem>>, vector<16xf32>,
        %scan3A_644 = arith.constant 0 : i32
        scf.yield %scan3A_644 : i32
      }
      %scan3A_81 = arith.constant 16 : i32
      %mul3A_82 = arith.constant 16 : i32
      %mul3A_83 = arith.muli %add3A_60, %mul3A_82 : i32
      %add3A_84 = arith.addi %mul3A_2, %mul3A_83 : i32
      %dma_start3A_85 = arith.constant 0 : i32
      %dma_start3A_86 = tpu.memref_slice %arg5[%add3A_84, %dma_start3A_85] : memref<32768x1024xf32, #tpu.memory_space<hbm>> -> memref<16x1024xf32, #tpu.memory_space<hbm>>
      %dma_start3A_87 = arith.constant 0 : i32
      %dma_start3A_88 = tpu.memref_slice %arg5[%add3A_84, %dma_start3A_87] : memref<32768x1024xf32, #tpu.memory_space<hbm>> -> memref<16x1024xf32, #tpu.memory_space<hbm>>
      tpu.enqueue_dma source(%arg9 : memref<16x1024xf32, #tpu.memory_space<vmem>>) target(%dma_start3A_88 : memref<16x1024xf32, #tpu.memory_space<hbm>>) target_semaphore(%arg17 : memref<!tpu.dma_semaphore, #tpu.memory_space<semaphore_mem>>)
      %add3A_89 = arith.constant 1 : i32
      %add3A_90 = arith.addi %mul3A_58, %add3A_89 : i32
      %ge3A_91 = arith.constant 2 : i32
      %ge3A_92 = arith.cmpi sge, %add3A_90, %ge3A_91 : i32
      %convert_element_type3A_93 = arith.extui %ge3A_92 : i1 to i32
      %cond3A_94 = arith.constant 0 : i32
      %cond3A_95 = arith.cmpi ne, %convert_element_type3A_93, %cond3A_94 : i32
      scf.if %cond3A_95 {
        %dma_wait3A_192 = arith.constant 0 : i32
        %dma_wait3A_193 = arith.constant 0 : i32
        %dma_wait3A_194 = tpu.memref_slice %arg2[%dma_wait3A_192, %dma_wait3A_193] : memref<32768x1024xf32, #tpu.memory_space<hbm>> -> memref<16x1024xf32, #tpu.memory_space<hbm>>
        %dma_wait3A_195 = arith.constant 0 : i32
        %dma_wait3A_196 = arith.constant 0 : i32
        %dma_wait3A_197 = tpu.memref_slice %arg2[%dma_wait3A_195, %dma_wait3A_196] : memref<32768x1024xf32, #tpu.memory_space<hbm>> -> memref<16x1024xf32, #tpu.memory_space<hbm>>
        tpu.wait_dma2 semaphore(%arg20 : memref<!tpu.dma_semaphore, #tpu.memory_space<semaphore_mem>>) src(%dma_wait3A_197 : memref<16x1024xf32, #tpu.memory_space<hbm>>) dst(%arg12 : memref<16x1024xf32, #tpu.memory_space<vmem>>)
      } else {
      }
      %add3A_96 = arith.constant 2 : i32
      %add3A_97 = arith.addi %add3A_90, %add3A_96 : i32
      %lt3A_98 = arith.constant 64 : i32
      %lt3A_99 = arith.cmpi slt, %add3A_97, %lt3A_98 : i32
      %convert_element_type3A_100 = arith.extui %lt3A_99 : i1 to i32
      %cond3A_101 = arith.constant 0 : i32
      %cond3A_102 = arith.cmpi ne, %convert_element_type3A_100, %cond3A_101 : i32
      scf.if %cond3A_102 {
        %add3A_192 = arith.constant 2 : i32
        %add3A_193 = arith.addi %add3A_90, %add3A_192 : i32
        %mul3A_194 = arith.constant 16 : i32
        %mul3A_195 = arith.muli %add3A_193, %mul3A_194 : i32
        %dma_start3A_196 = tpu.memref_slice %arg6[%mul3A_195] : memref<1024xi32, #tpu.memory_space<vmem>> -> memref<16xi32, #tpu.memory_space<vmem>>
        %dma_start3A_197 = arith.constant 0 : i32
        %dma_start3A_198 = arith.constant 0 : i32
        %dma_start3A_199 = tpu.memref_slice %arg2[%dma_start3A_197, %dma_start3A_198] : memref<32768x1024xf32, #tpu.memory_space<hbm>> -> memref<32768x1024xf32, #tpu.memory_space<hbm>>
        tpu.enqueue_indirect_dma source(%dma_start3A_199 : memref<32768x1024xf32, #tpu.memory_space<hbm>>) target(%arg12 : memref<16x1024xf32, #tpu.memory_space<vmem>>) offsets(%dma_start3A_196 : memref<16xi32, #tpu.memory_space<vmem>>) semaphore(%arg16 : memref<!tpu.dma_semaphore, #tpu.memory_space<semaphore_mem>>)
      } else {
      }
      %dma_wait3A_103 = arith.constant 0 : i32
      %dma_wait3A_104 = arith.constant 0 : i32
      %dma_wait3A_105 = tpu.memref_slice %arg2[%dma_wait3A_103, %dma_wait3A_104] : memref<32768x1024xf32, #tpu.memory_space<hbm>> -> memref<16x1024xf32, #tpu.memory_space<hbm>>
      %dma_wait3A_106 = arith.constant 0 : i32
      %dma_wait3A_107 = arith.constant 0 : i32
      %dma_wait3A_108 = tpu.memref_slice %arg2[%dma_wait3A_106, %dma_wait3A_107] : memref<32768x1024xf32, #tpu.memory_space<hbm>> -> memref<16x1024xf32, #tpu.memory_space<hbm>>
      tpu.wait_dma2 semaphore(%arg14 : memref<!tpu.dma_semaphore, #tpu.memory_space<semaphore_mem>>) src(%dma_wait3A_108 : memref<16x1024xf32, #tpu.memory_space<hbm>>) dst(%arg10 : memref<16x1024xf32, #tpu.memory_space<vmem>>)
      %scan3A_109 = arith.constant 0 : i32
      %scan3A_110 = arith.constant 0 : i32
      %scan3A_111 = arith.constant 16 : i32
      %scan3A_112 = arith.addi %scan3A_110, %scan3A_111 : i32
      %scan3A_113 = arith.constant 1 : i32
      %scan3A_114 = scf.for %scan3A_192 = %scan3A_110 to %scan3A_112 step %scan3A_113 iter_args(%scan3A_193 = %scan3A_109) -> (i32)  : i32 {
        %mul3A_194 = arith.constant 16 : i32
        %mul3A_195 = arith.muli %add3A_90, %mul3A_194 : i32
        %add3A_196 = arith.addi %mul3A_195, %scan3A_192 : i32
        %broadcast_in_dim3A_197 = vector.broadcast %add3A_196 : i32 to vector<16xi32>
        %gather3A = tpu.vector_load_idx %arg8[%broadcast_in_dim3A_197] : memref<1024xf32, #tpu.memory_space<vmem>>[vector<16xi32>], vector<16xf32>,
        %get3A = arith.index_cast %scan3A_192 : i32 to index
        %get3A_198 = arith.constant 0 : index
        %get3A_199 = tpu.vector_load %arg10[%get3A, %get3A_198] {strides = array<i32>} : memref<16x1024xf32, #tpu.memory_space<vmem>>, vector<16xf32>,
        %mul3A_200 = arith.mulf %get3A_199, %gather3A : vector<16xf32>
        %swap3A = arith.index_cast %scan3A_192 : i32 to index
        %swap3A_201 = arith.constant 0 : index
        %swap3A_202 = tpu.vector_load %arg10[%swap3A, %swap3A_201] {strides = array<i32>} : memref<16x1024xf32, #tpu.memory_space<vmem>>, vector<16xf32>,
        tpu.vector_store %arg10[%swap3A, %swap3A_201], %mul3A_200 {strides = array<i32>} : memref<16x1024xf32, #tpu.memory_space<vmem>>, vector<16xf32>,
        %get3A_203 = arith.index_cast %scan3A_192 : i32 to index
        %get3A_204 = arith.constant 16 : index
        %get3A_205 = tpu.vector_load %arg10[%get3A_203, %get3A_204] {strides = array<i32>} : memref<16x1024xf32, #tpu.memory_space<vmem>>, vector<16xf32>,
        %mul3A_206 = arith.mulf %get3A_205, %gather3A : vector<16xf32>
        %swap3A_207 = arith.index_cast %scan3A_192 : i32 to index
        %swap3A_208 = arith.constant 16 : index
        %swap3A_209 = tpu.vector_load %arg10[%swap3A_207, %swap3A_208] {strides = array<i32>} : memref<16x1024xf32, #tpu.memory_space<vmem>>, vector<16xf32>,
        tpu.vector_store %arg10[%swap3A_207, %swap3A_208], %mul3A_206 {strides = array<i32>} : memref<16x1024xf32, #tpu.memory_space<vmem>>, vector<16xf32>,
        %get3A_210 = arith.index_cast %scan3A_192 : i32 to index
        %get3A_211 = arith.constant 32 : index
        %get3A_212 = tpu.vector_load %arg10[%get3A_210, %get3A_211] {strides = array<i32>} : memref<16x1024xf32, #tpu.memory_space<vmem>>, vector<16xf32>,
        %mul3A_213 = arith.mulf %get3A_212, %gather3A : vector<16xf32>
        %swap3A_214 = arith.index_cast %scan3A_192 : i32 to index
        %swap3A_215 = arith.constant 32 : index
        %swap3A_216 = tpu.vector_load %arg10[%swap3A_214, %swap3A_215] {strides = array<i32>} : memref<16x1024xf32, #tpu.memory_space<vmem>>, vector<16xf32>,
        tpu.vector_store %arg10[%swap3A_214, %swap3A_215], %mul3A_213 {strides = array<i32>} : memref<16x1024xf32, #tpu.memory_space<vmem>>, vector<16xf32>,
        %get3A_217 = arith.index_cast %scan3A_192 : i32 to index
        %get3A_218 = arith.constant 48 : index
        %get3A_219 = tpu.vector_load %arg10[%get3A_217, %get3A_218] {strides = array<i32>} : memref<16x1024xf32, #tpu.memory_space<vmem>>, vector<16xf32>,
        %mul3A_220 = arith.mulf %get3A_219, %gather3A : vector<16xf32>
        %swap3A_221 = arith.index_cast %scan3A_192 : i32 to index
        %swap3A_222 = arith.constant 48 : index
        %swap3A_223 = tpu.vector_load %arg10[%swap3A_221, %swap3A_222] {strides = array<i32>} : memref<16x1024xf32, #tpu.memory_space<vmem>>, vector<16xf32>,
        tpu.vector_store %arg10[%swap3A_221, %swap3A_222], %mul3A_220 {strides = array<i32>} : memref<16x1024xf32, #tpu.memory_space<vmem>>, vector<16xf32>,
        %get3A_224 = arith.index_cast %scan3A_192 : i32 to index
        %get3A_225 = arith.constant 64 : index
        %get3A_226 = tpu.vector_load %arg10[%get3A_224, %get3A_225] {strides = array<i32>} : memref<16x1024xf32, #tpu.memory_space<vmem>>, vector<16xf32>,
        %mul3A_227 = arith.mulf %get3A_226, %gather3A : vector<16xf32>
        %swap3A_228 = arith.index_cast %scan3A_192 : i32 to index
        %swap3A_229 = arith.constant 64 : index
        %swap3A_230 = tpu.vector_load %arg10[%swap3A_228, %swap3A_229] {strides = array<i32>} : memref<16x1024xf32, #tpu.memory_space<vmem>>, vector<16xf32>,
        tpu.vector_store %arg10[%swap3A_228, %swap3A_229], %mul3A_227 {strides = array<i32>} : memref<16x1024xf32, #tpu.memory_space<vmem>>, vector<16xf32>,
        %get3A_231 = arith.index_cast %scan3A_192 : i32 to index
        %get3A_232 = arith.constant 80 : index
        %get3A_233 = tpu.vector_load %arg10[%get3A_231, %get3A_232] {strides = array<i32>} : memref<16x1024xf32, #tpu.memory_space<vmem>>, vector<16xf32>,
        %mul3A_234 = arith.mulf %get3A_233, %gather3A : vector<16xf32>
        %swap3A_235 = arith.index_cast %scan3A_192 : i32 to index
        %swap3A_236 = arith.constant 80 : index
        %swap3A_237 = tpu.vector_load %arg10[%swap3A_235, %swap3A_236] {strides = array<i32>} : memref<16x1024xf32, #tpu.memory_space<vmem>>, vector<16xf32>,
        tpu.vector_store %arg10[%swap3A_235, %swap3A_236], %mul3A_234 {strides = array<i32>} : memref<16x1024xf32, #tpu.memory_space<vmem>>, vector<16xf32>,
        %get3A_238 = arith.index_cast %scan3A_192 : i32 to index
        %get3A_239 = arith.constant 96 : index
        %get3A_240 = tpu.vector_load %arg10[%get3A_238, %get3A_239] {strides = array<i32>} : memref<16x1024xf32, #tpu.memory_space<vmem>>, vector<16xf32>,
        %mul3A_241 = arith.mulf %get3A_240, %gather3A : vector<16xf32>
        %swap3A_242 = arith.index_cast %scan3A_192 : i32 to index
        %swap3A_243 = arith.constant 96 : index
        %swap3A_244 = tpu.vector_load %arg10[%swap3A_242, %swap3A_243] {strides = array<i32>} : memref<16x1024xf32, #tpu.memory_space<vmem>>, vector<16xf32>,
        tpu.vector_store %arg10[%swap3A_242, %swap3A_243], %mul3A_241 {strides = array<i32>} : memref<16x1024xf32, #tpu.memory_space<vmem>>, vector<16xf32>,
        %get3A_245 = arith.index_cast %scan3A_192 : i32 to index
        %get3A_246 = arith.constant 112 : index
        %get3A_247 = tpu.vector_load %arg10[%get3A_245, %get3A_246] {strides = array<i32>} : memref<16x1024xf32, #tpu.memory_space<vmem>>, vector<16xf32>,
        %mul3A_248 = arith.mulf %get3A_247, %gather3A : vector<16xf32>
        %swap3A_249 = arith.index_cast %scan3A_192 : i32 to index
        %swap3A_250 = arith.constant 112 : index
        %swap3A_251 = tpu.vector_load %arg10[%swap3A_249, %swap3A_250] {strides = array<i32>} : memref<16x1024xf32, #tpu.memory_space<vmem>>, vector<16xf32>,
        tpu.vector_store %arg10[%swap3A_249, %swap3A_250], %mul3A_248 {strides = array<i32>} : memref<16x1024xf32, #tpu.memory_space<vmem>>, vector<16xf32>,
        %get3A_252 = arith.index_cast %scan3A_192 : i32 to index
        %get3A_253 = arith.constant 128 : index
        %get3A_254 = tpu.vector_load %arg10[%get3A_252, %get3A_253] {strides = array<i32>} : memref<16x1024xf32, #tpu.memory_space<vmem>>, vector<16xf32>,
        %mul3A_255 = arith.mulf %get3A_254, %gather3A : vector<16xf32>
        %swap3A_256 = arith.index_cast %scan3A_192 : i32 to index
        %swap3A_257 = arith.constant 128 : index
        %swap3A_258 = tpu.vector_load %arg10[%swap3A_256, %swap3A_257] {strides = array<i32>} : memref<16x1024xf32, #tpu.memory_space<vmem>>, vector<16xf32>,
        tpu.vector_store %arg10[%swap3A_256, %swap3A_257], %mul3A_255 {strides = array<i32>} : memref<16x1024xf32, #tpu.memory_space<vmem>>, vector<16xf32>,
        %get3A_259 = arith.index_cast %scan3A_192 : i32 to index
        %get3A_260 = arith.constant 144 : index
        %get3A_261 = tpu.vector_load %arg10[%get3A_259, %get3A_260] {strides = array<i32>} : memref<16x1024xf32, #tpu.memory_space<vmem>>, vector<16xf32>,
        %mul3A_262 = arith.mulf %get3A_261, %gather3A : vector<16xf32>
        %swap3A_263 = arith.index_cast %scan3A_192 : i32 to index
        %swap3A_264 = arith.constant 144 : index
        %swap3A_265 = tpu.vector_load %arg10[%swap3A_263, %swap3A_264] {strides = array<i32>} : memref<16x1024xf32, #tpu.memory_space<vmem>>, vector<16xf32>,
        tpu.vector_store %arg10[%swap3A_263, %swap3A_264], %mul3A_262 {strides = array<i32>} : memref<16x1024xf32, #tpu.memory_space<vmem>>, vector<16xf32>,
        %get3A_266 = arith.index_cast %scan3A_192 : i32 to index
        %get3A_267 = arith.constant 160 : index
        %get3A_268 = tpu.vector_load %arg10[%get3A_266, %get3A_267] {strides = array<i32>} : memref<16x1024xf32, #tpu.memory_space<vmem>>, vector<16xf32>,
        %mul3A_269 = arith.mulf %get3A_268, %gather3A : vector<16xf32>
        %swap3A_270 = arith.index_cast %scan3A_192 : i32 to index
        %swap3A_271 = arith.constant 160 : index
        %swap3A_272 = tpu.vector_load %arg10[%swap3A_270, %swap3A_271] {strides = array<i32>} : memref<16x1024xf32, #tpu.memory_space<vmem>>, vector<16xf32>,
        tpu.vector_store %arg10[%swap3A_270, %swap3A_271], %mul3A_269 {strides = array<i32>} : memref<16x1024xf32, #tpu.memory_space<vmem>>, vector<16xf32>,
        %get3A_273 = arith.index_cast %scan3A_192 : i32 to index
        %get3A_274 = arith.constant 176 : index
        %get3A_275 = tpu.vector_load %arg10[%get3A_273, %get3A_274] {strides = array<i32>} : memref<16x1024xf32, #tpu.memory_space<vmem>>, vector<16xf32>,
        %mul3A_276 = arith.mulf %get3A_275, %gather3A : vector<16xf32>
        %swap3A_277 = arith.index_cast %scan3A_192 : i32 to index
        %swap3A_278 = arith.constant 176 : index
        %swap3A_279 = tpu.vector_load %arg10[%swap3A_277, %swap3A_278] {strides = array<i32>} : memref<16x1024xf32, #tpu.memory_space<vmem>>, vector<16xf32>,
        tpu.vector_store %arg10[%swap3A_277, %swap3A_278], %mul3A_276 {strides = array<i32>} : memref<16x1024xf32, #tpu.memory_space<vmem>>, vector<16xf32>,
        %get3A_280 = arith.index_cast %scan3A_192 : i32 to index
        %get3A_281 = arith.constant 192 : index
        %get3A_282 = tpu.vector_load %arg10[%get3A_280, %get3A_281] {strides = array<i32>} : memref<16x1024xf32, #tpu.memory_space<vmem>>, vector<16xf32>,
        %mul3A_283 = arith.mulf %get3A_282, %gather3A : vector<16xf32>
        %swap3A_284 = arith.index_cast %scan3A_192 : i32 to index
        %swap3A_285 = arith.constant 192 : index
        %swap3A_286 = tpu.vector_load %arg10[%swap3A_284, %swap3A_285] {strides = array<i32>} : memref<16x1024xf32, #tpu.memory_space<vmem>>, vector<16xf32>,
        tpu.vector_store %arg10[%swap3A_284, %swap3A_285], %mul3A_283 {strides = array<i32>} : memref<16x1024xf32, #tpu.memory_space<vmem>>, vector<16xf32>,
        %get3A_287 = arith.index_cast %scan3A_192 : i32 to index
        %get3A_288 = arith.constant 208 : index
        %get3A_289 = tpu.vector_load %arg10[%get3A_287, %get3A_288] {strides = array<i32>} : memref<16x1024xf32, #tpu.memory_space<vmem>>, vector<16xf32>,
        %mul3A_290 = arith.mulf %get3A_289, %gather3A : vector<16xf32>
        %swap3A_291 = arith.index_cast %scan3A_192 : i32 to index
        %swap3A_292 = arith.constant 208 : index
        %swap3A_293 = tpu.vector_load %arg10[%swap3A_291, %swap3A_292] {strides = array<i32>} : memref<16x1024xf32, #tpu.memory_space<vmem>>, vector<16xf32>,
        tpu.vector_store %arg10[%swap3A_291, %swap3A_292], %mul3A_290 {strides = array<i32>} : memref<16x1024xf32, #tpu.memory_space<vmem>>, vector<16xf32>,
        %get3A_294 = arith.index_cast %scan3A_192 : i32 to index
        %get3A_295 = arith.constant 224 : index
        %get3A_296 = tpu.vector_load %arg10[%get3A_294, %get3A_295] {strides = array<i32>} : memref<16x1024xf32, #tpu.memory_space<vmem>>, vector<16xf32>,
        %mul3A_297 = arith.mulf %get3A_296, %gather3A : vector<16xf32>
        %swap3A_298 = arith.index_cast %scan3A_192 : i32 to index
        %swap3A_299 = arith.constant 224 : index
        %swap3A_300 = tpu.vector_load %arg10[%swap3A_298, %swap3A_299] {strides = array<i32>} : memref<16x1024xf32, #tpu.memory_space<vmem>>, vector<16xf32>,
        tpu.vector_store %arg10[%swap3A_298, %swap3A_299], %mul3A_297 {strides = array<i32>} : memref<16x1024xf32, #tpu.memory_space<vmem>>, vector<16xf32>,
        %get3A_301 = arith.index_cast %scan3A_192 : i32 to index
        %get3A_302 = arith.constant 240 : index
        %get3A_303 = tpu.vector_load %arg10[%get3A_301, %get3A_302] {strides = array<i32>} : memref<16x1024xf32, #tpu.memory_space<vmem>>, vector<16xf32>,
        %mul3A_304 = arith.mulf %get3A_303, %gather3A : vector<16xf32>
        %swap3A_305 = arith.index_cast %scan3A_192 : i32 to index
        %swap3A_306 = arith.constant 240 : index
        %swap3A_307 = tpu.vector_load %arg10[%swap3A_305, %swap3A_306] {strides = array<i32>} : memref<16x1024xf32, #tpu.memory_space<vmem>>, vector<16xf32>,
        tpu.vector_store %arg10[%swap3A_305, %swap3A_306], %mul3A_304 {strides = array<i32>} : memref<16x1024xf32, #tpu.memory_space<vmem>>, vector<16xf32>,
        %get3A_308 = arith.index_cast %scan3A_192 : i32 to index
        %get3A_309 = arith.constant 256 : index
        %get3A_310 = tpu.vector_load %arg10[%get3A_308, %get3A_309] {strides = array<i32>} : memref<16x1024xf32, #tpu.memory_space<vmem>>, vector<16xf32>,
        %mul3A_311 = arith.mulf %get3A_310, %gather3A : vector<16xf32>
        %swap3A_312 = arith.index_cast %scan3A_192 : i32 to index
        %swap3A_313 = arith.constant 256 : index
        %swap3A_314 = tpu.vector_load %arg10[%swap3A_312, %swap3A_313] {strides = array<i32>} : memref<16x1024xf32, #tpu.memory_space<vmem>>, vector<16xf32>,
        tpu.vector_store %arg10[%swap3A_312, %swap3A_313], %mul3A_311 {strides = array<i32>} : memref<16x1024xf32, #tpu.memory_space<vmem>>, vector<16xf32>,
        %get3A_315 = arith.index_cast %scan3A_192 : i32 to index
        %get3A_316 = arith.constant 272 : index
        %get3A_317 = tpu.vector_load %arg10[%get3A_315, %get3A_316] {strides = array<i32>} : memref<16x1024xf32, #tpu.memory_space<vmem>>, vector<16xf32>,
        %mul3A_318 = arith.mulf %get3A_317, %gather3A : vector<16xf32>
        %swap3A_319 = arith.index_cast %scan3A_192 : i32 to index
        %swap3A_320 = arith.constant 272 : index
        %swap3A_321 = tpu.vector_load %arg10[%swap3A_319, %swap3A_320] {strides = array<i32>} : memref<16x1024xf32, #tpu.memory_space<vmem>>, vector<16xf32>,
        tpu.vector_store %arg10[%swap3A_319, %swap3A_320], %mul3A_318 {strides = array<i32>} : memref<16x1024xf32, #tpu.memory_space<vmem>>, vector<16xf32>,
        %get3A_322 = arith.index_cast %scan3A_192 : i32 to index
        %get3A_323 = arith.constant 288 : index
        %get3A_324 = tpu.vector_load %arg10[%get3A_322, %get3A_323] {strides = array<i32>} : memref<16x1024xf32, #tpu.memory_space<vmem>>, vector<16xf32>,
        %mul3A_325 = arith.mulf %get3A_324, %gather3A : vector<16xf32>
        %swap3A_326 = arith.index_cast %scan3A_192 : i32 to index
        %swap3A_327 = arith.constant 288 : index
        %swap3A_328 = tpu.vector_load %arg10[%swap3A_326, %swap3A_327] {strides = array<i32>} : memref<16x1024xf32, #tpu.memory_space<vmem>>, vector<16xf32>,
        tpu.vector_store %arg10[%swap3A_326, %swap3A_327], %mul3A_325 {strides = array<i32>} : memref<16x1024xf32, #tpu.memory_space<vmem>>, vector<16xf32>,
        %get3A_329 = arith.index_cast %scan3A_192 : i32 to index
        %get3A_330 = arith.constant 304 : index
        %get3A_331 = tpu.vector_load %arg10[%get3A_329, %get3A_330] {strides = array<i32>} : memref<16x1024xf32, #tpu.memory_space<vmem>>, vector<16xf32>,
        %mul3A_332 = arith.mulf %get3A_331, %gather3A : vector<16xf32>
        %swap3A_333 = arith.index_cast %scan3A_192 : i32 to index
        %swap3A_334 = arith.constant 304 : index
        %swap3A_335 = tpu.vector_load %arg10[%swap3A_333, %swap3A_334] {strides = array<i32>} : memref<16x1024xf32, #tpu.memory_space<vmem>>, vector<16xf32>,
        tpu.vector_store %arg10[%swap3A_333, %swap3A_334], %mul3A_332 {strides = array<i32>} : memref<16x1024xf32, #tpu.memory_space<vmem>>, vector<16xf32>,
        %get3A_336 = arith.index_cast %scan3A_192 : i32 to index
        %get3A_337 = arith.constant 320 : index
        %get3A_338 = tpu.vector_load %arg10[%get3A_336, %get3A_337] {strides = array<i32>} : memref<16x1024xf32, #tpu.memory_space<vmem>>, vector<16xf32>,
        %mul3A_339 = arith.mulf %get3A_338, %gather3A : vector<16xf32>
        %swap3A_340 = arith.index_cast %scan3A_192 : i32 to index
        %swap3A_341 = arith.constant 320 : index
        %swap3A_342 = tpu.vector_load %arg10[%swap3A_340, %swap3A_341] {strides = array<i32>} : memref<16x1024xf32, #tpu.memory_space<vmem>>, vector<16xf32>,
        tpu.vector_store %arg10[%swap3A_340, %swap3A_341], %mul3A_339 {strides = array<i32>} : memref<16x1024xf32, #tpu.memory_space<vmem>>, vector<16xf32>,
        %get3A_343 = arith.index_cast %scan3A_192 : i32 to index
        %get3A_344 = arith.constant 336 : index
        %get3A_345 = tpu.vector_load %arg10[%get3A_343, %get3A_344] {strides = array<i32>} : memref<16x1024xf32, #tpu.memory_space<vmem>>, vector<16xf32>,
        %mul3A_346 = arith.mulf %get3A_345, %gather3A : vector<16xf32>
        %swap3A_347 = arith.index_cast %scan3A_192 : i32 to index
        %swap3A_348 = arith.constant 336 : index
        %swap3A_349 = tpu.vector_load %arg10[%swap3A_347, %swap3A_348] {strides = array<i32>} : memref<16x1024xf32, #tpu.memory_space<vmem>>, vector<16xf32>,
        tpu.vector_store %arg10[%swap3A_347, %swap3A_348], %mul3A_346 {strides = array<i32>} : memref<16x1024xf32, #tpu.memory_space<vmem>>, vector<16xf32>,
        %get3A_350 = arith.index_cast %scan3A_192 : i32 to index
        %get3A_351 = arith.constant 352 : index
        %get3A_352 = tpu.vector_load %arg10[%get3A_350, %get3A_351] {strides = array<i32>} : memref<16x1024xf32, #tpu.memory_space<vmem>>, vector<16xf32>,
        %mul3A_353 = arith.mulf %get3A_352, %gather3A : vector<16xf32>
        %swap3A_354 = arith.index_cast %scan3A_192 : i32 to index
        %swap3A_355 = arith.constant 352 : index
        %swap3A_356 = tpu.vector_load %arg10[%swap3A_354, %swap3A_355] {strides = array<i32>} : memref<16x1024xf32, #tpu.memory_space<vmem>>, vector<16xf32>,
        tpu.vector_store %arg10[%swap3A_354, %swap3A_355], %mul3A_353 {strides = array<i32>} : memref<16x1024xf32, #tpu.memory_space<vmem>>, vector<16xf32>,
        %get3A_357 = arith.index_cast %scan3A_192 : i32 to index
        %get3A_358 = arith.constant 368 : index
        %get3A_359 = tpu.vector_load %arg10[%get3A_357, %get3A_358] {strides = array<i32>} : memref<16x1024xf32, #tpu.memory_space<vmem>>, vector<16xf32>,
        %mul3A_360 = arith.mulf %get3A_359, %gather3A : vector<16xf32>
        %swap3A_361 = arith.index_cast %scan3A_192 : i32 to index
        %swap3A_362 = arith.constant 368 : index
        %swap3A_363 = tpu.vector_load %arg10[%swap3A_361, %swap3A_362] {strides = array<i32>} : memref<16x1024xf32, #tpu.memory_space<vmem>>, vector<16xf32>,
        tpu.vector_store %arg10[%swap3A_361, %swap3A_362], %mul3A_360 {strides = array<i32>} : memref<16x1024xf32, #tpu.memory_space<vmem>>, vector<16xf32>,
        %get3A_364 = arith.index_cast %scan3A_192 : i32 to index
        %get3A_365 = arith.constant 384 : index
        %get3A_366 = tpu.vector_load %arg10[%get3A_364, %get3A_365] {strides = array<i32>} : memref<16x1024xf32, #tpu.memory_space<vmem>>, vector<16xf32>,
        %mul3A_367 = arith.mulf %get3A_366, %gather3A : vector<16xf32>
        %swap3A_368 = arith.index_cast %scan3A_192 : i32 to index
        %swap3A_369 = arith.constant 384 : index
        %swap3A_370 = tpu.vector_load %arg10[%swap3A_368, %swap3A_369] {strides = array<i32>} : memref<16x1024xf32, #tpu.memory_space<vmem>>, vector<16xf32>,
        tpu.vector_store %arg10[%swap3A_368, %swap3A_369], %mul3A_367 {strides = array<i32>} : memref<16x1024xf32, #tpu.memory_space<vmem>>, vector<16xf32>,
        %get3A_371 = arith.index_cast %scan3A_192 : i32 to index
        %get3A_372 = arith.constant 400 : index
        %get3A_373 = tpu.vector_load %arg10[%get3A_371, %get3A_372] {strides = array<i32>} : memref<16x1024xf32, #tpu.memory_space<vmem>>, vector<16xf32>,
        %mul3A_374 = arith.mulf %get3A_373, %gather3A : vector<16xf32>
        %swap3A_375 = arith.index_cast %scan3A_192 : i32 to index
        %swap3A_376 = arith.constant 400 : index
        %swap3A_377 = tpu.vector_load %arg10[%swap3A_375, %swap3A_376] {strides = array<i32>} : memref<16x1024xf32, #tpu.memory_space<vmem>>, vector<16xf32>,
        tpu.vector_store %arg10[%swap3A_375, %swap3A_376], %mul3A_374 {strides = array<i32>} : memref<16x1024xf32, #tpu.memory_space<vmem>>, vector<16xf32>,
        %get3A_378 = arith.index_cast %scan3A_192 : i32 to index
        %get3A_379 = arith.constant 416 : index
        %get3A_380 = tpu.vector_load %arg10[%get3A_378, %get3A_379] {strides = array<i32>} : memref<16x1024xf32, #tpu.memory_space<vmem>>, vector<16xf32>,
        %mul3A_381 = arith.mulf %get3A_380, %gather3A : vector<16xf32>
        %swap3A_382 = arith.index_cast %scan3A_192 : i32 to index
        %swap3A_383 = arith.constant 416 : index
        %swap3A_384 = tpu.vector_load %arg10[%swap3A_382, %swap3A_383] {strides = array<i32>} : memref<16x1024xf32, #tpu.memory_space<vmem>>, vector<16xf32>,
        tpu.vector_store %arg10[%swap3A_382, %swap3A_383], %mul3A_381 {strides = array<i32>} : memref<16x1024xf32, #tpu.memory_space<vmem>>, vector<16xf32>,
        %get3A_385 = arith.index_cast %scan3A_192 : i32 to index
        %get3A_386 = arith.constant 432 : index
        %get3A_387 = tpu.vector_load %arg10[%get3A_385, %get3A_386] {strides = array<i32>} : memref<16x1024xf32, #tpu.memory_space<vmem>>, vector<16xf32>,
        %mul3A_388 = arith.mulf %get3A_387, %gather3A : vector<16xf32>
        %swap3A_389 = arith.index_cast %scan3A_192 : i32 to index
        %swap3A_390 = arith.constant 432 : index
        %swap3A_391 = tpu.vector_load %arg10[%swap3A_389, %swap3A_390] {strides = array<i32>} : memref<16x1024xf32, #tpu.memory_space<vmem>>, vector<16xf32>,
        tpu.vector_store %arg10[%swap3A_389, %swap3A_390], %mul3A_388 {strides = array<i32>} : memref<16x1024xf32, #tpu.memory_space<vmem>>, vector<16xf32>,
        %get3A_392 = arith.index_cast %scan3A_192 : i32 to index
        %get3A_393 = arith.constant 448 : index
        %get3A_394 = tpu.vector_load %arg10[%get3A_392, %get3A_393] {strides = array<i32>} : memref<16x1024xf32, #tpu.memory_space<vmem>>, vector<16xf32>,
        %mul3A_395 = arith.mulf %get3A_394, %gather3A : vector<16xf32>
        %swap3A_396 = arith.index_cast %scan3A_192 : i32 to index
        %swap3A_397 = arith.constant 448 : index
        %swap3A_398 = tpu.vector_load %arg10[%swap3A_396, %swap3A_397] {strides = array<i32>} : memref<16x1024xf32, #tpu.memory_space<vmem>>, vector<16xf32>,
        tpu.vector_store %arg10[%swap3A_396, %swap3A_397], %mul3A_395 {strides = array<i32>} : memref<16x1024xf32, #tpu.memory_space<vmem>>, vector<16xf32>,
        %get3A_399 = arith.index_cast %scan3A_192 : i32 to index
        %get3A_400 = arith.constant 464 : index
        %get3A_401 = tpu.vector_load %arg10[%get3A_399, %get3A_400] {strides = array<i32>} : memref<16x1024xf32, #tpu.memory_space<vmem>>, vector<16xf32>,
        %mul3A_402 = arith.mulf %get3A_401, %gather3A : vector<16xf32>
        %swap3A_403 = arith.index_cast %scan3A_192 : i32 to index
        %swap3A_404 = arith.constant 464 : index
        %swap3A_405 = tpu.vector_load %arg10[%swap3A_403, %swap3A_404] {strides = array<i32>} : memref<16x1024xf32, #tpu.memory_space<vmem>>, vector<16xf32>,
        tpu.vector_store %arg10[%swap3A_403, %swap3A_404], %mul3A_402 {strides = array<i32>} : memref<16x1024xf32, #tpu.memory_space<vmem>>, vector<16xf32>,
        %get3A_406 = arith.index_cast %scan3A_192 : i32 to index
        %get3A_407 = arith.constant 480 : index
        %get3A_408 = tpu.vector_load %arg10[%get3A_406, %get3A_407] {strides = array<i32>} : memref<16x1024xf32, #tpu.memory_space<vmem>>, vector<16xf32>,
        %mul3A_409 = arith.mulf %get3A_408, %gather3A : vector<16xf32>
        %swap3A_410 = arith.index_cast %scan3A_192 : i32 to index
        %swap3A_411 = arith.constant 480 : index
        %swap3A_412 = tpu.vector_load %arg10[%swap3A_410, %swap3A_411] {strides = array<i32>} : memref<16x1024xf32, #tpu.memory_space<vmem>>, vector<16xf32>,
        tpu.vector_store %arg10[%swap3A_410, %swap3A_411], %mul3A_409 {strides = array<i32>} : memref<16x1024xf32, #tpu.memory_space<vmem>>, vector<16xf32>,
        %get3A_413 = arith.index_cast %scan3A_192 : i32 to index
        %get3A_414 = arith.constant 496 : index
        %get3A_415 = tpu.vector_load %arg10[%get3A_413, %get3A_414] {strides = array<i32>} : memref<16x1024xf32, #tpu.memory_space<vmem>>, vector<16xf32>,
        %mul3A_416 = arith.mulf %get3A_415, %gather3A : vector<16xf32>
        %swap3A_417 = arith.index_cast %scan3A_192 : i32 to index
        %swap3A_418 = arith.constant 496 : index
        %swap3A_419 = tpu.vector_load %arg10[%swap3A_417, %swap3A_418] {strides = array<i32>} : memref<16x1024xf32, #tpu.memory_space<vmem>>, vector<16xf32>,
        tpu.vector_store %arg10[%swap3A_417, %swap3A_418], %mul3A_416 {strides = array<i32>} : memref<16x1024xf32, #tpu.memory_space<vmem>>, vector<16xf32>,
        %get3A_420 = arith.index_cast %scan3A_192 : i32 to index
        %get3A_421 = arith.constant 512 : index
        %get3A_422 = tpu.vector_load %arg10[%get3A_420, %get3A_421] {strides = array<i32>} : memref<16x1024xf32, #tpu.memory_space<vmem>>, vector<16xf32>,
        %mul3A_423 = arith.mulf %get3A_422, %gather3A : vector<16xf32>
        %swap3A_424 = arith.index_cast %scan3A_192 : i32 to index
        %swap3A_425 = arith.constant 512 : index
        %swap3A_426 = tpu.vector_load %arg10[%swap3A_424, %swap3A_425] {strides = array<i32>} : memref<16x1024xf32, #tpu.memory_space<vmem>>, vector<16xf32>,
        tpu.vector_store %arg10[%swap3A_424, %swap3A_425], %mul3A_423 {strides = array<i32>} : memref<16x1024xf32, #tpu.memory_space<vmem>>, vector<16xf32>,
        %get3A_427 = arith.index_cast %scan3A_192 : i32 to index
        %get3A_428 = arith.constant 528 : index
        %get3A_429 = tpu.vector_load %arg10[%get3A_427, %get3A_428] {strides = array<i32>} : memref<16x1024xf32, #tpu.memory_space<vmem>>, vector<16xf32>,
        %mul3A_430 = arith.mulf %get3A_429, %gather3A : vector<16xf32>
        %swap3A_431 = arith.index_cast %scan3A_192 : i32 to index
        %swap3A_432 = arith.constant 528 : index
        %swap3A_433 = tpu.vector_load %arg10[%swap3A_431, %swap3A_432] {strides = array<i32>} : memref<16x1024xf32, #tpu.memory_space<vmem>>, vector<16xf32>,
        tpu.vector_store %arg10[%swap3A_431, %swap3A_432], %mul3A_430 {strides = array<i32>} : memref<16x1024xf32, #tpu.memory_space<vmem>>, vector<16xf32>,
        %get3A_434 = arith.index_cast %scan3A_192 : i32 to index
        %get3A_435 = arith.constant 544 : index
        %get3A_436 = tpu.vector_load %arg10[%get3A_434, %get3A_435] {strides = array<i32>} : memref<16x1024xf32, #tpu.memory_space<vmem>>, vector<16xf32>,
        %mul3A_437 = arith.mulf %get3A_436, %gather3A : vector<16xf32>
        %swap3A_438 = arith.index_cast %scan3A_192 : i32 to index
        %swap3A_439 = arith.constant 544 : index
        %swap3A_440 = tpu.vector_load %arg10[%swap3A_438, %swap3A_439] {strides = array<i32>} : memref<16x1024xf32, #tpu.memory_space<vmem>>, vector<16xf32>,
        tpu.vector_store %arg10[%swap3A_438, %swap3A_439], %mul3A_437 {strides = array<i32>} : memref<16x1024xf32, #tpu.memory_space<vmem>>, vector<16xf32>,
        %get3A_441 = arith.index_cast %scan3A_192 : i32 to index
        %get3A_442 = arith.constant 560 : index
        %get3A_443 = tpu.vector_load %arg10[%get3A_441, %get3A_442] {strides = array<i32>} : memref<16x1024xf32, #tpu.memory_space<vmem>>, vector<16xf32>,
        %mul3A_444 = arith.mulf %get3A_443, %gather3A : vector<16xf32>
        %swap3A_445 = arith.index_cast %scan3A_192 : i32 to index
        %swap3A_446 = arith.constant 560 : index
        %swap3A_447 = tpu.vector_load %arg10[%swap3A_445, %swap3A_446] {strides = array<i32>} : memref<16x1024xf32, #tpu.memory_space<vmem>>, vector<16xf32>,
        tpu.vector_store %arg10[%swap3A_445, %swap3A_446], %mul3A_444 {strides = array<i32>} : memref<16x1024xf32, #tpu.memory_space<vmem>>, vector<16xf32>,
        %get3A_448 = arith.index_cast %scan3A_192 : i32 to index
        %get3A_449 = arith.constant 576 : index
        %get3A_450 = tpu.vector_load %arg10[%get3A_448, %get3A_449] {strides = array<i32>} : memref<16x1024xf32, #tpu.memory_space<vmem>>, vector<16xf32>,
        %mul3A_451 = arith.mulf %get3A_450, %gather3A : vector<16xf32>
        %swap3A_452 = arith.index_cast %scan3A_192 : i32 to index
        %swap3A_453 = arith.constant 576 : index
        %swap3A_454 = tpu.vector_load %arg10[%swap3A_452, %swap3A_453] {strides = array<i32>} : memref<16x1024xf32, #tpu.memory_space<vmem>>, vector<16xf32>,
        tpu.vector_store %arg10[%swap3A_452, %swap3A_453], %mul3A_451 {strides = array<i32>} : memref<16x1024xf32, #tpu.memory_space<vmem>>, vector<16xf32>,
        %get3A_455 = arith.index_cast %scan3A_192 : i32 to index
        %get3A_456 = arith.constant 592 : index
        %get3A_457 = tpu.vector_load %arg10[%get3A_455, %get3A_456] {strides = array<i32>} : memref<16x1024xf32, #tpu.memory_space<vmem>>, vector<16xf32>,
        %mul3A_458 = arith.mulf %get3A_457, %gather3A : vector<16xf32>
        %swap3A_459 = arith.index_cast %scan3A_192 : i32 to index
        %swap3A_460 = arith.constant 592 : index
        %swap3A_461 = tpu.vector_load %arg10[%swap3A_459, %swap3A_460] {strides = array<i32>} : memref<16x1024xf32, #tpu.memory_space<vmem>>, vector<16xf32>,
        tpu.vector_store %arg10[%swap3A_459, %swap3A_460], %mul3A_458 {strides = array<i32>} : memref<16x1024xf32, #tpu.memory_space<vmem>>, vector<16xf32>,
        %get3A_462 = arith.index_cast %scan3A_192 : i32 to index
        %get3A_463 = arith.constant 608 : index
        %get3A_464 = tpu.vector_load %arg10[%get3A_462, %get3A_463] {strides = array<i32>} : memref<16x1024xf32, #tpu.memory_space<vmem>>, vector<16xf32>,
        %mul3A_465 = arith.mulf %get3A_464, %gather3A : vector<16xf32>
        %swap3A_466 = arith.index_cast %scan3A_192 : i32 to index
        %swap3A_467 = arith.constant 608 : index
        %swap3A_468 = tpu.vector_load %arg10[%swap3A_466, %swap3A_467] {strides = array<i32>} : memref<16x1024xf32, #tpu.memory_space<vmem>>, vector<16xf32>,
        tpu.vector_store %arg10[%swap3A_466, %swap3A_467], %mul3A_465 {strides = array<i32>} : memref<16x1024xf32, #tpu.memory_space<vmem>>, vector<16xf32>,
        %get3A_469 = arith.index_cast %scan3A_192 : i32 to index
        %get3A_470 = arith.constant 624 : index
        %get3A_471 = tpu.vector_load %arg10[%get3A_469, %get3A_470] {strides = array<i32>} : memref<16x1024xf32, #tpu.memory_space<vmem>>, vector<16xf32>,
        %mul3A_472 = arith.mulf %get3A_471, %gather3A : vector<16xf32>
        %swap3A_473 = arith.index_cast %scan3A_192 : i32 to index
        %swap3A_474 = arith.constant 624 : index
        %swap3A_475 = tpu.vector_load %arg10[%swap3A_473, %swap3A_474] {strides = array<i32>} : memref<16x1024xf32, #tpu.memory_space<vmem>>, vector<16xf32>,
        tpu.vector_store %arg10[%swap3A_473, %swap3A_474], %mul3A_472 {strides = array<i32>} : memref<16x1024xf32, #tpu.memory_space<vmem>>, vector<16xf32>,
        %get3A_476 = arith.index_cast %scan3A_192 : i32 to index
        %get3A_477 = arith.constant 640 : index
        %get3A_478 = tpu.vector_load %arg10[%get3A_476, %get3A_477] {strides = array<i32>} : memref<16x1024xf32, #tpu.memory_space<vmem>>, vector<16xf32>,
        %mul3A_479 = arith.mulf %get3A_478, %gather3A : vector<16xf32>
        %swap3A_480 = arith.index_cast %scan3A_192 : i32 to index
        %swap3A_481 = arith.constant 640 : index
        %swap3A_482 = tpu.vector_load %arg10[%swap3A_480, %swap3A_481] {strides = array<i32>} : memref<16x1024xf32, #tpu.memory_space<vmem>>, vector<16xf32>,
        tpu.vector_store %arg10[%swap3A_480, %swap3A_481], %mul3A_479 {strides = array<i32>} : memref<16x1024xf32, #tpu.memory_space<vmem>>, vector<16xf32>,
        %get3A_483 = arith.index_cast %scan3A_192 : i32 to index
        %get3A_484 = arith.constant 656 : index
        %get3A_485 = tpu.vector_load %arg10[%get3A_483, %get3A_484] {strides = array<i32>} : memref<16x1024xf32, #tpu.memory_space<vmem>>, vector<16xf32>,
        %mul3A_486 = arith.mulf %get3A_485, %gather3A : vector<16xf32>
        %swap3A_487 = arith.index_cast %scan3A_192 : i32 to index
        %swap3A_488 = arith.constant 656 : index
        %swap3A_489 = tpu.vector_load %arg10[%swap3A_487, %swap3A_488] {strides = array<i32>} : memref<16x1024xf32, #tpu.memory_space<vmem>>, vector<16xf32>,
        tpu.vector_store %arg10[%swap3A_487, %swap3A_488], %mul3A_486 {strides = array<i32>} : memref<16x1024xf32, #tpu.memory_space<vmem>>, vector<16xf32>,
        %get3A_490 = arith.index_cast %scan3A_192 : i32 to index
        %get3A_491 = arith.constant 672 : index
        %get3A_492 = tpu.vector_load %arg10[%get3A_490, %get3A_491] {strides = array<i32>} : memref<16x1024xf32, #tpu.memory_space<vmem>>, vector<16xf32>,
        %mul3A_493 = arith.mulf %get3A_492, %gather3A : vector<16xf32>
        %swap3A_494 = arith.index_cast %scan3A_192 : i32 to index
        %swap3A_495 = arith.constant 672 : index
        %swap3A_496 = tpu.vector_load %arg10[%swap3A_494, %swap3A_495] {strides = array<i32>} : memref<16x1024xf32, #tpu.memory_space<vmem>>, vector<16xf32>,
        tpu.vector_store %arg10[%swap3A_494, %swap3A_495], %mul3A_493 {strides = array<i32>} : memref<16x1024xf32, #tpu.memory_space<vmem>>, vector<16xf32>,
        %get3A_497 = arith.index_cast %scan3A_192 : i32 to index
        %get3A_498 = arith.constant 688 : index
        %get3A_499 = tpu.vector_load %arg10[%get3A_497, %get3A_498] {strides = array<i32>} : memref<16x1024xf32, #tpu.memory_space<vmem>>, vector<16xf32>,
        %mul3A_500 = arith.mulf %get3A_499, %gather3A : vector<16xf32>
        %swap3A_501 = arith.index_cast %scan3A_192 : i32 to index
        %swap3A_502 = arith.constant 688 : index
        %swap3A_503 = tpu.vector_load %arg10[%swap3A_501, %swap3A_502] {strides = array<i32>} : memref<16x1024xf32, #tpu.memory_space<vmem>>, vector<16xf32>,
        tpu.vector_store %arg10[%swap3A_501, %swap3A_502], %mul3A_500 {strides = array<i32>} : memref<16x1024xf32, #tpu.memory_space<vmem>>, vector<16xf32>,
        %get3A_504 = arith.index_cast %scan3A_192 : i32 to index
        %get3A_505 = arith.constant 704 : index
        %get3A_506 = tpu.vector_load %arg10[%get3A_504, %get3A_505] {strides = array<i32>} : memref<16x1024xf32, #tpu.memory_space<vmem>>, vector<16xf32>,
        %mul3A_507 = arith.mulf %get3A_506, %gather3A : vector<16xf32>
        %swap3A_508 = arith.index_cast %scan3A_192 : i32 to index
        %swap3A_509 = arith.constant 704 : index
        %swap3A_510 = tpu.vector_load %arg10[%swap3A_508, %swap3A_509] {strides = array<i32>} : memref<16x1024xf32, #tpu.memory_space<vmem>>, vector<16xf32>,
        tpu.vector_store %arg10[%swap3A_508, %swap3A_509], %mul3A_507 {strides = array<i32>} : memref<16x1024xf32, #tpu.memory_space<vmem>>, vector<16xf32>,
        %get3A_511 = arith.index_cast %scan3A_192 : i32 to index
        %get3A_512 = arith.constant 720 : index
        %get3A_513 = tpu.vector_load %arg10[%get3A_511, %get3A_512] {strides = array<i32>} : memref<16x1024xf32, #tpu.memory_space<vmem>>, vector<16xf32>,
        %mul3A_514 = arith.mulf %get3A_513, %gather3A : vector<16xf32>
        %swap3A_515 = arith.index_cast %scan3A_192 : i32 to index
        %swap3A_516 = arith.constant 720 : index
        %swap3A_517 = tpu.vector_load %arg10[%swap3A_515, %swap3A_516] {strides = array<i32>} : memref<16x1024xf32, #tpu.memory_space<vmem>>, vector<16xf32>,
        tpu.vector_store %arg10[%swap3A_515, %swap3A_516], %mul3A_514 {strides = array<i32>} : memref<16x1024xf32, #tpu.memory_space<vmem>>, vector<16xf32>,
        %get3A_518 = arith.index_cast %scan3A_192 : i32 to index
        %get3A_519 = arith.constant 736 : index
        %get3A_520 = tpu.vector_load %arg10[%get3A_518, %get3A_519] {strides = array<i32>} : memref<16x1024xf32, #tpu.memory_space<vmem>>, vector<16xf32>,
        %mul3A_521 = arith.mulf %get3A_520, %gather3A : vector<16xf32>
        %swap3A_522 = arith.index_cast %scan3A_192 : i32 to index
        %swap3A_523 = arith.constant 736 : index
        %swap3A_524 = tpu.vector_load %arg10[%swap3A_522, %swap3A_523] {strides = array<i32>} : memref<16x1024xf32, #tpu.memory_space<vmem>>, vector<16xf32>,
        tpu.vector_store %arg10[%swap3A_522, %swap3A_523], %mul3A_521 {strides = array<i32>} : memref<16x1024xf32, #tpu.memory_space<vmem>>, vector<16xf32>,
        %get3A_525 = arith.index_cast %scan3A_192 : i32 to index
        %get3A_526 = arith.constant 752 : index
        %get3A_527 = tpu.vector_load %arg10[%get3A_525, %get3A_526] {strides = array<i32>} : memref<16x1024xf32, #tpu.memory_space<vmem>>, vector<16xf32>,
        %mul3A_528 = arith.mulf %get3A_527, %gather3A : vector<16xf32>
        %swap3A_529 = arith.index_cast %scan3A_192 : i32 to index
        %swap3A_530 = arith.constant 752 : index
        %swap3A_531 = tpu.vector_load %arg10[%swap3A_529, %swap3A_530] {strides = array<i32>} : memref<16x1024xf32, #tpu.memory_space<vmem>>, vector<16xf32>,
        tpu.vector_store %arg10[%swap3A_529, %swap3A_530], %mul3A_528 {strides = array<i32>} : memref<16x1024xf32, #tpu.memory_space<vmem>>, vector<16xf32>,
        %get3A_532 = arith.index_cast %scan3A_192 : i32 to index
        %get3A_533 = arith.constant 768 : index
        %get3A_534 = tpu.vector_load %arg10[%get3A_532, %get3A_533] {strides = array<i32>} : memref<16x1024xf32, #tpu.memory_space<vmem>>, vector<16xf32>,
        %mul3A_535 = arith.mulf %get3A_534, %gather3A : vector<16xf32>
        %swap3A_536 = arith.index_cast %scan3A_192 : i32 to index
        %swap3A_537 = arith.constant 768 : index
        %swap3A_538 = tpu.vector_load %arg10[%swap3A_536, %swap3A_537] {strides = array<i32>} : memref<16x1024xf32, #tpu.memory_space<vmem>>, vector<16xf32>,
        tpu.vector_store %arg10[%swap3A_536, %swap3A_537], %mul3A_535 {strides = array<i32>} : memref<16x1024xf32, #tpu.memory_space<vmem>>, vector<16xf32>,
        %get3A_539 = arith.index_cast %scan3A_192 : i32 to index
        %get3A_540 = arith.constant 784 : index
        %get3A_541 = tpu.vector_load %arg10[%get3A_539, %get3A_540] {strides = array<i32>} : memref<16x1024xf32, #tpu.memory_space<vmem>>, vector<16xf32>,
        %mul3A_542 = arith.mulf %get3A_541, %gather3A : vector<16xf32>
        %swap3A_543 = arith.index_cast %scan3A_192 : i32 to index
        %swap3A_544 = arith.constant 784 : index
        %swap3A_545 = tpu.vector_load %arg10[%swap3A_543, %swap3A_544] {strides = array<i32>} : memref<16x1024xf32, #tpu.memory_space<vmem>>, vector<16xf32>,
        tpu.vector_store %arg10[%swap3A_543, %swap3A_544], %mul3A_542 {strides = array<i32>} : memref<16x1024xf32, #tpu.memory_space<vmem>>, vector<16xf32>,
        %get3A_546 = arith.index_cast %scan3A_192 : i32 to index
        %get3A_547 = arith.constant 800 : index
        %get3A_548 = tpu.vector_load %arg10[%get3A_546, %get3A_547] {strides = array<i32>} : memref<16x1024xf32, #tpu.memory_space<vmem>>, vector<16xf32>,
        %mul3A_549 = arith.mulf %get3A_548, %gather3A : vector<16xf32>
        %swap3A_550 = arith.index_cast %scan3A_192 : i32 to index
        %swap3A_551 = arith.constant 800 : index
        %swap3A_552 = tpu.vector_load %arg10[%swap3A_550, %swap3A_551] {strides = array<i32>} : memref<16x1024xf32, #tpu.memory_space<vmem>>, vector<16xf32>,
        tpu.vector_store %arg10[%swap3A_550, %swap3A_551], %mul3A_549 {strides = array<i32>} : memref<16x1024xf32, #tpu.memory_space<vmem>>, vector<16xf32>,
        %get3A_553 = arith.index_cast %scan3A_192 : i32 to index
        %get3A_554 = arith.constant 816 : index
        %get3A_555 = tpu.vector_load %arg10[%get3A_553, %get3A_554] {strides = array<i32>} : memref<16x1024xf32, #tpu.memory_space<vmem>>, vector<16xf32>,
        %mul3A_556 = arith.mulf %get3A_555, %gather3A : vector<16xf32>
        %swap3A_557 = arith.index_cast %scan3A_192 : i32 to index
        %swap3A_558 = arith.constant 816 : index
        %swap3A_559 = tpu.vector_load %arg10[%swap3A_557, %swap3A_558] {strides = array<i32>} : memref<16x1024xf32, #tpu.memory_space<vmem>>, vector<16xf32>,
        tpu.vector_store %arg10[%swap3A_557, %swap3A_558], %mul3A_556 {strides = array<i32>} : memref<16x1024xf32, #tpu.memory_space<vmem>>, vector<16xf32>,
        %get3A_560 = arith.index_cast %scan3A_192 : i32 to index
        %get3A_561 = arith.constant 832 : index
        %get3A_562 = tpu.vector_load %arg10[%get3A_560, %get3A_561] {strides = array<i32>} : memref<16x1024xf32, #tpu.memory_space<vmem>>, vector<16xf32>,
        %mul3A_563 = arith.mulf %get3A_562, %gather3A : vector<16xf32>
        %swap3A_564 = arith.index_cast %scan3A_192 : i32 to index
        %swap3A_565 = arith.constant 832 : index
        %swap3A_566 = tpu.vector_load %arg10[%swap3A_564, %swap3A_565] {strides = array<i32>} : memref<16x1024xf32, #tpu.memory_space<vmem>>, vector<16xf32>,
        tpu.vector_store %arg10[%swap3A_564, %swap3A_565], %mul3A_563 {strides = array<i32>} : memref<16x1024xf32, #tpu.memory_space<vmem>>, vector<16xf32>,
        %get3A_567 = arith.index_cast %scan3A_192 : i32 to index
        %get3A_568 = arith.constant 848 : index
        %get3A_569 = tpu.vector_load %arg10[%get3A_567, %get3A_568] {strides = array<i32>} : memref<16x1024xf32, #tpu.memory_space<vmem>>, vector<16xf32>,
        %mul3A_570 = arith.mulf %get3A_569, %gather3A : vector<16xf32>
        %swap3A_571 = arith.index_cast %scan3A_192 : i32 to index
        %swap3A_572 = arith.constant 848 : index
        %swap3A_573 = tpu.vector_load %arg10[%swap3A_571, %swap3A_572] {strides = array<i32>} : memref<16x1024xf32, #tpu.memory_space<vmem>>, vector<16xf32>,
        tpu.vector_store %arg10[%swap3A_571, %swap3A_572], %mul3A_570 {strides = array<i32>} : memref<16x1024xf32, #tpu.memory_space<vmem>>, vector<16xf32>,
        %get3A_574 = arith.index_cast %scan3A_192 : i32 to index
        %get3A_575 = arith.constant 864 : index
        %get3A_576 = tpu.vector_load %arg10[%get3A_574, %get3A_575] {strides = array<i32>} : memref<16x1024xf32, #tpu.memory_space<vmem>>, vector<16xf32>,
        %mul3A_577 = arith.mulf %get3A_576, %gather3A : vector<16xf32>
        %swap3A_578 = arith.index_cast %scan3A_192 : i32 to index
        %swap3A_579 = arith.constant 864 : index
        %swap3A_580 = tpu.vector_load %arg10[%swap3A_578, %swap3A_579] {strides = array<i32>} : memref<16x1024xf32, #tpu.memory_space<vmem>>, vector<16xf32>,
        tpu.vector_store %arg10[%swap3A_578, %swap3A_579], %mul3A_577 {strides = array<i32>} : memref<16x1024xf32, #tpu.memory_space<vmem>>, vector<16xf32>,
        %get3A_581 = arith.index_cast %scan3A_192 : i32 to index
        %get3A_582 = arith.constant 880 : index
        %get3A_583 = tpu.vector_load %arg10[%get3A_581, %get3A_582] {strides = array<i32>} : memref<16x1024xf32, #tpu.memory_space<vmem>>, vector<16xf32>,
        %mul3A_584 = arith.mulf %get3A_583, %gather3A : vector<16xf32>
        %swap3A_585 = arith.index_cast %scan3A_192 : i32 to index
        %swap3A_586 = arith.constant 880 : index
        %swap3A_587 = tpu.vector_load %arg10[%swap3A_585, %swap3A_586] {strides = array<i32>} : memref<16x1024xf32, #tpu.memory_space<vmem>>, vector<16xf32>,
        tpu.vector_store %arg10[%swap3A_585, %swap3A_586], %mul3A_584 {strides = array<i32>} : memref<16x1024xf32, #tpu.memory_space<vmem>>, vector<16xf32>,
        %get3A_588 = arith.index_cast %scan3A_192 : i32 to index
        %get3A_589 = arith.constant 896 : index
        %get3A_590 = tpu.vector_load %arg10[%get3A_588, %get3A_589] {strides = array<i32>} : memref<16x1024xf32, #tpu.memory_space<vmem>>, vector<16xf32>,
        %mul3A_591 = arith.mulf %get3A_590, %gather3A : vector<16xf32>
        %swap3A_592 = arith.index_cast %scan3A_192 : i32 to index
        %swap3A_593 = arith.constant 896 : index
        %swap3A_594 = tpu.vector_load %arg10[%swap3A_592, %swap3A_593] {strides = array<i32>} : memref<16x1024xf32, #tpu.memory_space<vmem>>, vector<16xf32>,
        tpu.vector_store %arg10[%swap3A_592, %swap3A_593], %mul3A_591 {strides = array<i32>} : memref<16x1024xf32, #tpu.memory_space<vmem>>, vector<16xf32>,
        %get3A_595 = arith.index_cast %scan3A_192 : i32 to index
        %get3A_596 = arith.constant 912 : index
        %get3A_597 = tpu.vector_load %arg10[%get3A_595, %get3A_596] {strides = array<i32>} : memref<16x1024xf32, #tpu.memory_space<vmem>>, vector<16xf32>,
        %mul3A_598 = arith.mulf %get3A_597, %gather3A : vector<16xf32>
        %swap3A_599 = arith.index_cast %scan3A_192 : i32 to index
        %swap3A_600 = arith.constant 912 : index
        %swap3A_601 = tpu.vector_load %arg10[%swap3A_599, %swap3A_600] {strides = array<i32>} : memref<16x1024xf32, #tpu.memory_space<vmem>>, vector<16xf32>,
        tpu.vector_store %arg10[%swap3A_599, %swap3A_600], %mul3A_598 {strides = array<i32>} : memref<16x1024xf32, #tpu.memory_space<vmem>>, vector<16xf32>,
        %get3A_602 = arith.index_cast %scan3A_192 : i32 to index
        %get3A_603 = arith.constant 928 : index
        %get3A_604 = tpu.vector_load %arg10[%get3A_602, %get3A_603] {strides = array<i32>} : memref<16x1024xf32, #tpu.memory_space<vmem>>, vector<16xf32>,
        %mul3A_605 = arith.mulf %get3A_604, %gather3A : vector<16xf32>
        %swap3A_606 = arith.index_cast %scan3A_192 : i32 to index
        %swap3A_607 = arith.constant 928 : index
        %swap3A_608 = tpu.vector_load %arg10[%swap3A_606, %swap3A_607] {strides = array<i32>} : memref<16x1024xf32, #tpu.memory_space<vmem>>, vector<16xf32>,
        tpu.vector_store %arg10[%swap3A_606, %swap3A_607], %mul3A_605 {strides = array<i32>} : memref<16x1024xf32, #tpu.memory_space<vmem>>, vector<16xf32>,
        %get3A_609 = arith.index_cast %scan3A_192 : i32 to index
        %get3A_610 = arith.constant 944 : index
        %get3A_611 = tpu.vector_load %arg10[%get3A_609, %get3A_610] {strides = array<i32>} : memref<16x1024xf32, #tpu.memory_space<vmem>>, vector<16xf32>,
        %mul3A_612 = arith.mulf %get3A_611, %gather3A : vector<16xf32>
        %swap3A_613 = arith.index_cast %scan3A_192 : i32 to index
        %swap3A_614 = arith.constant 944 : index
        %swap3A_615 = tpu.vector_load %arg10[%swap3A_613, %swap3A_614] {strides = array<i32>} : memref<16x1024xf32, #tpu.memory_space<vmem>>, vector<16xf32>,
        tpu.vector_store %arg10[%swap3A_613, %swap3A_614], %mul3A_612 {strides = array<i32>} : memref<16x1024xf32, #tpu.memory_space<vmem>>, vector<16xf32>,
        %get3A_616 = arith.index_cast %scan3A_192 : i32 to index
        %get3A_617 = arith.constant 960 : index
        %get3A_618 = tpu.vector_load %arg10[%get3A_616, %get3A_617] {strides = array<i32>} : memref<16x1024xf32, #tpu.memory_space<vmem>>, vector<16xf32>,
        %mul3A_619 = arith.mulf %get3A_618, %gather3A : vector<16xf32>
        %swap3A_620 = arith.index_cast %scan3A_192 : i32 to index
        %swap3A_621 = arith.constant 960 : index
        %swap3A_622 = tpu.vector_load %arg10[%swap3A_620, %swap3A_621] {strides = array<i32>} : memref<16x1024xf32, #tpu.memory_space<vmem>>, vector<16xf32>,
        tpu.vector_store %arg10[%swap3A_620, %swap3A_621], %mul3A_619 {strides = array<i32>} : memref<16x1024xf32, #tpu.memory_space<vmem>>, vector<16xf32>,
        %get3A_623 = arith.index_cast %scan3A_192 : i32 to index
        %get3A_624 = arith.constant 976 : index
        %get3A_625 = tpu.vector_load %arg10[%get3A_623, %get3A_624] {strides = array<i32>} : memref<16x1024xf32, #tpu.memory_space<vmem>>, vector<16xf32>,
        %mul3A_626 = arith.mulf %get3A_625, %gather3A : vector<16xf32>
        %swap3A_627 = arith.index_cast %scan3A_192 : i32 to index
        %swap3A_628 = arith.constant 976 : index
        %swap3A_629 = tpu.vector_load %arg10[%swap3A_627, %swap3A_628] {strides = array<i32>} : memref<16x1024xf32, #tpu.memory_space<vmem>>, vector<16xf32>,
        tpu.vector_store %arg10[%swap3A_627, %swap3A_628], %mul3A_626 {strides = array<i32>} : memref<16x1024xf32, #tpu.memory_space<vmem>>, vector<16xf32>,
        %get3A_630 = arith.index_cast %scan3A_192 : i32 to index
        %get3A_631 = arith.constant 992 : index
        %get3A_632 = tpu.vector_load %arg10[%get3A_630, %get3A_631] {strides = array<i32>} : memref<16x1024xf32, #tpu.memory_space<vmem>>, vector<16xf32>,
        %mul3A_633 = arith.mulf %get3A_632, %gather3A : vector<16xf32>
        %swap3A_634 = arith.index_cast %scan3A_192 : i32 to index
        %swap3A_635 = arith.constant 992 : index
        %swap3A_636 = tpu.vector_load %arg10[%swap3A_634, %swap3A_635] {strides = array<i32>} : memref<16x1024xf32, #tpu.memory_space<vmem>>, vector<16xf32>,
        tpu.vector_store %arg10[%swap3A_634, %swap3A_635], %mul3A_633 {strides = array<i32>} : memref<16x1024xf32, #tpu.memory_space<vmem>>, vector<16xf32>,
        %get3A_637 = arith.index_cast %scan3A_192 : i32 to index
        %get3A_638 = arith.constant 1008 : index
        %get3A_639 = tpu.vector_load %arg10[%get3A_637, %get3A_638] {strides = array<i32>} : memref<16x1024xf32, #tpu.memory_space<vmem>>, vector<16xf32>,
        %mul3A_640 = arith.mulf %get3A_639, %gather3A : vector<16xf32>
        %swap3A_641 = arith.index_cast %scan3A_192 : i32 to index
        %swap3A_642 = arith.constant 1008 : index
        %swap3A_643 = tpu.vector_load %arg10[%swap3A_641, %swap3A_642] {strides = array<i32>} : memref<16x1024xf32, #tpu.memory_space<vmem>>, vector<16xf32>,
        tpu.vector_store %arg10[%swap3A_641, %swap3A_642], %mul3A_640 {strides = array<i32>} : memref<16x1024xf32, #tpu.memory_space<vmem>>, vector<16xf32>,
        %scan3A_644 = arith.constant 0 : i32
        scf.yield %scan3A_644 : i32
      }
      %scan3A_115 = arith.constant 16 : i32
      %mul3A_116 = arith.constant 16 : i32
      %mul3A_117 = arith.muli %add3A_90, %mul3A_116 : i32
      %add3A_118 = arith.addi %mul3A_2, %mul3A_117 : i32
      %dma_start3A_119 = arith.constant 0 : i32
      %dma_start3A_120 = tpu.memref_slice %arg5[%add3A_118, %dma_start3A_119] : memref<32768x1024xf32, #tpu.memory_space<hbm>> -> memref<16x1024xf32, #tpu.memory_space<hbm>>
      %dma_start3A_121 = arith.constant 0 : i32
      %dma_start3A_122 = tpu.memref_slice %arg5[%add3A_118, %dma_start3A_121] : memref<32768x1024xf32, #tpu.memory_space<hbm>> -> memref<16x1024xf32, #tpu.memory_space<hbm>>
      tpu.enqueue_dma source(%arg10 : memref<16x1024xf32, #tpu.memory_space<vmem>>) target(%dma_start3A_122 : memref<16x1024xf32, #tpu.memory_space<hbm>>) target_semaphore(%arg18 : memref<!tpu.dma_semaphore, #tpu.memory_space<semaphore_mem>>)
      %add3A_123 = arith.constant 2 : i32
      %add3A_124 = arith.addi %mul3A_58, %add3A_123 : i32
      %ge3A_125 = arith.constant 2 : i32
      %ge3A_126 = arith.cmpi sge, %add3A_124, %ge3A_125 : i32
      %convert_element_type3A_127 = arith.extui %ge3A_126 : i1 to i32
      %cond3A_128 = arith.constant 0 : i32
      %cond3A_129 = arith.cmpi ne, %convert_element_type3A_127, %cond3A_128 : i32
      scf.if %cond3A_129 {
        %dma_wait3A_192 = arith.constant 0 : i32
        %dma_wait3A_193 = arith.constant 0 : i32
        %dma_wait3A_194 = tpu.memref_slice %arg2[%dma_wait3A_192, %dma_wait3A_193] : memref<32768x1024xf32, #tpu.memory_space<hbm>> -> memref<16x1024xf32, #tpu.memory_space<hbm>>
        %dma_wait3A_195 = arith.constant 0 : i32
        %dma_wait3A_196 = arith.constant 0 : i32
        %dma_wait3A_197 = tpu.memref_slice %arg2[%dma_wait3A_195, %dma_wait3A_196] : memref<32768x1024xf32, #tpu.memory_space<hbm>> -> memref<16x1024xf32, #tpu.memory_space<hbm>>
        tpu.wait_dma2 semaphore(%arg17 : memref<!tpu.dma_semaphore, #tpu.memory_space<semaphore_mem>>) src(%dma_wait3A_197 : memref<16x1024xf32, #tpu.memory_space<hbm>>) dst(%arg9 : memref<16x1024xf32, #tpu.memory_space<vmem>>)
      } else {
      }
      %add3A_130 = arith.constant 2 : i32
      %add3A_131 = arith.addi %add3A_124, %add3A_130 : i32
      %lt3A_132 = arith.constant 64 : i32
      %lt3A_133 = arith.cmpi slt, %add3A_131, %lt3A_132 : i32
      %convert_element_type3A_134 = arith.extui %lt3A_133 : i1 to i32
      %cond3A_135 = arith.constant 0 : i32
      %cond3A_136 = arith.cmpi ne, %convert_element_type3A_134, %cond3A_135 : i32
      scf.if %cond3A_136 {
        %add3A_192 = arith.constant 2 : i32
        %add3A_193 = arith.addi %add3A_124, %add3A_192 : i32
        %mul3A_194 = arith.constant 16 : i32
        %mul3A_195 = arith.muli %add3A_193, %mul3A_194 : i32
        %dma_start3A_196 = tpu.memref_slice %arg6[%mul3A_195] : memref<1024xi32, #tpu.memory_space<vmem>> -> memref<16xi32, #tpu.memory_space<vmem>>
        %dma_start3A_197 = arith.constant 0 : i32
        %dma_start3A_198 = arith.constant 0 : i32
        %dma_start3A_199 = tpu.memref_slice %arg2[%dma_start3A_197, %dma_start3A_198] : memref<32768x1024xf32, #tpu.memory_space<hbm>> -> memref<32768x1024xf32, #tpu.memory_space<hbm>>
        tpu.enqueue_indirect_dma source(%dma_start3A_199 : memref<32768x1024xf32, #tpu.memory_space<hbm>>) target(%arg9 : memref<16x1024xf32, #tpu.memory_space<vmem>>) offsets(%dma_start3A_196 : memref<16xi32, #tpu.memory_space<vmem>>) semaphore(%arg13 : memref<!tpu.dma_semaphore, #tpu.memory_space<semaphore_mem>>)
      } else {
      }
      %dma_wait3A_137 = arith.constant 0 : i32
      %dma_wait3A_138 = arith.constant 0 : i32
      %dma_wait3A_139 = tpu.memref_slice %arg2[%dma_wait3A_137, %dma_wait3A_138] : memref<32768x1024xf32, #tpu.memory_space<hbm>> -> memref<16x1024xf32, #tpu.memory_space<hbm>>
      %dma_wait3A_140 = arith.constant 0 : i32
      %dma_wait3A_141 = arith.constant 0 : i32
      %dma_wait3A_142 = tpu.memref_slice %arg2[%dma_wait3A_140, %dma_wait3A_141] : memref<32768x1024xf32, #tpu.memory_space<hbm>> -> memref<16x1024xf32, #tpu.memory_space<hbm>>
      tpu.wait_dma2 semaphore(%arg15 : memref<!tpu.dma_semaphore, #tpu.memory_space<semaphore_mem>>) src(%dma_wait3A_142 : memref<16x1024xf32, #tpu.memory_space<hbm>>) dst(%arg11 : memref<16x1024xf32, #tpu.memory_space<vmem>>)
      %scan3A_143 = arith.constant 0 : i32
      %scan3A_144 = arith.constant 0 : i32
      %scan3A_145 = arith.constant 16 : i32
      %scan3A_146 = arith.addi %scan3A_144, %scan3A_145 : i32
      %scan3A_147 = arith.constant 1 : i32
      %scan3A_148 = scf.for %scan3A_192 = %scan3A_144 to %scan3A_146 step %scan3A_147 iter_args(%scan3A_193 = %scan3A_143) -> (i32)  : i32 {
        %mul3A_194 = arith.constant 16 : i32
        %mul3A_195 = arith.muli %add3A_124, %mul3A_194 : i32
        %add3A_196 = arith.addi %mul3A_195, %scan3A_192 : i32
        %broadcast_in_dim3A_197 = vector.broadcast %add3A_196 : i32 to vector<16xi32>
        %gather3A = tpu.vector_load_idx %arg8[%broadcast_in_dim3A_197] : memref<1024xf32, #tpu.memory_space<vmem>>[vector<16xi32>], vector<16xf32>,
        %get3A = arith.index_cast %scan3A_192 : i32 to index
        %get3A_198 = arith.constant 0 : index
        %get3A_199 = tpu.vector_load %arg11[%get3A, %get3A_198] {strides = array<i32>} : memref<16x1024xf32, #tpu.memory_space<vmem>>, vector<16xf32>,
        %mul3A_200 = arith.mulf %get3A_199, %gather3A : vector<16xf32>
        %swap3A = arith.index_cast %scan3A_192 : i32 to index
        %swap3A_201 = arith.constant 0 : index
        %swap3A_202 = tpu.vector_load %arg11[%swap3A, %swap3A_201] {strides = array<i32>} : memref<16x1024xf32, #tpu.memory_space<vmem>>, vector<16xf32>,
        tpu.vector_store %arg11[%swap3A, %swap3A_201], %mul3A_200 {strides = array<i32>} : memref<16x1024xf32, #tpu.memory_space<vmem>>, vector<16xf32>,
        %get3A_203 = arith.index_cast %scan3A_192 : i32 to index
        %get3A_204 = arith.constant 16 : index
        %get3A_205 = tpu.vector_load %arg11[%get3A_203, %get3A_204] {strides = array<i32>} : memref<16x1024xf32, #tpu.memory_space<vmem>>, vector<16xf32>,
        %mul3A_206 = arith.mulf %get3A_205, %gather3A : vector<16xf32>
        %swap3A_207 = arith.index_cast %scan3A_192 : i32 to index
        %swap3A_208 = arith.constant 16 : index
        %swap3A_209 = tpu.vector_load %arg11[%swap3A_207, %swap3A_208] {strides = array<i32>} : memref<16x1024xf32, #tpu.memory_space<vmem>>, vector<16xf32>,
        tpu.vector_store %arg11[%swap3A_207, %swap3A_208], %mul3A_206 {strides = array<i32>} : memref<16x1024xf32, #tpu.memory_space<vmem>>, vector<16xf32>,
        %get3A_210 = arith.index_cast %scan3A_192 : i32 to index
        %get3A_211 = arith.constant 32 : index
        %get3A_212 = tpu.vector_load %arg11[%get3A_210, %get3A_211] {strides = array<i32>} : memref<16x1024xf32, #tpu.memory_space<vmem>>, vector<16xf32>,
        %mul3A_213 = arith.mulf %get3A_212, %gather3A : vector<16xf32>
        %swap3A_214 = arith.index_cast %scan3A_192 : i32 to index
        %swap3A_215 = arith.constant 32 : index
        %swap3A_216 = tpu.vector_load %arg11[%swap3A_214, %swap3A_215] {strides = array<i32>} : memref<16x1024xf32, #tpu.memory_space<vmem>>, vector<16xf32>,
        tpu.vector_store %arg11[%swap3A_214, %swap3A_215], %mul3A_213 {strides = array<i32>} : memref<16x1024xf32, #tpu.memory_space<vmem>>, vector<16xf32>,
        %get3A_217 = arith.index_cast %scan3A_192 : i32 to index
        %get3A_218 = arith.constant 48 : index
        %get3A_219 = tpu.vector_load %arg11[%get3A_217, %get3A_218] {strides = array<i32>} : memref<16x1024xf32, #tpu.memory_space<vmem>>, vector<16xf32>,
        %mul3A_220 = arith.mulf %get3A_219, %gather3A : vector<16xf32>
        %swap3A_221 = arith.index_cast %scan3A_192 : i32 to index
        %swap3A_222 = arith.constant 48 : index
        %swap3A_223 = tpu.vector_load %arg11[%swap3A_221, %swap3A_222] {strides = array<i32>} : memref<16x1024xf32, #tpu.memory_space<vmem>>, vector<16xf32>,
        tpu.vector_store %arg11[%swap3A_221, %swap3A_222], %mul3A_220 {strides = array<i32>} : memref<16x1024xf32, #tpu.memory_space<vmem>>, vector<16xf32>,
        %get3A_224 = arith.index_cast %scan3A_192 : i32 to index
        %get3A_225 = arith.constant 64 : index
        %get3A_226 = tpu.vector_load %arg11[%get3A_224, %get3A_225] {strides = array<i32>} : memref<16x1024xf32, #tpu.memory_space<vmem>>, vector<16xf32>,
        %mul3A_227 = arith.mulf %get3A_226, %gather3A : vector<16xf32>
        %swap3A_228 = arith.index_cast %scan3A_192 : i32 to index
        %swap3A_229 = arith.constant 64 : index
        %swap3A_230 = tpu.vector_load %arg11[%swap3A_228, %swap3A_229] {strides = array<i32>} : memref<16x1024xf32, #tpu.memory_space<vmem>>, vector<16xf32>,
        tpu.vector_store %arg11[%swap3A_228, %swap3A_229], %mul3A_227 {strides = array<i32>} : memref<16x1024xf32, #tpu.memory_space<vmem>>, vector<16xf32>,
        %get3A_231 = arith.index_cast %scan3A_192 : i32 to index
        %get3A_232 = arith.constant 80 : index
        %get3A_233 = tpu.vector_load %arg11[%get3A_231, %get3A_232] {strides = array<i32>} : memref<16x1024xf32, #tpu.memory_space<vmem>>, vector<16xf32>,
        %mul3A_234 = arith.mulf %get3A_233, %gather3A : vector<16xf32>
        %swap3A_235 = arith.index_cast %scan3A_192 : i32 to index
        %swap3A_236 = arith.constant 80 : index
        %swap3A_237 = tpu.vector_load %arg11[%swap3A_235, %swap3A_236] {strides = array<i32>} : memref<16x1024xf32, #tpu.memory_space<vmem>>, vector<16xf32>,
        tpu.vector_store %arg11[%swap3A_235, %swap3A_236], %mul3A_234 {strides = array<i32>} : memref<16x1024xf32, #tpu.memory_space<vmem>>, vector<16xf32>,
        %get3A_238 = arith.index_cast %scan3A_192 : i32 to index
        %get3A_239 = arith.constant 96 : index
        %get3A_240 = tpu.vector_load %arg11[%get3A_238, %get3A_239] {strides = array<i32>} : memref<16x1024xf32, #tpu.memory_space<vmem>>, vector<16xf32>,
        %mul3A_241 = arith.mulf %get3A_240, %gather3A : vector<16xf32>
        %swap3A_242 = arith.index_cast %scan3A_192 : i32 to index
        %swap3A_243 = arith.constant 96 : index
        %swap3A_244 = tpu.vector_load %arg11[%swap3A_242, %swap3A_243] {strides = array<i32>} : memref<16x1024xf32, #tpu.memory_space<vmem>>, vector<16xf32>,
        tpu.vector_store %arg11[%swap3A_242, %swap3A_243], %mul3A_241 {strides = array<i32>} : memref<16x1024xf32, #tpu.memory_space<vmem>>, vector<16xf32>,
        %get3A_245 = arith.index_cast %scan3A_192 : i32 to index
        %get3A_246 = arith.constant 112 : index
        %get3A_247 = tpu.vector_load %arg11[%get3A_245, %get3A_246] {strides = array<i32>} : memref<16x1024xf32, #tpu.memory_space<vmem>>, vector<16xf32>,
        %mul3A_248 = arith.mulf %get3A_247, %gather3A : vector<16xf32>
        %swap3A_249 = arith.index_cast %scan3A_192 : i32 to index
        %swap3A_250 = arith.constant 112 : index
        %swap3A_251 = tpu.vector_load %arg11[%swap3A_249, %swap3A_250] {strides = array<i32>} : memref<16x1024xf32, #tpu.memory_space<vmem>>, vector<16xf32>,
        tpu.vector_store %arg11[%swap3A_249, %swap3A_250], %mul3A_248 {strides = array<i32>} : memref<16x1024xf32, #tpu.memory_space<vmem>>, vector<16xf32>,
        %get3A_252 = arith.index_cast %scan3A_192 : i32 to index
        %get3A_253 = arith.constant 128 : index
        %get3A_254 = tpu.vector_load %arg11[%get3A_252, %get3A_253] {strides = array<i32>} : memref<16x1024xf32, #tpu.memory_space<vmem>>, vector<16xf32>,
        %mul3A_255 = arith.mulf %get3A_254, %gather3A : vector<16xf32>
        %swap3A_256 = arith.index_cast %scan3A_192 : i32 to index
        %swap3A_257 = arith.constant 128 : index
        %swap3A_258 = tpu.vector_load %arg11[%swap3A_256, %swap3A_257] {strides = array<i32>} : memref<16x1024xf32, #tpu.memory_space<vmem>>, vector<16xf32>,
        tpu.vector_store %arg11[%swap3A_256, %swap3A_257], %mul3A_255 {strides = array<i32>} : memref<16x1024xf32, #tpu.memory_space<vmem>>, vector<16xf32>,
        %get3A_259 = arith.index_cast %scan3A_192 : i32 to index
        %get3A_260 = arith.constant 144 : index
        %get3A_261 = tpu.vector_load %arg11[%get3A_259, %get3A_260] {strides = array<i32>} : memref<16x1024xf32, #tpu.memory_space<vmem>>, vector<16xf32>,
        %mul3A_262 = arith.mulf %get3A_261, %gather3A : vector<16xf32>
        %swap3A_263 = arith.index_cast %scan3A_192 : i32 to index
        %swap3A_264 = arith.constant 144 : index
        %swap3A_265 = tpu.vector_load %arg11[%swap3A_263, %swap3A_264] {strides = array<i32>} : memref<16x1024xf32, #tpu.memory_space<vmem>>, vector<16xf32>,
        tpu.vector_store %arg11[%swap3A_263, %swap3A_264], %mul3A_262 {strides = array<i32>} : memref<16x1024xf32, #tpu.memory_space<vmem>>, vector<16xf32>,
        %get3A_266 = arith.index_cast %scan3A_192 : i32 to index
        %get3A_267 = arith.constant 160 : index
        %get3A_268 = tpu.vector_load %arg11[%get3A_266, %get3A_267] {strides = array<i32>} : memref<16x1024xf32, #tpu.memory_space<vmem>>, vector<16xf32>,
        %mul3A_269 = arith.mulf %get3A_268, %gather3A : vector<16xf32>
        %swap3A_270 = arith.index_cast %scan3A_192 : i32 to index
        %swap3A_271 = arith.constant 160 : index
        %swap3A_272 = tpu.vector_load %arg11[%swap3A_270, %swap3A_271] {strides = array<i32>} : memref<16x1024xf32, #tpu.memory_space<vmem>>, vector<16xf32>,
        tpu.vector_store %arg11[%swap3A_270, %swap3A_271], %mul3A_269 {strides = array<i32>} : memref<16x1024xf32, #tpu.memory_space<vmem>>, vector<16xf32>,
        %get3A_273 = arith.index_cast %scan3A_192 : i32 to index
        %get3A_274 = arith.constant 176 : index
        %get3A_275 = tpu.vector_load %arg11[%get3A_273, %get3A_274] {strides = array<i32>} : memref<16x1024xf32, #tpu.memory_space<vmem>>, vector<16xf32>,
        %mul3A_276 = arith.mulf %get3A_275, %gather3A : vector<16xf32>
        %swap3A_277 = arith.index_cast %scan3A_192 : i32 to index
        %swap3A_278 = arith.constant 176 : index
        %swap3A_279 = tpu.vector_load %arg11[%swap3A_277, %swap3A_278] {strides = array<i32>} : memref<16x1024xf32, #tpu.memory_space<vmem>>, vector<16xf32>,
        tpu.vector_store %arg11[%swap3A_277, %swap3A_278], %mul3A_276 {strides = array<i32>} : memref<16x1024xf32, #tpu.memory_space<vmem>>, vector<16xf32>,
        %get3A_280 = arith.index_cast %scan3A_192 : i32 to index
        %get3A_281 = arith.constant 192 : index
        %get3A_282 = tpu.vector_load %arg11[%get3A_280, %get3A_281] {strides = array<i32>} : memref<16x1024xf32, #tpu.memory_space<vmem>>, vector<16xf32>,
        %mul3A_283 = arith.mulf %get3A_282, %gather3A : vector<16xf32>
        %swap3A_284 = arith.index_cast %scan3A_192 : i32 to index
        %swap3A_285 = arith.constant 192 : index
        %swap3A_286 = tpu.vector_load %arg11[%swap3A_284, %swap3A_285] {strides = array<i32>} : memref<16x1024xf32, #tpu.memory_space<vmem>>, vector<16xf32>,
        tpu.vector_store %arg11[%swap3A_284, %swap3A_285], %mul3A_283 {strides = array<i32>} : memref<16x1024xf32, #tpu.memory_space<vmem>>, vector<16xf32>,
        %get3A_287 = arith.index_cast %scan3A_192 : i32 to index
        %get3A_288 = arith.constant 208 : index
        %get3A_289 = tpu.vector_load %arg11[%get3A_287, %get3A_288] {strides = array<i32>} : memref<16x1024xf32, #tpu.memory_space<vmem>>, vector<16xf32>,
        %mul3A_290 = arith.mulf %get3A_289, %gather3A : vector<16xf32>
        %swap3A_291 = arith.index_cast %scan3A_192 : i32 to index
        %swap3A_292 = arith.constant 208 : index
        %swap3A_293 = tpu.vector_load %arg11[%swap3A_291, %swap3A_292] {strides = array<i32>} : memref<16x1024xf32, #tpu.memory_space<vmem>>, vector<16xf32>,
        tpu.vector_store %arg11[%swap3A_291, %swap3A_292], %mul3A_290 {strides = array<i32>} : memref<16x1024xf32, #tpu.memory_space<vmem>>, vector<16xf32>,
        %get3A_294 = arith.index_cast %scan3A_192 : i32 to index
        %get3A_295 = arith.constant 224 : index
        %get3A_296 = tpu.vector_load %arg11[%get3A_294, %get3A_295] {strides = array<i32>} : memref<16x1024xf32, #tpu.memory_space<vmem>>, vector<16xf32>,
        %mul3A_297 = arith.mulf %get3A_296, %gather3A : vector<16xf32>
        %swap3A_298 = arith.index_cast %scan3A_192 : i32 to index
        %swap3A_299 = arith.constant 224 : index
        %swap3A_300 = tpu.vector_load %arg11[%swap3A_298, %swap3A_299] {strides = array<i32>} : memref<16x1024xf32, #tpu.memory_space<vmem>>, vector<16xf32>,
        tpu.vector_store %arg11[%swap3A_298, %swap3A_299], %mul3A_297 {strides = array<i32>} : memref<16x1024xf32, #tpu.memory_space<vmem>>, vector<16xf32>,
        %get3A_301 = arith.index_cast %scan3A_192 : i32 to index
        %get3A_302 = arith.constant 240 : index
        %get3A_303 = tpu.vector_load %arg11[%get3A_301, %get3A_302] {strides = array<i32>} : memref<16x1024xf32, #tpu.memory_space<vmem>>, vector<16xf32>,
        %mul3A_304 = arith.mulf %get3A_303, %gather3A : vector<16xf32>
        %swap3A_305 = arith.index_cast %scan3A_192 : i32 to index
        %swap3A_306 = arith.constant 240 : index
        %swap3A_307 = tpu.vector_load %arg11[%swap3A_305, %swap3A_306] {strides = array<i32>} : memref<16x1024xf32, #tpu.memory_space<vmem>>, vector<16xf32>,
        tpu.vector_store %arg11[%swap3A_305, %swap3A_306], %mul3A_304 {strides = array<i32>} : memref<16x1024xf32, #tpu.memory_space<vmem>>, vector<16xf32>,
        %get3A_308 = arith.index_cast %scan3A_192 : i32 to index
        %get3A_309 = arith.constant 256 : index
        %get3A_310 = tpu.vector_load %arg11[%get3A_308, %get3A_309] {strides = array<i32>} : memref<16x1024xf32, #tpu.memory_space<vmem>>, vector<16xf32>,
        %mul3A_311 = arith.mulf %get3A_310, %gather3A : vector<16xf32>
        %swap3A_312 = arith.index_cast %scan3A_192 : i32 to index
        %swap3A_313 = arith.constant 256 : index
        %swap3A_314 = tpu.vector_load %arg11[%swap3A_312, %swap3A_313] {strides = array<i32>} : memref<16x1024xf32, #tpu.memory_space<vmem>>, vector<16xf32>,
        tpu.vector_store %arg11[%swap3A_312, %swap3A_313], %mul3A_311 {strides = array<i32>} : memref<16x1024xf32, #tpu.memory_space<vmem>>, vector<16xf32>,
        %get3A_315 = arith.index_cast %scan3A_192 : i32 to index
        %get3A_316 = arith.constant 272 : index
        %get3A_317 = tpu.vector_load %arg11[%get3A_315, %get3A_316] {strides = array<i32>} : memref<16x1024xf32, #tpu.memory_space<vmem>>, vector<16xf32>,
        %mul3A_318 = arith.mulf %get3A_317, %gather3A : vector<16xf32>
        %swap3A_319 = arith.index_cast %scan3A_192 : i32 to index
        %swap3A_320 = arith.constant 272 : index
        %swap3A_321 = tpu.vector_load %arg11[%swap3A_319, %swap3A_320] {strides = array<i32>} : memref<16x1024xf32, #tpu.memory_space<vmem>>, vector<16xf32>,
        tpu.vector_store %arg11[%swap3A_319, %swap3A_320], %mul3A_318 {strides = array<i32>} : memref<16x1024xf32, #tpu.memory_space<vmem>>, vector<16xf32>,
        %get3A_322 = arith.index_cast %scan3A_192 : i32 to index
        %get3A_323 = arith.constant 288 : index
        %get3A_324 = tpu.vector_load %arg11[%get3A_322, %get3A_323] {strides = array<i32>} : memref<16x1024xf32, #tpu.memory_space<vmem>>, vector<16xf32>,
        %mul3A_325 = arith.mulf %get3A_324, %gather3A : vector<16xf32>
        %swap3A_326 = arith.index_cast %scan3A_192 : i32 to index
        %swap3A_327 = arith.constant 288 : index
        %swap3A_328 = tpu.vector_load %arg11[%swap3A_326, %swap3A_327] {strides = array<i32>} : memref<16x1024xf32, #tpu.memory_space<vmem>>, vector<16xf32>,
        tpu.vector_store %arg11[%swap3A_326, %swap3A_327], %mul3A_325 {strides = array<i32>} : memref<16x1024xf32, #tpu.memory_space<vmem>>, vector<16xf32>,
        %get3A_329 = arith.index_cast %scan3A_192 : i32 to index
        %get3A_330 = arith.constant 304 : index
        %get3A_331 = tpu.vector_load %arg11[%get3A_329, %get3A_330] {strides = array<i32>} : memref<16x1024xf32, #tpu.memory_space<vmem>>, vector<16xf32>,
        %mul3A_332 = arith.mulf %get3A_331, %gather3A : vector<16xf32>
        %swap3A_333 = arith.index_cast %scan3A_192 : i32 to index
        %swap3A_334 = arith.constant 304 : index
        %swap3A_335 = tpu.vector_load %arg11[%swap3A_333, %swap3A_334] {strides = array<i32>} : memref<16x1024xf32, #tpu.memory_space<vmem>>, vector<16xf32>,
        tpu.vector_store %arg11[%swap3A_333, %swap3A_334], %mul3A_332 {strides = array<i32>} : memref<16x1024xf32, #tpu.memory_space<vmem>>, vector<16xf32>,
        %get3A_336 = arith.index_cast %scan3A_192 : i32 to index
        %get3A_337 = arith.constant 320 : index
        %get3A_338 = tpu.vector_load %arg11[%get3A_336, %get3A_337] {strides = array<i32>} : memref<16x1024xf32, #tpu.memory_space<vmem>>, vector<16xf32>,
        %mul3A_339 = arith.mulf %get3A_338, %gather3A : vector<16xf32>
        %swap3A_340 = arith.index_cast %scan3A_192 : i32 to index
        %swap3A_341 = arith.constant 320 : index
        %swap3A_342 = tpu.vector_load %arg11[%swap3A_340, %swap3A_341] {strides = array<i32>} : memref<16x1024xf32, #tpu.memory_space<vmem>>, vector<16xf32>,
        tpu.vector_store %arg11[%swap3A_340, %swap3A_341], %mul3A_339 {strides = array<i32>} : memref<16x1024xf32, #tpu.memory_space<vmem>>, vector<16xf32>,
        %get3A_343 = arith.index_cast %scan3A_192 : i32 to index
        %get3A_344 = arith.constant 336 : index
        %get3A_345 = tpu.vector_load %arg11[%get3A_343, %get3A_344] {strides = array<i32>} : memref<16x1024xf32, #tpu.memory_space<vmem>>, vector<16xf32>,
        %mul3A_346 = arith.mulf %get3A_345, %gather3A : vector<16xf32>
        %swap3A_347 = arith.index_cast %scan3A_192 : i32 to index
        %swap3A_348 = arith.constant 336 : index
        %swap3A_349 = tpu.vector_load %arg11[%swap3A_347, %swap3A_348] {strides = array<i32>} : memref<16x1024xf32, #tpu.memory_space<vmem>>, vector<16xf32>,
        tpu.vector_store %arg11[%swap3A_347, %swap3A_348], %mul3A_346 {strides = array<i32>} : memref<16x1024xf32, #tpu.memory_space<vmem>>, vector<16xf32>,
        %get3A_350 = arith.index_cast %scan3A_192 : i32 to index
        %get3A_351 = arith.constant 352 : index
        %get3A_352 = tpu.vector_load %arg11[%get3A_350, %get3A_351] {strides = array<i32>} : memref<16x1024xf32, #tpu.memory_space<vmem>>, vector<16xf32>,
        %mul3A_353 = arith.mulf %get3A_352, %gather3A : vector<16xf32>
        %swap3A_354 = arith.index_cast %scan3A_192 : i32 to index
        %swap3A_355 = arith.constant 352 : index
        %swap3A_356 = tpu.vector_load %arg11[%swap3A_354, %swap3A_355] {strides = array<i32>} : memref<16x1024xf32, #tpu.memory_space<vmem>>, vector<16xf32>,
        tpu.vector_store %arg11[%swap3A_354, %swap3A_355], %mul3A_353 {strides = array<i32>} : memref<16x1024xf32, #tpu.memory_space<vmem>>, vector<16xf32>,
        %get3A_357 = arith.index_cast %scan3A_192 : i32 to index
        %get3A_358 = arith.constant 368 : index
        %get3A_359 = tpu.vector_load %arg11[%get3A_357, %get3A_358] {strides = array<i32>} : memref<16x1024xf32, #tpu.memory_space<vmem>>, vector<16xf32>,
        %mul3A_360 = arith.mulf %get3A_359, %gather3A : vector<16xf32>
        %swap3A_361 = arith.index_cast %scan3A_192 : i32 to index
        %swap3A_362 = arith.constant 368 : index
        %swap3A_363 = tpu.vector_load %arg11[%swap3A_361, %swap3A_362] {strides = array<i32>} : memref<16x1024xf32, #tpu.memory_space<vmem>>, vector<16xf32>,
        tpu.vector_store %arg11[%swap3A_361, %swap3A_362], %mul3A_360 {strides = array<i32>} : memref<16x1024xf32, #tpu.memory_space<vmem>>, vector<16xf32>,
        %get3A_364 = arith.index_cast %scan3A_192 : i32 to index
        %get3A_365 = arith.constant 384 : index
        %get3A_366 = tpu.vector_load %arg11[%get3A_364, %get3A_365] {strides = array<i32>} : memref<16x1024xf32, #tpu.memory_space<vmem>>, vector<16xf32>,
        %mul3A_367 = arith.mulf %get3A_366, %gather3A : vector<16xf32>
        %swap3A_368 = arith.index_cast %scan3A_192 : i32 to index
        %swap3A_369 = arith.constant 384 : index
        %swap3A_370 = tpu.vector_load %arg11[%swap3A_368, %swap3A_369] {strides = array<i32>} : memref<16x1024xf32, #tpu.memory_space<vmem>>, vector<16xf32>,
        tpu.vector_store %arg11[%swap3A_368, %swap3A_369], %mul3A_367 {strides = array<i32>} : memref<16x1024xf32, #tpu.memory_space<vmem>>, vector<16xf32>,
        %get3A_371 = arith.index_cast %scan3A_192 : i32 to index
        %get3A_372 = arith.constant 400 : index
        %get3A_373 = tpu.vector_load %arg11[%get3A_371, %get3A_372] {strides = array<i32>} : memref<16x1024xf32, #tpu.memory_space<vmem>>, vector<16xf32>,
        %mul3A_374 = arith.mulf %get3A_373, %gather3A : vector<16xf32>
        %swap3A_375 = arith.index_cast %scan3A_192 : i32 to index
        %swap3A_376 = arith.constant 400 : index
        %swap3A_377 = tpu.vector_load %arg11[%swap3A_375, %swap3A_376] {strides = array<i32>} : memref<16x1024xf32, #tpu.memory_space<vmem>>, vector<16xf32>,
        tpu.vector_store %arg11[%swap3A_375, %swap3A_376], %mul3A_374 {strides = array<i32>} : memref<16x1024xf32, #tpu.memory_space<vmem>>, vector<16xf32>,
        %get3A_378 = arith.index_cast %scan3A_192 : i32 to index
        %get3A_379 = arith.constant 416 : index
        %get3A_380 = tpu.vector_load %arg11[%get3A_378, %get3A_379] {strides = array<i32>} : memref<16x1024xf32, #tpu.memory_space<vmem>>, vector<16xf32>,
        %mul3A_381 = arith.mulf %get3A_380, %gather3A : vector<16xf32>
        %swap3A_382 = arith.index_cast %scan3A_192 : i32 to index
        %swap3A_383 = arith.constant 416 : index
        %swap3A_384 = tpu.vector_load %arg11[%swap3A_382, %swap3A_383] {strides = array<i32>} : memref<16x1024xf32, #tpu.memory_space<vmem>>, vector<16xf32>,
        tpu.vector_store %arg11[%swap3A_382, %swap3A_383], %mul3A_381 {strides = array<i32>} : memref<16x1024xf32, #tpu.memory_space<vmem>>, vector<16xf32>,
        %get3A_385 = arith.index_cast %scan3A_192 : i32 to index
        %get3A_386 = arith.constant 432 : index
        %get3A_387 = tpu.vector_load %arg11[%get3A_385, %get3A_386] {strides = array<i32>} : memref<16x1024xf32, #tpu.memory_space<vmem>>, vector<16xf32>,
        %mul3A_388 = arith.mulf %get3A_387, %gather3A : vector<16xf32>
        %swap3A_389 = arith.index_cast %scan3A_192 : i32 to index
        %swap3A_390 = arith.constant 432 : index
        %swap3A_391 = tpu.vector_load %arg11[%swap3A_389, %swap3A_390] {strides = array<i32>} : memref<16x1024xf32, #tpu.memory_space<vmem>>, vector<16xf32>,
        tpu.vector_store %arg11[%swap3A_389, %swap3A_390], %mul3A_388 {strides = array<i32>} : memref<16x1024xf32, #tpu.memory_space<vmem>>, vector<16xf32>,
        %get3A_392 = arith.index_cast %scan3A_192 : i32 to index
        %get3A_393 = arith.constant 448 : index
        %get3A_394 = tpu.vector_load %arg11[%get3A_392, %get3A_393] {strides = array<i32>} : memref<16x1024xf32, #tpu.memory_space<vmem>>, vector<16xf32>,
        %mul3A_395 = arith.mulf %get3A_394, %gather3A : vector<16xf32>
        %swap3A_396 = arith.index_cast %scan3A_192 : i32 to index
        %swap3A_397 = arith.constant 448 : index
        %swap3A_398 = tpu.vector_load %arg11[%swap3A_396, %swap3A_397] {strides = array<i32>} : memref<16x1024xf32, #tpu.memory_space<vmem>>, vector<16xf32>,
        tpu.vector_store %arg11[%swap3A_396, %swap3A_397], %mul3A_395 {strides = array<i32>} : memref<16x1024xf32, #tpu.memory_space<vmem>>, vector<16xf32>,
        %get3A_399 = arith.index_cast %scan3A_192 : i32 to index
        %get3A_400 = arith.constant 464 : index
        %get3A_401 = tpu.vector_load %arg11[%get3A_399, %get3A_400] {strides = array<i32>} : memref<16x1024xf32, #tpu.memory_space<vmem>>, vector<16xf32>,
        %mul3A_402 = arith.mulf %get3A_401, %gather3A : vector<16xf32>
        %swap3A_403 = arith.index_cast %scan3A_192 : i32 to index
        %swap3A_404 = arith.constant 464 : index
        %swap3A_405 = tpu.vector_load %arg11[%swap3A_403, %swap3A_404] {strides = array<i32>} : memref<16x1024xf32, #tpu.memory_space<vmem>>, vector<16xf32>,
        tpu.vector_store %arg11[%swap3A_403, %swap3A_404], %mul3A_402 {strides = array<i32>} : memref<16x1024xf32, #tpu.memory_space<vmem>>, vector<16xf32>,
        %get3A_406 = arith.index_cast %scan3A_192 : i32 to index
        %get3A_407 = arith.constant 480 : index
        %get3A_408 = tpu.vector_load %arg11[%get3A_406, %get3A_407] {strides = array<i32>} : memref<16x1024xf32, #tpu.memory_space<vmem>>, vector<16xf32>,
        %mul3A_409 = arith.mulf %get3A_408, %gather3A : vector<16xf32>
        %swap3A_410 = arith.index_cast %scan3A_192 : i32 to index
        %swap3A_411 = arith.constant 480 : index
        %swap3A_412 = tpu.vector_load %arg11[%swap3A_410, %swap3A_411] {strides = array<i32>} : memref<16x1024xf32, #tpu.memory_space<vmem>>, vector<16xf32>,
        tpu.vector_store %arg11[%swap3A_410, %swap3A_411], %mul3A_409 {strides = array<i32>} : memref<16x1024xf32, #tpu.memory_space<vmem>>, vector<16xf32>,
        %get3A_413 = arith.index_cast %scan3A_192 : i32 to index
        %get3A_414 = arith.constant 496 : index
        %get3A_415 = tpu.vector_load %arg11[%get3A_413, %get3A_414] {strides = array<i32>} : memref<16x1024xf32, #tpu.memory_space<vmem>>, vector<16xf32>,
        %mul3A_416 = arith.mulf %get3A_415, %gather3A : vector<16xf32>
        %swap3A_417 = arith.index_cast %scan3A_192 : i32 to index
        %swap3A_418 = arith.constant 496 : index
        %swap3A_419 = tpu.vector_load %arg11[%swap3A_417, %swap3A_418] {strides = array<i32>} : memref<16x1024xf32, #tpu.memory_space<vmem>>, vector<16xf32>,
        tpu.vector_store %arg11[%swap3A_417, %swap3A_418], %mul3A_416 {strides = array<i32>} : memref<16x1024xf32, #tpu.memory_space<vmem>>, vector<16xf32>,
        %get3A_420 = arith.index_cast %scan3A_192 : i32 to index
        %get3A_421 = arith.constant 512 : index
        %get3A_422 = tpu.vector_load %arg11[%get3A_420, %get3A_421] {strides = array<i32>} : memref<16x1024xf32, #tpu.memory_space<vmem>>, vector<16xf32>,
        %mul3A_423 = arith.mulf %get3A_422, %gather3A : vector<16xf32>
        %swap3A_424 = arith.index_cast %scan3A_192 : i32 to index
        %swap3A_425 = arith.constant 512 : index
        %swap3A_426 = tpu.vector_load %arg11[%swap3A_424, %swap3A_425] {strides = array<i32>} : memref<16x1024xf32, #tpu.memory_space<vmem>>, vector<16xf32>,
        tpu.vector_store %arg11[%swap3A_424, %swap3A_425], %mul3A_423 {strides = array<i32>} : memref<16x1024xf32, #tpu.memory_space<vmem>>, vector<16xf32>,
        %get3A_427 = arith.index_cast %scan3A_192 : i32 to index
        %get3A_428 = arith.constant 528 : index
        %get3A_429 = tpu.vector_load %arg11[%get3A_427, %get3A_428] {strides = array<i32>} : memref<16x1024xf32, #tpu.memory_space<vmem>>, vector<16xf32>,
        %mul3A_430 = arith.mulf %get3A_429, %gather3A : vector<16xf32>
        %swap3A_431 = arith.index_cast %scan3A_192 : i32 to index
        %swap3A_432 = arith.constant 528 : index
        %swap3A_433 = tpu.vector_load %arg11[%swap3A_431, %swap3A_432] {strides = array<i32>} : memref<16x1024xf32, #tpu.memory_space<vmem>>, vector<16xf32>,
        tpu.vector_store %arg11[%swap3A_431, %swap3A_432], %mul3A_430 {strides = array<i32>} : memref<16x1024xf32, #tpu.memory_space<vmem>>, vector<16xf32>,
        %get3A_434 = arith.index_cast %scan3A_192 : i32 to index
        %get3A_435 = arith.constant 544 : index
        %get3A_436 = tpu.vector_load %arg11[%get3A_434, %get3A_435] {strides = array<i32>} : memref<16x1024xf32, #tpu.memory_space<vmem>>, vector<16xf32>,
        %mul3A_437 = arith.mulf %get3A_436, %gather3A : vector<16xf32>
        %swap3A_438 = arith.index_cast %scan3A_192 : i32 to index
        %swap3A_439 = arith.constant 544 : index
        %swap3A_440 = tpu.vector_load %arg11[%swap3A_438, %swap3A_439] {strides = array<i32>} : memref<16x1024xf32, #tpu.memory_space<vmem>>, vector<16xf32>,
        tpu.vector_store %arg11[%swap3A_438, %swap3A_439], %mul3A_437 {strides = array<i32>} : memref<16x1024xf32, #tpu.memory_space<vmem>>, vector<16xf32>,
        %get3A_441 = arith.index_cast %scan3A_192 : i32 to index
        %get3A_442 = arith.constant 560 : index
        %get3A_443 = tpu.vector_load %arg11[%get3A_441, %get3A_442] {strides = array<i32>} : memref<16x1024xf32, #tpu.memory_space<vmem>>, vector<16xf32>,
        %mul3A_444 = arith.mulf %get3A_443, %gather3A : vector<16xf32>
        %swap3A_445 = arith.index_cast %scan3A_192 : i32 to index
        %swap3A_446 = arith.constant 560 : index
        %swap3A_447 = tpu.vector_load %arg11[%swap3A_445, %swap3A_446] {strides = array<i32>} : memref<16x1024xf32, #tpu.memory_space<vmem>>, vector<16xf32>,
        tpu.vector_store %arg11[%swap3A_445, %swap3A_446], %mul3A_444 {strides = array<i32>} : memref<16x1024xf32, #tpu.memory_space<vmem>>, vector<16xf32>,
        %get3A_448 = arith.index_cast %scan3A_192 : i32 to index
        %get3A_449 = arith.constant 576 : index
        %get3A_450 = tpu.vector_load %arg11[%get3A_448, %get3A_449] {strides = array<i32>} : memref<16x1024xf32, #tpu.memory_space<vmem>>, vector<16xf32>,
        %mul3A_451 = arith.mulf %get3A_450, %gather3A : vector<16xf32>
        %swap3A_452 = arith.index_cast %scan3A_192 : i32 to index
        %swap3A_453 = arith.constant 576 : index
        %swap3A_454 = tpu.vector_load %arg11[%swap3A_452, %swap3A_453] {strides = array<i32>} : memref<16x1024xf32, #tpu.memory_space<vmem>>, vector<16xf32>,
        tpu.vector_store %arg11[%swap3A_452, %swap3A_453], %mul3A_451 {strides = array<i32>} : memref<16x1024xf32, #tpu.memory_space<vmem>>, vector<16xf32>,
        %get3A_455 = arith.index_cast %scan3A_192 : i32 to index
        %get3A_456 = arith.constant 592 : index
        %get3A_457 = tpu.vector_load %arg11[%get3A_455, %get3A_456] {strides = array<i32>} : memref<16x1024xf32, #tpu.memory_space<vmem>>, vector<16xf32>,
        %mul3A_458 = arith.mulf %get3A_457, %gather3A : vector<16xf32>
        %swap3A_459 = arith.index_cast %scan3A_192 : i32 to index
        %swap3A_460 = arith.constant 592 : index
        %swap3A_461 = tpu.vector_load %arg11[%swap3A_459, %swap3A_460] {strides = array<i32>} : memref<16x1024xf32, #tpu.memory_space<vmem>>, vector<16xf32>,
        tpu.vector_store %arg11[%swap3A_459, %swap3A_460], %mul3A_458 {strides = array<i32>} : memref<16x1024xf32, #tpu.memory_space<vmem>>, vector<16xf32>,
        %get3A_462 = arith.index_cast %scan3A_192 : i32 to index
        %get3A_463 = arith.constant 608 : index
        %get3A_464 = tpu.vector_load %arg11[%get3A_462, %get3A_463] {strides = array<i32>} : memref<16x1024xf32, #tpu.memory_space<vmem>>, vector<16xf32>,
        %mul3A_465 = arith.mulf %get3A_464, %gather3A : vector<16xf32>
        %swap3A_466 = arith.index_cast %scan3A_192 : i32 to index
        %swap3A_467 = arith.constant 608 : index
        %swap3A_468 = tpu.vector_load %arg11[%swap3A_466, %swap3A_467] {strides = array<i32>} : memref<16x1024xf32, #tpu.memory_space<vmem>>, vector<16xf32>,
        tpu.vector_store %arg11[%swap3A_466, %swap3A_467], %mul3A_465 {strides = array<i32>} : memref<16x1024xf32, #tpu.memory_space<vmem>>, vector<16xf32>,
        %get3A_469 = arith.index_cast %scan3A_192 : i32 to index
        %get3A_470 = arith.constant 624 : index
        %get3A_471 = tpu.vector_load %arg11[%get3A_469, %get3A_470] {strides = array<i32>} : memref<16x1024xf32, #tpu.memory_space<vmem>>, vector<16xf32>,
        %mul3A_472 = arith.mulf %get3A_471, %gather3A : vector<16xf32>
        %swap3A_473 = arith.index_cast %scan3A_192 : i32 to index
        %swap3A_474 = arith.constant 624 : index
        %swap3A_475 = tpu.vector_load %arg11[%swap3A_473, %swap3A_474] {strides = array<i32>} : memref<16x1024xf32, #tpu.memory_space<vmem>>, vector<16xf32>,
        tpu.vector_store %arg11[%swap3A_473, %swap3A_474], %mul3A_472 {strides = array<i32>} : memref<16x1024xf32, #tpu.memory_space<vmem>>, vector<16xf32>,
        %get3A_476 = arith.index_cast %scan3A_192 : i32 to index
        %get3A_477 = arith.constant 640 : index
        %get3A_478 = tpu.vector_load %arg11[%get3A_476, %get3A_477] {strides = array<i32>} : memref<16x1024xf32, #tpu.memory_space<vmem>>, vector<16xf32>,
        %mul3A_479 = arith.mulf %get3A_478, %gather3A : vector<16xf32>
        %swap3A_480 = arith.index_cast %scan3A_192 : i32 to index
        %swap3A_481 = arith.constant 640 : index
        %swap3A_482 = tpu.vector_load %arg11[%swap3A_480, %swap3A_481] {strides = array<i32>} : memref<16x1024xf32, #tpu.memory_space<vmem>>, vector<16xf32>,
        tpu.vector_store %arg11[%swap3A_480, %swap3A_481], %mul3A_479 {strides = array<i32>} : memref<16x1024xf32, #tpu.memory_space<vmem>>, vector<16xf32>,
        %get3A_483 = arith.index_cast %scan3A_192 : i32 to index
        %get3A_484 = arith.constant 656 : index
        %get3A_485 = tpu.vector_load %arg11[%get3A_483, %get3A_484] {strides = array<i32>} : memref<16x1024xf32, #tpu.memory_space<vmem>>, vector<16xf32>,
        %mul3A_486 = arith.mulf %get3A_485, %gather3A : vector<16xf32>
        %swap3A_487 = arith.index_cast %scan3A_192 : i32 to index
        %swap3A_488 = arith.constant 656 : index
        %swap3A_489 = tpu.vector_load %arg11[%swap3A_487, %swap3A_488] {strides = array<i32>} : memref<16x1024xf32, #tpu.memory_space<vmem>>, vector<16xf32>,
        tpu.vector_store %arg11[%swap3A_487, %swap3A_488], %mul3A_486 {strides = array<i32>} : memref<16x1024xf32, #tpu.memory_space<vmem>>, vector<16xf32>,
        %get3A_490 = arith.index_cast %scan3A_192 : i32 to index
        %get3A_491 = arith.constant 672 : index
        %get3A_492 = tpu.vector_load %arg11[%get3A_490, %get3A_491] {strides = array<i32>} : memref<16x1024xf32, #tpu.memory_space<vmem>>, vector<16xf32>,
        %mul3A_493 = arith.mulf %get3A_492, %gather3A : vector<16xf32>
        %swap3A_494 = arith.index_cast %scan3A_192 : i32 to index
        %swap3A_495 = arith.constant 672 : index
        %swap3A_496 = tpu.vector_load %arg11[%swap3A_494, %swap3A_495] {strides = array<i32>} : memref<16x1024xf32, #tpu.memory_space<vmem>>, vector<16xf32>,
        tpu.vector_store %arg11[%swap3A_494, %swap3A_495], %mul3A_493 {strides = array<i32>} : memref<16x1024xf32, #tpu.memory_space<vmem>>, vector<16xf32>,
        %get3A_497 = arith.index_cast %scan3A_192 : i32 to index
        %get3A_498 = arith.constant 688 : index
        %get3A_499 = tpu.vector_load %arg11[%get3A_497, %get3A_498] {strides = array<i32>} : memref<16x1024xf32, #tpu.memory_space<vmem>>, vector<16xf32>,
        %mul3A_500 = arith.mulf %get3A_499, %gather3A : vector<16xf32>
        %swap3A_501 = arith.index_cast %scan3A_192 : i32 to index
        %swap3A_502 = arith.constant 688 : index
        %swap3A_503 = tpu.vector_load %arg11[%swap3A_501, %swap3A_502] {strides = array<i32>} : memref<16x1024xf32, #tpu.memory_space<vmem>>, vector<16xf32>,
        tpu.vector_store %arg11[%swap3A_501, %swap3A_502], %mul3A_500 {strides = array<i32>} : memref<16x1024xf32, #tpu.memory_space<vmem>>, vector<16xf32>,
        %get3A_504 = arith.index_cast %scan3A_192 : i32 to index
        %get3A_505 = arith.constant 704 : index
        %get3A_506 = tpu.vector_load %arg11[%get3A_504, %get3A_505] {strides = array<i32>} : memref<16x1024xf32, #tpu.memory_space<vmem>>, vector<16xf32>,
        %mul3A_507 = arith.mulf %get3A_506, %gather3A : vector<16xf32>
        %swap3A_508 = arith.index_cast %scan3A_192 : i32 to index
        %swap3A_509 = arith.constant 704 : index
        %swap3A_510 = tpu.vector_load %arg11[%swap3A_508, %swap3A_509] {strides = array<i32>} : memref<16x1024xf32, #tpu.memory_space<vmem>>, vector<16xf32>,
        tpu.vector_store %arg11[%swap3A_508, %swap3A_509], %mul3A_507 {strides = array<i32>} : memref<16x1024xf32, #tpu.memory_space<vmem>>, vector<16xf32>,
        %get3A_511 = arith.index_cast %scan3A_192 : i32 to index
        %get3A_512 = arith.constant 720 : index
        %get3A_513 = tpu.vector_load %arg11[%get3A_511, %get3A_512] {strides = array<i32>} : memref<16x1024xf32, #tpu.memory_space<vmem>>, vector<16xf32>,
        %mul3A_514 = arith.mulf %get3A_513, %gather3A : vector<16xf32>
        %swap3A_515 = arith.index_cast %scan3A_192 : i32 to index
        %swap3A_516 = arith.constant 720 : index
        %swap3A_517 = tpu.vector_load %arg11[%swap3A_515, %swap3A_516] {strides = array<i32>} : memref<16x1024xf32, #tpu.memory_space<vmem>>, vector<16xf32>,
        tpu.vector_store %arg11[%swap3A_515, %swap3A_516], %mul3A_514 {strides = array<i32>} : memref<16x1024xf32, #tpu.memory_space<vmem>>, vector<16xf32>,
        %get3A_518 = arith.index_cast %scan3A_192 : i32 to index
        %get3A_519 = arith.constant 736 : index
        %get3A_520 = tpu.vector_load %arg11[%get3A_518, %get3A_519] {strides = array<i32>} : memref<16x1024xf32, #tpu.memory_space<vmem>>, vector<16xf32>,
        %mul3A_521 = arith.mulf %get3A_520, %gather3A : vector<16xf32>
        %swap3A_522 = arith.index_cast %scan3A_192 : i32 to index
        %swap3A_523 = arith.constant 736 : index
        %swap3A_524 = tpu.vector_load %arg11[%swap3A_522, %swap3A_523] {strides = array<i32>} : memref<16x1024xf32, #tpu.memory_space<vmem>>, vector<16xf32>,
        tpu.vector_store %arg11[%swap3A_522, %swap3A_523], %mul3A_521 {strides = array<i32>} : memref<16x1024xf32, #tpu.memory_space<vmem>>, vector<16xf32>,
        %get3A_525 = arith.index_cast %scan3A_192 : i32 to index
        %get3A_526 = arith.constant 752 : index
        %get3A_527 = tpu.vector_load %arg11[%get3A_525, %get3A_526] {strides = array<i32>} : memref<16x1024xf32, #tpu.memory_space<vmem>>, vector<16xf32>,
        %mul3A_528 = arith.mulf %get3A_527, %gather3A : vector<16xf32>
        %swap3A_529 = arith.index_cast %scan3A_192 : i32 to index
        %swap3A_530 = arith.constant 752 : index
        %swap3A_531 = tpu.vector_load %arg11[%swap3A_529, %swap3A_530] {strides = array<i32>} : memref<16x1024xf32, #tpu.memory_space<vmem>>, vector<16xf32>,
        tpu.vector_store %arg11[%swap3A_529, %swap3A_530], %mul3A_528 {strides = array<i32>} : memref<16x1024xf32, #tpu.memory_space<vmem>>, vector<16xf32>,
        %get3A_532 = arith.index_cast %scan3A_192 : i32 to index
        %get3A_533 = arith.constant 768 : index
        %get3A_534 = tpu.vector_load %arg11[%get3A_532, %get3A_533] {strides = array<i32>} : memref<16x1024xf32, #tpu.memory_space<vmem>>, vector<16xf32>,
        %mul3A_535 = arith.mulf %get3A_534, %gather3A : vector<16xf32>
        %swap3A_536 = arith.index_cast %scan3A_192 : i32 to index
        %swap3A_537 = arith.constant 768 : index
        %swap3A_538 = tpu.vector_load %arg11[%swap3A_536, %swap3A_537] {strides = array<i32>} : memref<16x1024xf32, #tpu.memory_space<vmem>>, vector<16xf32>,
        tpu.vector_store %arg11[%swap3A_536, %swap3A_537], %mul3A_535 {strides = array<i32>} : memref<16x1024xf32, #tpu.memory_space<vmem>>, vector<16xf32>,
        %get3A_539 = arith.index_cast %scan3A_192 : i32 to index
        %get3A_540 = arith.constant 784 : index
        %get3A_541 = tpu.vector_load %arg11[%get3A_539, %get3A_540] {strides = array<i32>} : memref<16x1024xf32, #tpu.memory_space<vmem>>, vector<16xf32>,
        %mul3A_542 = arith.mulf %get3A_541, %gather3A : vector<16xf32>
        %swap3A_543 = arith.index_cast %scan3A_192 : i32 to index
        %swap3A_544 = arith.constant 784 : index
        %swap3A_545 = tpu.vector_load %arg11[%swap3A_543, %swap3A_544] {strides = array<i32>} : memref<16x1024xf32, #tpu.memory_space<vmem>>, vector<16xf32>,
        tpu.vector_store %arg11[%swap3A_543, %swap3A_544], %mul3A_542 {strides = array<i32>} : memref<16x1024xf32, #tpu.memory_space<vmem>>, vector<16xf32>,
        %get3A_546 = arith.index_cast %scan3A_192 : i32 to index
        %get3A_547 = arith.constant 800 : index
        %get3A_548 = tpu.vector_load %arg11[%get3A_546, %get3A_547] {strides = array<i32>} : memref<16x1024xf32, #tpu.memory_space<vmem>>, vector<16xf32>,
        %mul3A_549 = arith.mulf %get3A_548, %gather3A : vector<16xf32>
        %swap3A_550 = arith.index_cast %scan3A_192 : i32 to index
        %swap3A_551 = arith.constant 800 : index
        %swap3A_552 = tpu.vector_load %arg11[%swap3A_550, %swap3A_551] {strides = array<i32>} : memref<16x1024xf32, #tpu.memory_space<vmem>>, vector<16xf32>,
        tpu.vector_store %arg11[%swap3A_550, %swap3A_551], %mul3A_549 {strides = array<i32>} : memref<16x1024xf32, #tpu.memory_space<vmem>>, vector<16xf32>,
        %get3A_553 = arith.index_cast %scan3A_192 : i32 to index
        %get3A_554 = arith.constant 816 : index
        %get3A_555 = tpu.vector_load %arg11[%get3A_553, %get3A_554] {strides = array<i32>} : memref<16x1024xf32, #tpu.memory_space<vmem>>, vector<16xf32>,
        %mul3A_556 = arith.mulf %get3A_555, %gather3A : vector<16xf32>
        %swap3A_557 = arith.index_cast %scan3A_192 : i32 to index
        %swap3A_558 = arith.constant 816 : index
        %swap3A_559 = tpu.vector_load %arg11[%swap3A_557, %swap3A_558] {strides = array<i32>} : memref<16x1024xf32, #tpu.memory_space<vmem>>, vector<16xf32>,
        tpu.vector_store %arg11[%swap3A_557, %swap3A_558], %mul3A_556 {strides = array<i32>} : memref<16x1024xf32, #tpu.memory_space<vmem>>, vector<16xf32>,
        %get3A_560 = arith.index_cast %scan3A_192 : i32 to index
        %get3A_561 = arith.constant 832 : index
        %get3A_562 = tpu.vector_load %arg11[%get3A_560, %get3A_561] {strides = array<i32>} : memref<16x1024xf32, #tpu.memory_space<vmem>>, vector<16xf32>,
        %mul3A_563 = arith.mulf %get3A_562, %gather3A : vector<16xf32>
        %swap3A_564 = arith.index_cast %scan3A_192 : i32 to index
        %swap3A_565 = arith.constant 832 : index
        %swap3A_566 = tpu.vector_load %arg11[%swap3A_564, %swap3A_565] {strides = array<i32>} : memref<16x1024xf32, #tpu.memory_space<vmem>>, vector<16xf32>,
        tpu.vector_store %arg11[%swap3A_564, %swap3A_565], %mul3A_563 {strides = array<i32>} : memref<16x1024xf32, #tpu.memory_space<vmem>>, vector<16xf32>,
        %get3A_567 = arith.index_cast %scan3A_192 : i32 to index
        %get3A_568 = arith.constant 848 : index
        %get3A_569 = tpu.vector_load %arg11[%get3A_567, %get3A_568] {strides = array<i32>} : memref<16x1024xf32, #tpu.memory_space<vmem>>, vector<16xf32>,
        %mul3A_570 = arith.mulf %get3A_569, %gather3A : vector<16xf32>
        %swap3A_571 = arith.index_cast %scan3A_192 : i32 to index
        %swap3A_572 = arith.constant 848 : index
        %swap3A_573 = tpu.vector_load %arg11[%swap3A_571, %swap3A_572] {strides = array<i32>} : memref<16x1024xf32, #tpu.memory_space<vmem>>, vector<16xf32>,
        tpu.vector_store %arg11[%swap3A_571, %swap3A_572], %mul3A_570 {strides = array<i32>} : memref<16x1024xf32, #tpu.memory_space<vmem>>, vector<16xf32>,
        %get3A_574 = arith.index_cast %scan3A_192 : i32 to index
        %get3A_575 = arith.constant 864 : index
        %get3A_576 = tpu.vector_load %arg11[%get3A_574, %get3A_575] {strides = array<i32>} : memref<16x1024xf32, #tpu.memory_space<vmem>>, vector<16xf32>,
        %mul3A_577 = arith.mulf %get3A_576, %gather3A : vector<16xf32>
        %swap3A_578 = arith.index_cast %scan3A_192 : i32 to index
        %swap3A_579 = arith.constant 864 : index
        %swap3A_580 = tpu.vector_load %arg11[%swap3A_578, %swap3A_579] {strides = array<i32>} : memref<16x1024xf32, #tpu.memory_space<vmem>>, vector<16xf32>,
        tpu.vector_store %arg11[%swap3A_578, %swap3A_579], %mul3A_577 {strides = array<i32>} : memref<16x1024xf32, #tpu.memory_space<vmem>>, vector<16xf32>,
        %get3A_581 = arith.index_cast %scan3A_192 : i32 to index
        %get3A_582 = arith.constant 880 : index
        %get3A_583 = tpu.vector_load %arg11[%get3A_581, %get3A_582] {strides = array<i32>} : memref<16x1024xf32, #tpu.memory_space<vmem>>, vector<16xf32>,
        %mul3A_584 = arith.mulf %get3A_583, %gather3A : vector<16xf32>
        %swap3A_585 = arith.index_cast %scan3A_192 : i32 to index
        %swap3A_586 = arith.constant 880 : index
        %swap3A_587 = tpu.vector_load %arg11[%swap3A_585, %swap3A_586] {strides = array<i32>} : memref<16x1024xf32, #tpu.memory_space<vmem>>, vector<16xf32>,
        tpu.vector_store %arg11[%swap3A_585, %swap3A_586], %mul3A_584 {strides = array<i32>} : memref<16x1024xf32, #tpu.memory_space<vmem>>, vector<16xf32>,
        %get3A_588 = arith.index_cast %scan3A_192 : i32 to index
        %get3A_589 = arith.constant 896 : index
        %get3A_590 = tpu.vector_load %arg11[%get3A_588, %get3A_589] {strides = array<i32>} : memref<16x1024xf32, #tpu.memory_space<vmem>>, vector<16xf32>,
        %mul3A_591 = arith.mulf %get3A_590, %gather3A : vector<16xf32>
        %swap3A_592 = arith.index_cast %scan3A_192 : i32 to index
        %swap3A_593 = arith.constant 896 : index
        %swap3A_594 = tpu.vector_load %arg11[%swap3A_592, %swap3A_593] {strides = array<i32>} : memref<16x1024xf32, #tpu.memory_space<vmem>>, vector<16xf32>,
        tpu.vector_store %arg11[%swap3A_592, %swap3A_593], %mul3A_591 {strides = array<i32>} : memref<16x1024xf32, #tpu.memory_space<vmem>>, vector<16xf32>,
        %get3A_595 = arith.index_cast %scan3A_192 : i32 to index
        %get3A_596 = arith.constant 912 : index
        %get3A_597 = tpu.vector_load %arg11[%get3A_595, %get3A_596] {strides = array<i32>} : memref<16x1024xf32, #tpu.memory_space<vmem>>, vector<16xf32>,
        %mul3A_598 = arith.mulf %get3A_597, %gather3A : vector<16xf32>
        %swap3A_599 = arith.index_cast %scan3A_192 : i32 to index
        %swap3A_600 = arith.constant 912 : index
        %swap3A_601 = tpu.vector_load %arg11[%swap3A_599, %swap3A_600] {strides = array<i32>} : memref<16x1024xf32, #tpu.memory_space<vmem>>, vector<16xf32>,
        tpu.vector_store %arg11[%swap3A_599, %swap3A_600], %mul3A_598 {strides = array<i32>} : memref<16x1024xf32, #tpu.memory_space<vmem>>, vector<16xf32>,
        %get3A_602 = arith.index_cast %scan3A_192 : i32 to index
        %get3A_603 = arith.constant 928 : index
        %get3A_604 = tpu.vector_load %arg11[%get3A_602, %get3A_603] {strides = array<i32>} : memref<16x1024xf32, #tpu.memory_space<vmem>>, vector<16xf32>,
        %mul3A_605 = arith.mulf %get3A_604, %gather3A : vector<16xf32>
        %swap3A_606 = arith.index_cast %scan3A_192 : i32 to index
        %swap3A_607 = arith.constant 928 : index
        %swap3A_608 = tpu.vector_load %arg11[%swap3A_606, %swap3A_607] {strides = array<i32>} : memref<16x1024xf32, #tpu.memory_space<vmem>>, vector<16xf32>,
        tpu.vector_store %arg11[%swap3A_606, %swap3A_607], %mul3A_605 {strides = array<i32>} : memref<16x1024xf32, #tpu.memory_space<vmem>>, vector<16xf32>,
        %get3A_609 = arith.index_cast %scan3A_192 : i32 to index
        %get3A_610 = arith.constant 944 : index
        %get3A_611 = tpu.vector_load %arg11[%get3A_609, %get3A_610] {strides = array<i32>} : memref<16x1024xf32, #tpu.memory_space<vmem>>, vector<16xf32>,
        %mul3A_612 = arith.mulf %get3A_611, %gather3A : vector<16xf32>
        %swap3A_613 = arith.index_cast %scan3A_192 : i32 to index
        %swap3A_614 = arith.constant 944 : index
        %swap3A_615 = tpu.vector_load %arg11[%swap3A_613, %swap3A_614] {strides = array<i32>} : memref<16x1024xf32, #tpu.memory_space<vmem>>, vector<16xf32>,
        tpu.vector_store %arg11[%swap3A_613, %swap3A_614], %mul3A_612 {strides = array<i32>} : memref<16x1024xf32, #tpu.memory_space<vmem>>, vector<16xf32>,
        %get3A_616 = arith.index_cast %scan3A_192 : i32 to index
        %get3A_617 = arith.constant 960 : index
        %get3A_618 = tpu.vector_load %arg11[%get3A_616, %get3A_617] {strides = array<i32>} : memref<16x1024xf32, #tpu.memory_space<vmem>>, vector<16xf32>,
        %mul3A_619 = arith.mulf %get3A_618, %gather3A : vector<16xf32>
        %swap3A_620 = arith.index_cast %scan3A_192 : i32 to index
        %swap3A_621 = arith.constant 960 : index
        %swap3A_622 = tpu.vector_load %arg11[%swap3A_620, %swap3A_621] {strides = array<i32>} : memref<16x1024xf32, #tpu.memory_space<vmem>>, vector<16xf32>,
        tpu.vector_store %arg11[%swap3A_620, %swap3A_621], %mul3A_619 {strides = array<i32>} : memref<16x1024xf32, #tpu.memory_space<vmem>>, vector<16xf32>,
        %get3A_623 = arith.index_cast %scan3A_192 : i32 to index
        %get3A_624 = arith.constant 976 : index
        %get3A_625 = tpu.vector_load %arg11[%get3A_623, %get3A_624] {strides = array<i32>} : memref<16x1024xf32, #tpu.memory_space<vmem>>, vector<16xf32>,
        %mul3A_626 = arith.mulf %get3A_625, %gather3A : vector<16xf32>
        %swap3A_627 = arith.index_cast %scan3A_192 : i32 to index
        %swap3A_628 = arith.constant 976 : index
        %swap3A_629 = tpu.vector_load %arg11[%swap3A_627, %swap3A_628] {strides = array<i32>} : memref<16x1024xf32, #tpu.memory_space<vmem>>, vector<16xf32>,
        tpu.vector_store %arg11[%swap3A_627, %swap3A_628], %mul3A_626 {strides = array<i32>} : memref<16x1024xf32, #tpu.memory_space<vmem>>, vector<16xf32>,
        %get3A_630 = arith.index_cast %scan3A_192 : i32 to index
        %get3A_631 = arith.constant 992 : index
        %get3A_632 = tpu.vector_load %arg11[%get3A_630, %get3A_631] {strides = array<i32>} : memref<16x1024xf32, #tpu.memory_space<vmem>>, vector<16xf32>,
        %mul3A_633 = arith.mulf %get3A_632, %gather3A : vector<16xf32>
        %swap3A_634 = arith.index_cast %scan3A_192 : i32 to index
        %swap3A_635 = arith.constant 992 : index
        %swap3A_636 = tpu.vector_load %arg11[%swap3A_634, %swap3A_635] {strides = array<i32>} : memref<16x1024xf32, #tpu.memory_space<vmem>>, vector<16xf32>,
        tpu.vector_store %arg11[%swap3A_634, %swap3A_635], %mul3A_633 {strides = array<i32>} : memref<16x1024xf32, #tpu.memory_space<vmem>>, vector<16xf32>,
        %get3A_637 = arith.index_cast %scan3A_192 : i32 to index
        %get3A_638 = arith.constant 1008 : index
        %get3A_639 = tpu.vector_load %arg11[%get3A_637, %get3A_638] {strides = array<i32>} : memref<16x1024xf32, #tpu.memory_space<vmem>>, vector<16xf32>,
        %mul3A_640 = arith.mulf %get3A_639, %gather3A : vector<16xf32>
        %swap3A_641 = arith.index_cast %scan3A_192 : i32 to index
        %swap3A_642 = arith.constant 1008 : index
        %swap3A_643 = tpu.vector_load %arg11[%swap3A_641, %swap3A_642] {strides = array<i32>} : memref<16x1024xf32, #tpu.memory_space<vmem>>, vector<16xf32>,
        tpu.vector_store %arg11[%swap3A_641, %swap3A_642], %mul3A_640 {strides = array<i32>} : memref<16x1024xf32, #tpu.memory_space<vmem>>, vector<16xf32>,
        %scan3A_644 = arith.constant 0 : i32
        scf.yield %scan3A_644 : i32
      }
      %scan3A_149 = arith.constant 16 : i32
      %mul3A_150 = arith.constant 16 : i32
      %mul3A_151 = arith.muli %add3A_124, %mul3A_150 : i32
      %add3A_152 = arith.addi %mul3A_2, %mul3A_151 : i32
      %dma_start3A_153 = arith.constant 0 : i32
      %dma_start3A_154 = tpu.memref_slice %arg5[%add3A_152, %dma_start3A_153] : memref<32768x1024xf32, #tpu.memory_space<hbm>> -> memref<16x1024xf32, #tpu.memory_space<hbm>>
      %dma_start3A_155 = arith.constant 0 : i32
      %dma_start3A_156 = tpu.memref_slice %arg5[%add3A_152, %dma_start3A_155] : memref<32768x1024xf32, #tpu.memory_space<hbm>> -> memref<16x1024xf32, #tpu.memory_space<hbm>>
      tpu.enqueue_dma source(%arg11 : memref<16x1024xf32, #tpu.memory_space<vmem>>) target(%dma_start3A_156 : memref<16x1024xf32, #tpu.memory_space<hbm>>) target_semaphore(%arg19 : memref<!tpu.dma_semaphore, #tpu.memory_space<semaphore_mem>>)
      %add3A_157 = arith.constant 3 : i32
      %add3A_158 = arith.addi %mul3A_58, %add3A_157 : i32
      %ge3A_159 = arith.constant 2 : i32
      %ge3A_160 = arith.cmpi sge, %add3A_158, %ge3A_159 : i32
      %convert_element_type3A_161 = arith.extui %ge3A_160 : i1 to i32
      %cond3A_162 = arith.constant 0 : i32
      %cond3A_163 = arith.cmpi ne, %convert_element_type3A_161, %cond3A_162 : i32
      scf.if %cond3A_163 {
        %dma_wait3A_192 = arith.constant 0 : i32
        %dma_wait3A_193 = arith.constant 0 : i32
        %dma_wait3A_194 = tpu.memref_slice %arg2[%dma_wait3A_192, %dma_wait3A_193] : memref<32768x1024xf32, #tpu.memory_space<hbm>> -> memref<16x1024xf32, #tpu.memory_space<hbm>>
        %dma_wait3A_195 = arith.constant 0 : i32
        %dma_wait3A_196 = arith.constant 0 : i32
        %dma_wait3A_197 = tpu.memref_slice %arg2[%dma_wait3A_195, %dma_wait3A_196] : memref<32768x1024xf32, #tpu.memory_space<hbm>> -> memref<16x1024xf32, #tpu.memory_space<hbm>>
        tpu.wait_dma2 semaphore(%arg18 : memref<!tpu.dma_semaphore, #tpu.memory_space<semaphore_mem>>) src(%dma_wait3A_197 : memref<16x1024xf32, #tpu.memory_space<hbm>>) dst(%arg10 : memref<16x1024xf32, #tpu.memory_space<vmem>>)
      } else {
      }
      %add3A_164 = arith.constant 2 : i32
      %add3A_165 = arith.addi %add3A_158, %add3A_164 : i32
      %lt3A_166 = arith.constant 64 : i32
      %lt3A_167 = arith.cmpi slt, %add3A_165, %lt3A_166 : i32
      %convert_element_type3A_168 = arith.extui %lt3A_167 : i1 to i32
      %cond3A_169 = arith.constant 0 : i32
      %cond3A_170 = arith.cmpi ne, %convert_element_type3A_168, %cond3A_169 : i32
      scf.if %cond3A_170 {
        %add3A_192 = arith.constant 2 : i32
        %add3A_193 = arith.addi %add3A_158, %add3A_192 : i32
        %mul3A_194 = arith.constant 16 : i32
        %mul3A_195 = arith.muli %add3A_193, %mul3A_194 : i32
        %dma_start3A_196 = tpu.memref_slice %arg6[%mul3A_195] : memref<1024xi32, #tpu.memory_space<vmem>> -> memref<16xi32, #tpu.memory_space<vmem>>
        %dma_start3A_197 = arith.constant 0 : i32
        %dma_start3A_198 = arith.constant 0 : i32
        %dma_start3A_199 = tpu.memref_slice %arg2[%dma_start3A_197, %dma_start3A_198] : memref<32768x1024xf32, #tpu.memory_space<hbm>> -> memref<32768x1024xf32, #tpu.memory_space<hbm>>
        tpu.enqueue_indirect_dma source(%dma_start3A_199 : memref<32768x1024xf32, #tpu.memory_space<hbm>>) target(%arg10 : memref<16x1024xf32, #tpu.memory_space<vmem>>) offsets(%dma_start3A_196 : memref<16xi32, #tpu.memory_space<vmem>>) semaphore(%arg14 : memref<!tpu.dma_semaphore, #tpu.memory_space<semaphore_mem>>)
      } else {
      }
      %dma_wait3A_171 = arith.constant 0 : i32
      %dma_wait3A_172 = arith.constant 0 : i32
      %dma_wait3A_173 = tpu.memref_slice %arg2[%dma_wait3A_171, %dma_wait3A_172] : memref<32768x1024xf32, #tpu.memory_space<hbm>> -> memref<16x1024xf32, #tpu.memory_space<hbm>>
      %dma_wait3A_174 = arith.constant 0 : i32
      %dma_wait3A_175 = arith.constant 0 : i32
      %dma_wait3A_176 = tpu.memref_slice %arg2[%dma_wait3A_174, %dma_wait3A_175] : memref<32768x1024xf32, #tpu.memory_space<hbm>> -> memref<16x1024xf32, #tpu.memory_space<hbm>>
      tpu.wait_dma2 semaphore(%arg16 : memref<!tpu.dma_semaphore, #tpu.memory_space<semaphore_mem>>) src(%dma_wait3A_176 : memref<16x1024xf32, #tpu.memory_space<hbm>>) dst(%arg12 : memref<16x1024xf32, #tpu.memory_space<vmem>>)
      %scan3A_177 = arith.constant 0 : i32
      %scan3A_178 = arith.constant 0 : i32
      %scan3A_179 = arith.constant 16 : i32
      %scan3A_180 = arith.addi %scan3A_178, %scan3A_179 : i32
      %scan3A_181 = arith.constant 1 : i32
      %scan3A_182 = scf.for %scan3A_192 = %scan3A_178 to %scan3A_180 step %scan3A_181 iter_args(%scan3A_193 = %scan3A_177) -> (i32)  : i32 {
        %mul3A_194 = arith.constant 16 : i32
        %mul3A_195 = arith.muli %add3A_158, %mul3A_194 : i32
        %add3A_196 = arith.addi %mul3A_195, %scan3A_192 : i32
        %broadcast_in_dim3A_197 = vector.broadcast %add3A_196 : i32 to vector<16xi32>
        %gather3A = tpu.vector_load_idx %arg8[%broadcast_in_dim3A_197] : memref<1024xf32, #tpu.memory_space<vmem>>[vector<16xi32>], vector<16xf32>,
        %get3A = arith.index_cast %scan3A_192 : i32 to index
        %get3A_198 = arith.constant 0 : index
        %get3A_199 = tpu.vector_load %arg12[%get3A, %get3A_198] {strides = array<i32>} : memref<16x1024xf32, #tpu.memory_space<vmem>>, vector<16xf32>,
        %mul3A_200 = arith.mulf %get3A_199, %gather3A : vector<16xf32>
        %swap3A = arith.index_cast %scan3A_192 : i32 to index
        %swap3A_201 = arith.constant 0 : index
        %swap3A_202 = tpu.vector_load %arg12[%swap3A, %swap3A_201] {strides = array<i32>} : memref<16x1024xf32, #tpu.memory_space<vmem>>, vector<16xf32>,
        tpu.vector_store %arg12[%swap3A, %swap3A_201], %mul3A_200 {strides = array<i32>} : memref<16x1024xf32, #tpu.memory_space<vmem>>, vector<16xf32>,
        %get3A_203 = arith.index_cast %scan3A_192 : i32 to index
        %get3A_204 = arith.constant 16 : index
        %get3A_205 = tpu.vector_load %arg12[%get3A_203, %get3A_204] {strides = array<i32>} : memref<16x1024xf32, #tpu.memory_space<vmem>>, vector<16xf32>,
        %mul3A_206 = arith.mulf %get3A_205, %gather3A : vector<16xf32>
        %swap3A_207 = arith.index_cast %scan3A_192 : i32 to index
        %swap3A_208 = arith.constant 16 : index
        %swap3A_209 = tpu.vector_load %arg12[%swap3A_207, %swap3A_208] {strides = array<i32>} : memref<16x1024xf32, #tpu.memory_space<vmem>>, vector<16xf32>,
        tpu.vector_store %arg12[%swap3A_207, %swap3A_208], %mul3A_206 {strides = array<i32>} : memref<16x1024xf32, #tpu.memory_space<vmem>>, vector<16xf32>,
        %get3A_210 = arith.index_cast %scan3A_192 : i32 to index
        %get3A_211 = arith.constant 32 : index
        %get3A_212 = tpu.vector_load %arg12[%get3A_210, %get3A_211] {strides = array<i32>} : memref<16x1024xf32, #tpu.memory_space<vmem>>, vector<16xf32>,
        %mul3A_213 = arith.mulf %get3A_212, %gather3A : vector<16xf32>
        %swap3A_214 = arith.index_cast %scan3A_192 : i32 to index
        %swap3A_215 = arith.constant 32 : index
        %swap3A_216 = tpu.vector_load %arg12[%swap3A_214, %swap3A_215] {strides = array<i32>} : memref<16x1024xf32, #tpu.memory_space<vmem>>, vector<16xf32>,
        tpu.vector_store %arg12[%swap3A_214, %swap3A_215], %mul3A_213 {strides = array<i32>} : memref<16x1024xf32, #tpu.memory_space<vmem>>, vector<16xf32>,
        %get3A_217 = arith.index_cast %scan3A_192 : i32 to index
        %get3A_218 = arith.constant 48 : index
        %get3A_219 = tpu.vector_load %arg12[%get3A_217, %get3A_218] {strides = array<i32>} : memref<16x1024xf32, #tpu.memory_space<vmem>>, vector<16xf32>,
        %mul3A_220 = arith.mulf %get3A_219, %gather3A : vector<16xf32>
        %swap3A_221 = arith.index_cast %scan3A_192 : i32 to index
        %swap3A_222 = arith.constant 48 : index
        %swap3A_223 = tpu.vector_load %arg12[%swap3A_221, %swap3A_222] {strides = array<i32>} : memref<16x1024xf32, #tpu.memory_space<vmem>>, vector<16xf32>,
        tpu.vector_store %arg12[%swap3A_221, %swap3A_222], %mul3A_220 {strides = array<i32>} : memref<16x1024xf32, #tpu.memory_space<vmem>>, vector<16xf32>,
        %get3A_224 = arith.index_cast %scan3A_192 : i32 to index
        %get3A_225 = arith.constant 64 : index
        %get3A_226 = tpu.vector_load %arg12[%get3A_224, %get3A_225] {strides = array<i32>} : memref<16x1024xf32, #tpu.memory_space<vmem>>, vector<16xf32>,
        %mul3A_227 = arith.mulf %get3A_226, %gather3A : vector<16xf32>
        %swap3A_228 = arith.index_cast %scan3A_192 : i32 to index
        %swap3A_229 = arith.constant 64 : index
        %swap3A_230 = tpu.vector_load %arg12[%swap3A_228, %swap3A_229] {strides = array<i32>} : memref<16x1024xf32, #tpu.memory_space<vmem>>, vector<16xf32>,
        tpu.vector_store %arg12[%swap3A_228, %swap3A_229], %mul3A_227 {strides = array<i32>} : memref<16x1024xf32, #tpu.memory_space<vmem>>, vector<16xf32>,
        %get3A_231 = arith.index_cast %scan3A_192 : i32 to index
        %get3A_232 = arith.constant 80 : index
        %get3A_233 = tpu.vector_load %arg12[%get3A_231, %get3A_232] {strides = array<i32>} : memref<16x1024xf32, #tpu.memory_space<vmem>>, vector<16xf32>,
        %mul3A_234 = arith.mulf %get3A_233, %gather3A : vector<16xf32>
        %swap3A_235 = arith.index_cast %scan3A_192 : i32 to index
        %swap3A_236 = arith.constant 80 : index
        %swap3A_237 = tpu.vector_load %arg12[%swap3A_235, %swap3A_236] {strides = array<i32>} : memref<16x1024xf32, #tpu.memory_space<vmem>>, vector<16xf32>,
        tpu.vector_store %arg12[%swap3A_235, %swap3A_236], %mul3A_234 {strides = array<i32>} : memref<16x1024xf32, #tpu.memory_space<vmem>>, vector<16xf32>,
        %get3A_238 = arith.index_cast %scan3A_192 : i32 to index
        %get3A_239 = arith.constant 96 : index
        %get3A_240 = tpu.vector_load %arg12[%get3A_238, %get3A_239] {strides = array<i32>} : memref<16x1024xf32, #tpu.memory_space<vmem>>, vector<16xf32>,
        %mul3A_241 = arith.mulf %get3A_240, %gather3A : vector<16xf32>
        %swap3A_242 = arith.index_cast %scan3A_192 : i32 to index
        %swap3A_243 = arith.constant 96 : index
        %swap3A_244 = tpu.vector_load %arg12[%swap3A_242, %swap3A_243] {strides = array<i32>} : memref<16x1024xf32, #tpu.memory_space<vmem>>, vector<16xf32>,
        tpu.vector_store %arg12[%swap3A_242, %swap3A_243], %mul3A_241 {strides = array<i32>} : memref<16x1024xf32, #tpu.memory_space<vmem>>, vector<16xf32>,
        %get3A_245 = arith.index_cast %scan3A_192 : i32 to index
        %get3A_246 = arith.constant 112 : index
        %get3A_247 = tpu.vector_load %arg12[%get3A_245, %get3A_246] {strides = array<i32>} : memref<16x1024xf32, #tpu.memory_space<vmem>>, vector<16xf32>,
        %mul3A_248 = arith.mulf %get3A_247, %gather3A : vector<16xf32>
        %swap3A_249 = arith.index_cast %scan3A_192 : i32 to index
        %swap3A_250 = arith.constant 112 : index
        %swap3A_251 = tpu.vector_load %arg12[%swap3A_249, %swap3A_250] {strides = array<i32>} : memref<16x1024xf32, #tpu.memory_space<vmem>>, vector<16xf32>,
        tpu.vector_store %arg12[%swap3A_249, %swap3A_250], %mul3A_248 {strides = array<i32>} : memref<16x1024xf32, #tpu.memory_space<vmem>>, vector<16xf32>,
        %get3A_252 = arith.index_cast %scan3A_192 : i32 to index
        %get3A_253 = arith.constant 128 : index
        %get3A_254 = tpu.vector_load %arg12[%get3A_252, %get3A_253] {strides = array<i32>} : memref<16x1024xf32, #tpu.memory_space<vmem>>, vector<16xf32>,
        %mul3A_255 = arith.mulf %get3A_254, %gather3A : vector<16xf32>
        %swap3A_256 = arith.index_cast %scan3A_192 : i32 to index
        %swap3A_257 = arith.constant 128 : index
        %swap3A_258 = tpu.vector_load %arg12[%swap3A_256, %swap3A_257] {strides = array<i32>} : memref<16x1024xf32, #tpu.memory_space<vmem>>, vector<16xf32>,
        tpu.vector_store %arg12[%swap3A_256, %swap3A_257], %mul3A_255 {strides = array<i32>} : memref<16x1024xf32, #tpu.memory_space<vmem>>, vector<16xf32>,
        %get3A_259 = arith.index_cast %scan3A_192 : i32 to index
        %get3A_260 = arith.constant 144 : index
        %get3A_261 = tpu.vector_load %arg12[%get3A_259, %get3A_260] {strides = array<i32>} : memref<16x1024xf32, #tpu.memory_space<vmem>>, vector<16xf32>,
        %mul3A_262 = arith.mulf %get3A_261, %gather3A : vector<16xf32>
        %swap3A_263 = arith.index_cast %scan3A_192 : i32 to index
        %swap3A_264 = arith.constant 144 : index
        %swap3A_265 = tpu.vector_load %arg12[%swap3A_263, %swap3A_264] {strides = array<i32>} : memref<16x1024xf32, #tpu.memory_space<vmem>>, vector<16xf32>,
        tpu.vector_store %arg12[%swap3A_263, %swap3A_264], %mul3A_262 {strides = array<i32>} : memref<16x1024xf32, #tpu.memory_space<vmem>>, vector<16xf32>,
        %get3A_266 = arith.index_cast %scan3A_192 : i32 to index
        %get3A_267 = arith.constant 160 : index
        %get3A_268 = tpu.vector_load %arg12[%get3A_266, %get3A_267] {strides = array<i32>} : memref<16x1024xf32, #tpu.memory_space<vmem>>, vector<16xf32>,
        %mul3A_269 = arith.mulf %get3A_268, %gather3A : vector<16xf32>
        %swap3A_270 = arith.index_cast %scan3A_192 : i32 to index
        %swap3A_271 = arith.constant 160 : index
        %swap3A_272 = tpu.vector_load %arg12[%swap3A_270, %swap3A_271] {strides = array<i32>} : memref<16x1024xf32, #tpu.memory_space<vmem>>, vector<16xf32>,
        tpu.vector_store %arg12[%swap3A_270, %swap3A_271], %mul3A_269 {strides = array<i32>} : memref<16x1024xf32, #tpu.memory_space<vmem>>, vector<16xf32>,
        %get3A_273 = arith.index_cast %scan3A_192 : i32 to index
        %get3A_274 = arith.constant 176 : index
        %get3A_275 = tpu.vector_load %arg12[%get3A_273, %get3A_274] {strides = array<i32>} : memref<16x1024xf32, #tpu.memory_space<vmem>>, vector<16xf32>,
        %mul3A_276 = arith.mulf %get3A_275, %gather3A : vector<16xf32>
        %swap3A_277 = arith.index_cast %scan3A_192 : i32 to index
        %swap3A_278 = arith.constant 176 : index
        %swap3A_279 = tpu.vector_load %arg12[%swap3A_277, %swap3A_278] {strides = array<i32>} : memref<16x1024xf32, #tpu.memory_space<vmem>>, vector<16xf32>,
        tpu.vector_store %arg12[%swap3A_277, %swap3A_278], %mul3A_276 {strides = array<i32>} : memref<16x1024xf32, #tpu.memory_space<vmem>>, vector<16xf32>,
        %get3A_280 = arith.index_cast %scan3A_192 : i32 to index
        %get3A_281 = arith.constant 192 : index
        %get3A_282 = tpu.vector_load %arg12[%get3A_280, %get3A_281] {strides = array<i32>} : memref<16x1024xf32, #tpu.memory_space<vmem>>, vector<16xf32>,
        %mul3A_283 = arith.mulf %get3A_282, %gather3A : vector<16xf32>
        %swap3A_284 = arith.index_cast %scan3A_192 : i32 to index
        %swap3A_285 = arith.constant 192 : index
        %swap3A_286 = tpu.vector_load %arg12[%swap3A_284, %swap3A_285] {strides = array<i32>} : memref<16x1024xf32, #tpu.memory_space<vmem>>, vector<16xf32>,
        tpu.vector_store %arg12[%swap3A_284, %swap3A_285], %mul3A_283 {strides = array<i32>} : memref<16x1024xf32, #tpu.memory_space<vmem>>, vector<16xf32>,
        %get3A_287 = arith.index_cast %scan3A_192 : i32 to index
        %get3A_288 = arith.constant 208 : index
        %get3A_289 = tpu.vector_load %arg12[%get3A_287, %get3A_288] {strides = array<i32>} : memref<16x1024xf32, #tpu.memory_space<vmem>>, vector<16xf32>,
        %mul3A_290 = arith.mulf %get3A_289, %gather3A : vector<16xf32>
        %swap3A_291 = arith.index_cast %scan3A_192 : i32 to index
        %swap3A_292 = arith.constant 208 : index
        %swap3A_293 = tpu.vector_load %arg12[%swap3A_291, %swap3A_292] {strides = array<i32>} : memref<16x1024xf32, #tpu.memory_space<vmem>>, vector<16xf32>,
        tpu.vector_store %arg12[%swap3A_291, %swap3A_292], %mul3A_290 {strides = array<i32>} : memref<16x1024xf32, #tpu.memory_space<vmem>>, vector<16xf32>,
        %get3A_294 = arith.index_cast %scan3A_192 : i32 to index
        %get3A_295 = arith.constant 224 : index
        %get3A_296 = tpu.vector_load %arg12[%get3A_294, %get3A_295] {strides = array<i32>} : memref<16x1024xf32, #tpu.memory_space<vmem>>, vector<16xf32>,
        %mul3A_297 = arith.mulf %get3A_296, %gather3A : vector<16xf32>
        %swap3A_298 = arith.index_cast %scan3A_192 : i32 to index
        %swap3A_299 = arith.constant 224 : index
        %swap3A_300 = tpu.vector_load %arg12[%swap3A_298, %swap3A_299] {strides = array<i32>} : memref<16x1024xf32, #tpu.memory_space<vmem>>, vector<16xf32>,
        tpu.vector_store %arg12[%swap3A_298, %swap3A_299], %mul3A_297 {strides = array<i32>} : memref<16x1024xf32, #tpu.memory_space<vmem>>, vector<16xf32>,
        %get3A_301 = arith.index_cast %scan3A_192 : i32 to index
        %get3A_302 = arith.constant 240 : index
        %get3A_303 = tpu.vector_load %arg12[%get3A_301, %get3A_302] {strides = array<i32>} : memref<16x1024xf32, #tpu.memory_space<vmem>>, vector<16xf32>,
        %mul3A_304 = arith.mulf %get3A_303, %gather3A : vector<16xf32>
        %swap3A_305 = arith.index_cast %scan3A_192 : i32 to index
        %swap3A_306 = arith.constant 240 : index
        %swap3A_307 = tpu.vector_load %arg12[%swap3A_305, %swap3A_306] {strides = array<i32>} : memref<16x1024xf32, #tpu.memory_space<vmem>>, vector<16xf32>,
        tpu.vector_store %arg12[%swap3A_305, %swap3A_306], %mul3A_304 {strides = array<i32>} : memref<16x1024xf32, #tpu.memory_space<vmem>>, vector<16xf32>,
        %get3A_308 = arith.index_cast %scan3A_192 : i32 to index
        %get3A_309 = arith.constant 256 : index
        %get3A_310 = tpu.vector_load %arg12[%get3A_308, %get3A_309] {strides = array<i32>} : memref<16x1024xf32, #tpu.memory_space<vmem>>, vector<16xf32>,
        %mul3A_311 = arith.mulf %get3A_310, %gather3A : vector<16xf32>
        %swap3A_312 = arith.index_cast %scan3A_192 : i32 to index
        %swap3A_313 = arith.constant 256 : index
        %swap3A_314 = tpu.vector_load %arg12[%swap3A_312, %swap3A_313] {strides = array<i32>} : memref<16x1024xf32, #tpu.memory_space<vmem>>, vector<16xf32>,
        tpu.vector_store %arg12[%swap3A_312, %swap3A_313], %mul3A_311 {strides = array<i32>} : memref<16x1024xf32, #tpu.memory_space<vmem>>, vector<16xf32>,
        %get3A_315 = arith.index_cast %scan3A_192 : i32 to index
        %get3A_316 = arith.constant 272 : index
        %get3A_317 = tpu.vector_load %arg12[%get3A_315, %get3A_316] {strides = array<i32>} : memref<16x1024xf32, #tpu.memory_space<vmem>>, vector<16xf32>,
        %mul3A_318 = arith.mulf %get3A_317, %gather3A : vector<16xf32>
        %swap3A_319 = arith.index_cast %scan3A_192 : i32 to index
        %swap3A_320 = arith.constant 272 : index
        %swap3A_321 = tpu.vector_load %arg12[%swap3A_319, %swap3A_320] {strides = array<i32>} : memref<16x1024xf32, #tpu.memory_space<vmem>>, vector<16xf32>,
        tpu.vector_store %arg12[%swap3A_319, %swap3A_320], %mul3A_318 {strides = array<i32>} : memref<16x1024xf32, #tpu.memory_space<vmem>>, vector<16xf32>,
        %get3A_322 = arith.index_cast %scan3A_192 : i32 to index
        %get3A_323 = arith.constant 288 : index
        %get3A_324 = tpu.vector_load %arg12[%get3A_322, %get3A_323] {strides = array<i32>} : memref<16x1024xf32, #tpu.memory_space<vmem>>, vector<16xf32>,
        %mul3A_325 = arith.mulf %get3A_324, %gather3A : vector<16xf32>
        %swap3A_326 = arith.index_cast %scan3A_192 : i32 to index
        %swap3A_327 = arith.constant 288 : index
        %swap3A_328 = tpu.vector_load %arg12[%swap3A_326, %swap3A_327] {strides = array<i32>} : memref<16x1024xf32, #tpu.memory_space<vmem>>, vector<16xf32>,
        tpu.vector_store %arg12[%swap3A_326, %swap3A_327], %mul3A_325 {strides = array<i32>} : memref<16x1024xf32, #tpu.memory_space<vmem>>, vector<16xf32>,
        %get3A_329 = arith.index_cast %scan3A_192 : i32 to index
        %get3A_330 = arith.constant 304 : index
        %get3A_331 = tpu.vector_load %arg12[%get3A_329, %get3A_330] {strides = array<i32>} : memref<16x1024xf32, #tpu.memory_space<vmem>>, vector<16xf32>,
        %mul3A_332 = arith.mulf %get3A_331, %gather3A : vector<16xf32>
        %swap3A_333 = arith.index_cast %scan3A_192 : i32 to index
        %swap3A_334 = arith.constant 304 : index
        %swap3A_335 = tpu.vector_load %arg12[%swap3A_333, %swap3A_334] {strides = array<i32>} : memref<16x1024xf32, #tpu.memory_space<vmem>>, vector<16xf32>,
        tpu.vector_store %arg12[%swap3A_333, %swap3A_334], %mul3A_332 {strides = array<i32>} : memref<16x1024xf32, #tpu.memory_space<vmem>>, vector<16xf32>,
        %get3A_336 = arith.index_cast %scan3A_192 : i32 to index
        %get3A_337 = arith.constant 320 : index
        %get3A_338 = tpu.vector_load %arg12[%get3A_336, %get3A_337] {strides = array<i32>} : memref<16x1024xf32, #tpu.memory_space<vmem>>, vector<16xf32>,
        %mul3A_339 = arith.mulf %get3A_338, %gather3A : vector<16xf32>
        %swap3A_340 = arith.index_cast %scan3A_192 : i32 to index
        %swap3A_341 = arith.constant 320 : index
        %swap3A_342 = tpu.vector_load %arg12[%swap3A_340, %swap3A_341] {strides = array<i32>} : memref<16x1024xf32, #tpu.memory_space<vmem>>, vector<16xf32>,
        tpu.vector_store %arg12[%swap3A_340, %swap3A_341], %mul3A_339 {strides = array<i32>} : memref<16x1024xf32, #tpu.memory_space<vmem>>, vector<16xf32>,
        %get3A_343 = arith.index_cast %scan3A_192 : i32 to index
        %get3A_344 = arith.constant 336 : index
        %get3A_345 = tpu.vector_load %arg12[%get3A_343, %get3A_344] {strides = array<i32>} : memref<16x1024xf32, #tpu.memory_space<vmem>>, vector<16xf32>,
        %mul3A_346 = arith.mulf %get3A_345, %gather3A : vector<16xf32>
        %swap3A_347 = arith.index_cast %scan3A_192 : i32 to index
        %swap3A_348 = arith.constant 336 : index
        %swap3A_349 = tpu.vector_load %arg12[%swap3A_347, %swap3A_348] {strides = array<i32>} : memref<16x1024xf32, #tpu.memory_space<vmem>>, vector<16xf32>,
        tpu.vector_store %arg12[%swap3A_347, %swap3A_348], %mul3A_346 {strides = array<i32>} : memref<16x1024xf32, #tpu.memory_space<vmem>>, vector<16xf32>,
        %get3A_350 = arith.index_cast %scan3A_192 : i32 to index
        %get3A_351 = arith.constant 352 : index
        %get3A_352 = tpu.vector_load %arg12[%get3A_350, %get3A_351] {strides = array<i32>} : memref<16x1024xf32, #tpu.memory_space<vmem>>, vector<16xf32>,
        %mul3A_353 = arith.mulf %get3A_352, %gather3A : vector<16xf32>
        %swap3A_354 = arith.index_cast %scan3A_192 : i32 to index
        %swap3A_355 = arith.constant 352 : index
        %swap3A_356 = tpu.vector_load %arg12[%swap3A_354, %swap3A_355] {strides = array<i32>} : memref<16x1024xf32, #tpu.memory_space<vmem>>, vector<16xf32>,
        tpu.vector_store %arg12[%swap3A_354, %swap3A_355], %mul3A_353 {strides = array<i32>} : memref<16x1024xf32, #tpu.memory_space<vmem>>, vector<16xf32>,
        %get3A_357 = arith.index_cast %scan3A_192 : i32 to index
        %get3A_358 = arith.constant 368 : index
        %get3A_359 = tpu.vector_load %arg12[%get3A_357, %get3A_358] {strides = array<i32>} : memref<16x1024xf32, #tpu.memory_space<vmem>>, vector<16xf32>,
        %mul3A_360 = arith.mulf %get3A_359, %gather3A : vector<16xf32>
        %swap3A_361 = arith.index_cast %scan3A_192 : i32 to index
        %swap3A_362 = arith.constant 368 : index
        %swap3A_363 = tpu.vector_load %arg12[%swap3A_361, %swap3A_362] {strides = array<i32>} : memref<16x1024xf32, #tpu.memory_space<vmem>>, vector<16xf32>,
        tpu.vector_store %arg12[%swap3A_361, %swap3A_362], %mul3A_360 {strides = array<i32>} : memref<16x1024xf32, #tpu.memory_space<vmem>>, vector<16xf32>,
        %get3A_364 = arith.index_cast %scan3A_192 : i32 to index
        %get3A_365 = arith.constant 384 : index
        %get3A_366 = tpu.vector_load %arg12[%get3A_364, %get3A_365] {strides = array<i32>} : memref<16x1024xf32, #tpu.memory_space<vmem>>, vector<16xf32>,
        %mul3A_367 = arith.mulf %get3A_366, %gather3A : vector<16xf32>
        %swap3A_368 = arith.index_cast %scan3A_192 : i32 to index
        %swap3A_369 = arith.constant 384 : index
        %swap3A_370 = tpu.vector_load %arg12[%swap3A_368, %swap3A_369] {strides = array<i32>} : memref<16x1024xf32, #tpu.memory_space<vmem>>, vector<16xf32>,
        tpu.vector_store %arg12[%swap3A_368, %swap3A_369], %mul3A_367 {strides = array<i32>} : memref<16x1024xf32, #tpu.memory_space<vmem>>, vector<16xf32>,
        %get3A_371 = arith.index_cast %scan3A_192 : i32 to index
        %get3A_372 = arith.constant 400 : index
        %get3A_373 = tpu.vector_load %arg12[%get3A_371, %get3A_372] {strides = array<i32>} : memref<16x1024xf32, #tpu.memory_space<vmem>>, vector<16xf32>,
        %mul3A_374 = arith.mulf %get3A_373, %gather3A : vector<16xf32>
        %swap3A_375 = arith.index_cast %scan3A_192 : i32 to index
        %swap3A_376 = arith.constant 400 : index
        %swap3A_377 = tpu.vector_load %arg12[%swap3A_375, %swap3A_376] {strides = array<i32>} : memref<16x1024xf32, #tpu.memory_space<vmem>>, vector<16xf32>,
        tpu.vector_store %arg12[%swap3A_375, %swap3A_376], %mul3A_374 {strides = array<i32>} : memref<16x1024xf32, #tpu.memory_space<vmem>>, vector<16xf32>,
        %get3A_378 = arith.index_cast %scan3A_192 : i32 to index
        %get3A_379 = arith.constant 416 : index
        %get3A_380 = tpu.vector_load %arg12[%get3A_378, %get3A_379] {strides = array<i32>} : memref<16x1024xf32, #tpu.memory_space<vmem>>, vector<16xf32>,
        %mul3A_381 = arith.mulf %get3A_380, %gather3A : vector<16xf32>
        %swap3A_382 = arith.index_cast %scan3A_192 : i32 to index
        %swap3A_383 = arith.constant 416 : index
        %swap3A_384 = tpu.vector_load %arg12[%swap3A_382, %swap3A_383] {strides = array<i32>} : memref<16x1024xf32, #tpu.memory_space<vmem>>, vector<16xf32>,
        tpu.vector_store %arg12[%swap3A_382, %swap3A_383], %mul3A_381 {strides = array<i32>} : memref<16x1024xf32, #tpu.memory_space<vmem>>, vector<16xf32>,
        %get3A_385 = arith.index_cast %scan3A_192 : i32 to index
        %get3A_386 = arith.constant 432 : index
        %get3A_387 = tpu.vector_load %arg12[%get3A_385, %get3A_386] {strides = array<i32>} : memref<16x1024xf32, #tpu.memory_space<vmem>>, vector<16xf32>,
        %mul3A_388 = arith.mulf %get3A_387, %gather3A : vector<16xf32>
        %swap3A_389 = arith.index_cast %scan3A_192 : i32 to index
        %swap3A_390 = arith.constant 432 : index
        %swap3A_391 = tpu.vector_load %arg12[%swap3A_389, %swap3A_390] {strides = array<i32>} : memref<16x1024xf32, #tpu.memory_space<vmem>>, vector<16xf32>,
        tpu.vector_store %arg12[%swap3A_389, %swap3A_390], %mul3A_388 {strides = array<i32>} : memref<16x1024xf32, #tpu.memory_space<vmem>>, vector<16xf32>,
        %get3A_392 = arith.index_cast %scan3A_192 : i32 to index
        %get3A_393 = arith.constant 448 : index
        %get3A_394 = tpu.vector_load %arg12[%get3A_392, %get3A_393] {strides = array<i32>} : memref<16x1024xf32, #tpu.memory_space<vmem>>, vector<16xf32>,
        %mul3A_395 = arith.mulf %get3A_394, %gather3A : vector<16xf32>
        %swap3A_396 = arith.index_cast %scan3A_192 : i32 to index
        %swap3A_397 = arith.constant 448 : index
        %swap3A_398 = tpu.vector_load %arg12[%swap3A_396, %swap3A_397] {strides = array<i32>} : memref<16x1024xf32, #tpu.memory_space<vmem>>, vector<16xf32>,
        tpu.vector_store %arg12[%swap3A_396, %swap3A_397], %mul3A_395 {strides = array<i32>} : memref<16x1024xf32, #tpu.memory_space<vmem>>, vector<16xf32>,
        %get3A_399 = arith.index_cast %scan3A_192 : i32 to index
        %get3A_400 = arith.constant 464 : index
        %get3A_401 = tpu.vector_load %arg12[%get3A_399, %get3A_400] {strides = array<i32>} : memref<16x1024xf32, #tpu.memory_space<vmem>>, vector<16xf32>,
        %mul3A_402 = arith.mulf %get3A_401, %gather3A : vector<16xf32>
        %swap3A_403 = arith.index_cast %scan3A_192 : i32 to index
        %swap3A_404 = arith.constant 464 : index
        %swap3A_405 = tpu.vector_load %arg12[%swap3A_403, %swap3A_404] {strides = array<i32>} : memref<16x1024xf32, #tpu.memory_space<vmem>>, vector<16xf32>,
        tpu.vector_store %arg12[%swap3A_403, %swap3A_404], %mul3A_402 {strides = array<i32>} : memref<16x1024xf32, #tpu.memory_space<vmem>>, vector<16xf32>,
        %get3A_406 = arith.index_cast %scan3A_192 : i32 to index
        %get3A_407 = arith.constant 480 : index
        %get3A_408 = tpu.vector_load %arg12[%get3A_406, %get3A_407] {strides = array<i32>} : memref<16x1024xf32, #tpu.memory_space<vmem>>, vector<16xf32>,
        %mul3A_409 = arith.mulf %get3A_408, %gather3A : vector<16xf32>
        %swap3A_410 = arith.index_cast %scan3A_192 : i32 to index
        %swap3A_411 = arith.constant 480 : index
        %swap3A_412 = tpu.vector_load %arg12[%swap3A_410, %swap3A_411] {strides = array<i32>} : memref<16x1024xf32, #tpu.memory_space<vmem>>, vector<16xf32>,
        tpu.vector_store %arg12[%swap3A_410, %swap3A_411], %mul3A_409 {strides = array<i32>} : memref<16x1024xf32, #tpu.memory_space<vmem>>, vector<16xf32>,
        %get3A_413 = arith.index_cast %scan3A_192 : i32 to index
        %get3A_414 = arith.constant 496 : index
        %get3A_415 = tpu.vector_load %arg12[%get3A_413, %get3A_414] {strides = array<i32>} : memref<16x1024xf32, #tpu.memory_space<vmem>>, vector<16xf32>,
        %mul3A_416 = arith.mulf %get3A_415, %gather3A : vector<16xf32>
        %swap3A_417 = arith.index_cast %scan3A_192 : i32 to index
        %swap3A_418 = arith.constant 496 : index
        %swap3A_419 = tpu.vector_load %arg12[%swap3A_417, %swap3A_418] {strides = array<i32>} : memref<16x1024xf32, #tpu.memory_space<vmem>>, vector<16xf32>,
        tpu.vector_store %arg12[%swap3A_417, %swap3A_418], %mul3A_416 {strides = array<i32>} : memref<16x1024xf32, #tpu.memory_space<vmem>>, vector<16xf32>,
        %get3A_420 = arith.index_cast %scan3A_192 : i32 to index
        %get3A_421 = arith.constant 512 : index
        %get3A_422 = tpu.vector_load %arg12[%get3A_420, %get3A_421] {strides = array<i32>} : memref<16x1024xf32, #tpu.memory_space<vmem>>, vector<16xf32>,
        %mul3A_423 = arith.mulf %get3A_422, %gather3A : vector<16xf32>
        %swap3A_424 = arith.index_cast %scan3A_192 : i32 to index
        %swap3A_425 = arith.constant 512 : index
        %swap3A_426 = tpu.vector_load %arg12[%swap3A_424, %swap3A_425] {strides = array<i32>} : memref<16x1024xf32, #tpu.memory_space<vmem>>, vector<16xf32>,
        tpu.vector_store %arg12[%swap3A_424, %swap3A_425], %mul3A_423 {strides = array<i32>} : memref<16x1024xf32, #tpu.memory_space<vmem>>, vector<16xf32>,
        %get3A_427 = arith.index_cast %scan3A_192 : i32 to index
        %get3A_428 = arith.constant 528 : index
        %get3A_429 = tpu.vector_load %arg12[%get3A_427, %get3A_428] {strides = array<i32>} : memref<16x1024xf32, #tpu.memory_space<vmem>>, vector<16xf32>,
        %mul3A_430 = arith.mulf %get3A_429, %gather3A : vector<16xf32>
        %swap3A_431 = arith.index_cast %scan3A_192 : i32 to index
        %swap3A_432 = arith.constant 528 : index
        %swap3A_433 = tpu.vector_load %arg12[%swap3A_431, %swap3A_432] {strides = array<i32>} : memref<16x1024xf32, #tpu.memory_space<vmem>>, vector<16xf32>,
        tpu.vector_store %arg12[%swap3A_431, %swap3A_432], %mul3A_430 {strides = array<i32>} : memref<16x1024xf32, #tpu.memory_space<vmem>>, vector<16xf32>,
        %get3A_434 = arith.index_cast %scan3A_192 : i32 to index
        %get3A_435 = arith.constant 544 : index
        %get3A_436 = tpu.vector_load %arg12[%get3A_434, %get3A_435] {strides = array<i32>} : memref<16x1024xf32, #tpu.memory_space<vmem>>, vector<16xf32>,
        %mul3A_437 = arith.mulf %get3A_436, %gather3A : vector<16xf32>
        %swap3A_438 = arith.index_cast %scan3A_192 : i32 to index
        %swap3A_439 = arith.constant 544 : index
        %swap3A_440 = tpu.vector_load %arg12[%swap3A_438, %swap3A_439] {strides = array<i32>} : memref<16x1024xf32, #tpu.memory_space<vmem>>, vector<16xf32>,
        tpu.vector_store %arg12[%swap3A_438, %swap3A_439], %mul3A_437 {strides = array<i32>} : memref<16x1024xf32, #tpu.memory_space<vmem>>, vector<16xf32>,
        %get3A_441 = arith.index_cast %scan3A_192 : i32 to index
        %get3A_442 = arith.constant 560 : index
        %get3A_443 = tpu.vector_load %arg12[%get3A_441, %get3A_442] {strides = array<i32>} : memref<16x1024xf32, #tpu.memory_space<vmem>>, vector<16xf32>,
        %mul3A_444 = arith.mulf %get3A_443, %gather3A : vector<16xf32>
        %swap3A_445 = arith.index_cast %scan3A_192 : i32 to index
        %swap3A_446 = arith.constant 560 : index
        %swap3A_447 = tpu.vector_load %arg12[%swap3A_445, %swap3A_446] {strides = array<i32>} : memref<16x1024xf32, #tpu.memory_space<vmem>>, vector<16xf32>,
        tpu.vector_store %arg12[%swap3A_445, %swap3A_446], %mul3A_444 {strides = array<i32>} : memref<16x1024xf32, #tpu.memory_space<vmem>>, vector<16xf32>,
        %get3A_448 = arith.index_cast %scan3A_192 : i32 to index
        %get3A_449 = arith.constant 576 : index
        %get3A_450 = tpu.vector_load %arg12[%get3A_448, %get3A_449] {strides = array<i32>} : memref<16x1024xf32, #tpu.memory_space<vmem>>, vector<16xf32>,
        %mul3A_451 = arith.mulf %get3A_450, %gather3A : vector<16xf32>
        %swap3A_452 = arith.index_cast %scan3A_192 : i32 to index
        %swap3A_453 = arith.constant 576 : index
        %swap3A_454 = tpu.vector_load %arg12[%swap3A_452, %swap3A_453] {strides = array<i32>} : memref<16x1024xf32, #tpu.memory_space<vmem>>, vector<16xf32>,
        tpu.vector_store %arg12[%swap3A_452, %swap3A_453], %mul3A_451 {strides = array<i32>} : memref<16x1024xf32, #tpu.memory_space<vmem>>, vector<16xf32>,
        %get3A_455 = arith.index_cast %scan3A_192 : i32 to index
        %get3A_456 = arith.constant 592 : index
        %get3A_457 = tpu.vector_load %arg12[%get3A_455, %get3A_456] {strides = array<i32>} : memref<16x1024xf32, #tpu.memory_space<vmem>>, vector<16xf32>,
        %mul3A_458 = arith.mulf %get3A_457, %gather3A : vector<16xf32>
        %swap3A_459 = arith.index_cast %scan3A_192 : i32 to index
        %swap3A_460 = arith.constant 592 : index
        %swap3A_461 = tpu.vector_load %arg12[%swap3A_459, %swap3A_460] {strides = array<i32>} : memref<16x1024xf32, #tpu.memory_space<vmem>>, vector<16xf32>,
        tpu.vector_store %arg12[%swap3A_459, %swap3A_460], %mul3A_458 {strides = array<i32>} : memref<16x1024xf32, #tpu.memory_space<vmem>>, vector<16xf32>,
        %get3A_462 = arith.index_cast %scan3A_192 : i32 to index
        %get3A_463 = arith.constant 608 : index
        %get3A_464 = tpu.vector_load %arg12[%get3A_462, %get3A_463] {strides = array<i32>} : memref<16x1024xf32, #tpu.memory_space<vmem>>, vector<16xf32>,
        %mul3A_465 = arith.mulf %get3A_464, %gather3A : vector<16xf32>
        %swap3A_466 = arith.index_cast %scan3A_192 : i32 to index
        %swap3A_467 = arith.constant 608 : index
        %swap3A_468 = tpu.vector_load %arg12[%swap3A_466, %swap3A_467] {strides = array<i32>} : memref<16x1024xf32, #tpu.memory_space<vmem>>, vector<16xf32>,
        tpu.vector_store %arg12[%swap3A_466, %swap3A_467], %mul3A_465 {strides = array<i32>} : memref<16x1024xf32, #tpu.memory_space<vmem>>, vector<16xf32>,
        %get3A_469 = arith.index_cast %scan3A_192 : i32 to index
        %get3A_470 = arith.constant 624 : index
        %get3A_471 = tpu.vector_load %arg12[%get3A_469, %get3A_470] {strides = array<i32>} : memref<16x1024xf32, #tpu.memory_space<vmem>>, vector<16xf32>,
        %mul3A_472 = arith.mulf %get3A_471, %gather3A : vector<16xf32>
        %swap3A_473 = arith.index_cast %scan3A_192 : i32 to index
        %swap3A_474 = arith.constant 624 : index
        %swap3A_475 = tpu.vector_load %arg12[%swap3A_473, %swap3A_474] {strides = array<i32>} : memref<16x1024xf32, #tpu.memory_space<vmem>>, vector<16xf32>,
        tpu.vector_store %arg12[%swap3A_473, %swap3A_474], %mul3A_472 {strides = array<i32>} : memref<16x1024xf32, #tpu.memory_space<vmem>>, vector<16xf32>,
        %get3A_476 = arith.index_cast %scan3A_192 : i32 to index
        %get3A_477 = arith.constant 640 : index
        %get3A_478 = tpu.vector_load %arg12[%get3A_476, %get3A_477] {strides = array<i32>} : memref<16x1024xf32, #tpu.memory_space<vmem>>, vector<16xf32>,
        %mul3A_479 = arith.mulf %get3A_478, %gather3A : vector<16xf32>
        %swap3A_480 = arith.index_cast %scan3A_192 : i32 to index
        %swap3A_481 = arith.constant 640 : index
        %swap3A_482 = tpu.vector_load %arg12[%swap3A_480, %swap3A_481] {strides = array<i32>} : memref<16x1024xf32, #tpu.memory_space<vmem>>, vector<16xf32>,
        tpu.vector_store %arg12[%swap3A_480, %swap3A_481], %mul3A_479 {strides = array<i32>} : memref<16x1024xf32, #tpu.memory_space<vmem>>, vector<16xf32>,
        %get3A_483 = arith.index_cast %scan3A_192 : i32 to index
        %get3A_484 = arith.constant 656 : index
        %get3A_485 = tpu.vector_load %arg12[%get3A_483, %get3A_484] {strides = array<i32>} : memref<16x1024xf32, #tpu.memory_space<vmem>>, vector<16xf32>,
        %mul3A_486 = arith.mulf %get3A_485, %gather3A : vector<16xf32>
        %swap3A_487 = arith.index_cast %scan3A_192 : i32 to index
        %swap3A_488 = arith.constant 656 : index
        %swap3A_489 = tpu.vector_load %arg12[%swap3A_487, %swap3A_488] {strides = array<i32>} : memref<16x1024xf32, #tpu.memory_space<vmem>>, vector<16xf32>,
        tpu.vector_store %arg12[%swap3A_487, %swap3A_488], %mul3A_486 {strides = array<i32>} : memref<16x1024xf32, #tpu.memory_space<vmem>>, vector<16xf32>,
        %get3A_490 = arith.index_cast %scan3A_192 : i32 to index
        %get3A_491 = arith.constant 672 : index
        %get3A_492 = tpu.vector_load %arg12[%get3A_490, %get3A_491] {strides = array<i32>} : memref<16x1024xf32, #tpu.memory_space<vmem>>, vector<16xf32>,
        %mul3A_493 = arith.mulf %get3A_492, %gather3A : vector<16xf32>
        %swap3A_494 = arith.index_cast %scan3A_192 : i32 to index
        %swap3A_495 = arith.constant 672 : index
        %swap3A_496 = tpu.vector_load %arg12[%swap3A_494, %swap3A_495] {strides = array<i32>} : memref<16x1024xf32, #tpu.memory_space<vmem>>, vector<16xf32>,
        tpu.vector_store %arg12[%swap3A_494, %swap3A_495], %mul3A_493 {strides = array<i32>} : memref<16x1024xf32, #tpu.memory_space<vmem>>, vector<16xf32>,
        %get3A_497 = arith.index_cast %scan3A_192 : i32 to index
        %get3A_498 = arith.constant 688 : index
        %get3A_499 = tpu.vector_load %arg12[%get3A_497, %get3A_498] {strides = array<i32>} : memref<16x1024xf32, #tpu.memory_space<vmem>>, vector<16xf32>,
        %mul3A_500 = arith.mulf %get3A_499, %gather3A : vector<16xf32>
        %swap3A_501 = arith.index_cast %scan3A_192 : i32 to index
        %swap3A_502 = arith.constant 688 : index
        %swap3A_503 = tpu.vector_load %arg12[%swap3A_501, %swap3A_502] {strides = array<i32>} : memref<16x1024xf32, #tpu.memory_space<vmem>>, vector<16xf32>,
        tpu.vector_store %arg12[%swap3A_501, %swap3A_502], %mul3A_500 {strides = array<i32>} : memref<16x1024xf32, #tpu.memory_space<vmem>>, vector<16xf32>,
        %get3A_504 = arith.index_cast %scan3A_192 : i32 to index
        %get3A_505 = arith.constant 704 : index
        %get3A_506 = tpu.vector_load %arg12[%get3A_504, %get3A_505] {strides = array<i32>} : memref<16x1024xf32, #tpu.memory_space<vmem>>, vector<16xf32>,
        %mul3A_507 = arith.mulf %get3A_506, %gather3A : vector<16xf32>
        %swap3A_508 = arith.index_cast %scan3A_192 : i32 to index
        %swap3A_509 = arith.constant 704 : index
        %swap3A_510 = tpu.vector_load %arg12[%swap3A_508, %swap3A_509] {strides = array<i32>} : memref<16x1024xf32, #tpu.memory_space<vmem>>, vector<16xf32>,
        tpu.vector_store %arg12[%swap3A_508, %swap3A_509], %mul3A_507 {strides = array<i32>} : memref<16x1024xf32, #tpu.memory_space<vmem>>, vector<16xf32>,
        %get3A_511 = arith.index_cast %scan3A_192 : i32 to index
        %get3A_512 = arith.constant 720 : index
        %get3A_513 = tpu.vector_load %arg12[%get3A_511, %get3A_512] {strides = array<i32>} : memref<16x1024xf32, #tpu.memory_space<vmem>>, vector<16xf32>,
        %mul3A_514 = arith.mulf %get3A_513, %gather3A : vector<16xf32>
        %swap3A_515 = arith.index_cast %scan3A_192 : i32 to index
        %swap3A_516 = arith.constant 720 : index
        %swap3A_517 = tpu.vector_load %arg12[%swap3A_515, %swap3A_516] {strides = array<i32>} : memref<16x1024xf32, #tpu.memory_space<vmem>>, vector<16xf32>,
        tpu.vector_store %arg12[%swap3A_515, %swap3A_516], %mul3A_514 {strides = array<i32>} : memref<16x1024xf32, #tpu.memory_space<vmem>>, vector<16xf32>,
        %get3A_518 = arith.index_cast %scan3A_192 : i32 to index
        %get3A_519 = arith.constant 736 : index
        %get3A_520 = tpu.vector_load %arg12[%get3A_518, %get3A_519] {strides = array<i32>} : memref<16x1024xf32, #tpu.memory_space<vmem>>, vector<16xf32>,
        %mul3A_521 = arith.mulf %get3A_520, %gather3A : vector<16xf32>
        %swap3A_522 = arith.index_cast %scan3A_192 : i32 to index
        %swap3A_523 = arith.constant 736 : index
        %swap3A_524 = tpu.vector_load %arg12[%swap3A_522, %swap3A_523] {strides = array<i32>} : memref<16x1024xf32, #tpu.memory_space<vmem>>, vector<16xf32>,
        tpu.vector_store %arg12[%swap3A_522, %swap3A_523], %mul3A_521 {strides = array<i32>} : memref<16x1024xf32, #tpu.memory_space<vmem>>, vector<16xf32>,
        %get3A_525 = arith.index_cast %scan3A_192 : i32 to index
        %get3A_526 = arith.constant 752 : index
        %get3A_527 = tpu.vector_load %arg12[%get3A_525, %get3A_526] {strides = array<i32>} : memref<16x1024xf32, #tpu.memory_space<vmem>>, vector<16xf32>,
        %mul3A_528 = arith.mulf %get3A_527, %gather3A : vector<16xf32>
        %swap3A_529 = arith.index_cast %scan3A_192 : i32 to index
        %swap3A_530 = arith.constant 752 : index
        %swap3A_531 = tpu.vector_load %arg12[%swap3A_529, %swap3A_530] {strides = array<i32>} : memref<16x1024xf32, #tpu.memory_space<vmem>>, vector<16xf32>,
        tpu.vector_store %arg12[%swap3A_529, %swap3A_530], %mul3A_528 {strides = array<i32>} : memref<16x1024xf32, #tpu.memory_space<vmem>>, vector<16xf32>,
        %get3A_532 = arith.index_cast %scan3A_192 : i32 to index
        %get3A_533 = arith.constant 768 : index
        %get3A_534 = tpu.vector_load %arg12[%get3A_532, %get3A_533] {strides = array<i32>} : memref<16x1024xf32, #tpu.memory_space<vmem>>, vector<16xf32>,
        %mul3A_535 = arith.mulf %get3A_534, %gather3A : vector<16xf32>
        %swap3A_536 = arith.index_cast %scan3A_192 : i32 to index
        %swap3A_537 = arith.constant 768 : index
        %swap3A_538 = tpu.vector_load %arg12[%swap3A_536, %swap3A_537] {strides = array<i32>} : memref<16x1024xf32, #tpu.memory_space<vmem>>, vector<16xf32>,
        tpu.vector_store %arg12[%swap3A_536, %swap3A_537], %mul3A_535 {strides = array<i32>} : memref<16x1024xf32, #tpu.memory_space<vmem>>, vector<16xf32>,
        %get3A_539 = arith.index_cast %scan3A_192 : i32 to index
        %get3A_540 = arith.constant 784 : index
        %get3A_541 = tpu.vector_load %arg12[%get3A_539, %get3A_540] {strides = array<i32>} : memref<16x1024xf32, #tpu.memory_space<vmem>>, vector<16xf32>,
        %mul3A_542 = arith.mulf %get3A_541, %gather3A : vector<16xf32>
        %swap3A_543 = arith.index_cast %scan3A_192 : i32 to index
        %swap3A_544 = arith.constant 784 : index
        %swap3A_545 = tpu.vector_load %arg12[%swap3A_543, %swap3A_544] {strides = array<i32>} : memref<16x1024xf32, #tpu.memory_space<vmem>>, vector<16xf32>,
        tpu.vector_store %arg12[%swap3A_543, %swap3A_544], %mul3A_542 {strides = array<i32>} : memref<16x1024xf32, #tpu.memory_space<vmem>>, vector<16xf32>,
        %get3A_546 = arith.index_cast %scan3A_192 : i32 to index
        %get3A_547 = arith.constant 800 : index
        %get3A_548 = tpu.vector_load %arg12[%get3A_546, %get3A_547] {strides = array<i32>} : memref<16x1024xf32, #tpu.memory_space<vmem>>, vector<16xf32>,
        %mul3A_549 = arith.mulf %get3A_548, %gather3A : vector<16xf32>
        %swap3A_550 = arith.index_cast %scan3A_192 : i32 to index
        %swap3A_551 = arith.constant 800 : index
        %swap3A_552 = tpu.vector_load %arg12[%swap3A_550, %swap3A_551] {strides = array<i32>} : memref<16x1024xf32, #tpu.memory_space<vmem>>, vector<16xf32>,
        tpu.vector_store %arg12[%swap3A_550, %swap3A_551], %mul3A_549 {strides = array<i32>} : memref<16x1024xf32, #tpu.memory_space<vmem>>, vector<16xf32>,
        %get3A_553 = arith.index_cast %scan3A_192 : i32 to index
        %get3A_554 = arith.constant 816 : index
        %get3A_555 = tpu.vector_load %arg12[%get3A_553, %get3A_554] {strides = array<i32>} : memref<16x1024xf32, #tpu.memory_space<vmem>>, vector<16xf32>,
        %mul3A_556 = arith.mulf %get3A_555, %gather3A : vector<16xf32>
        %swap3A_557 = arith.index_cast %scan3A_192 : i32 to index
        %swap3A_558 = arith.constant 816 : index
        %swap3A_559 = tpu.vector_load %arg12[%swap3A_557, %swap3A_558] {strides = array<i32>} : memref<16x1024xf32, #tpu.memory_space<vmem>>, vector<16xf32>,
        tpu.vector_store %arg12[%swap3A_557, %swap3A_558], %mul3A_556 {strides = array<i32>} : memref<16x1024xf32, #tpu.memory_space<vmem>>, vector<16xf32>,
        %get3A_560 = arith.index_cast %scan3A_192 : i32 to index
        %get3A_561 = arith.constant 832 : index
        %get3A_562 = tpu.vector_load %arg12[%get3A_560, %get3A_561] {strides = array<i32>} : memref<16x1024xf32, #tpu.memory_space<vmem>>, vector<16xf32>,
        %mul3A_563 = arith.mulf %get3A_562, %gather3A : vector<16xf32>
        %swap3A_564 = arith.index_cast %scan3A_192 : i32 to index
        %swap3A_565 = arith.constant 832 : index
        %swap3A_566 = tpu.vector_load %arg12[%swap3A_564, %swap3A_565] {strides = array<i32>} : memref<16x1024xf32, #tpu.memory_space<vmem>>, vector<16xf32>,
        tpu.vector_store %arg12[%swap3A_564, %swap3A_565], %mul3A_563 {strides = array<i32>} : memref<16x1024xf32, #tpu.memory_space<vmem>>, vector<16xf32>,
        %get3A_567 = arith.index_cast %scan3A_192 : i32 to index
        %get3A_568 = arith.constant 848 : index
        %get3A_569 = tpu.vector_load %arg12[%get3A_567, %get3A_568] {strides = array<i32>} : memref<16x1024xf32, #tpu.memory_space<vmem>>, vector<16xf32>,
        %mul3A_570 = arith.mulf %get3A_569, %gather3A : vector<16xf32>
        %swap3A_571 = arith.index_cast %scan3A_192 : i32 to index
        %swap3A_572 = arith.constant 848 : index
        %swap3A_573 = tpu.vector_load %arg12[%swap3A_571, %swap3A_572] {strides = array<i32>} : memref<16x1024xf32, #tpu.memory_space<vmem>>, vector<16xf32>,
        tpu.vector_store %arg12[%swap3A_571, %swap3A_572], %mul3A_570 {strides = array<i32>} : memref<16x1024xf32, #tpu.memory_space<vmem>>, vector<16xf32>,
        %get3A_574 = arith.index_cast %scan3A_192 : i32 to index
        %get3A_575 = arith.constant 864 : index
        %get3A_576 = tpu.vector_load %arg12[%get3A_574, %get3A_575] {strides = array<i32>} : memref<16x1024xf32, #tpu.memory_space<vmem>>, vector<16xf32>,
        %mul3A_577 = arith.mulf %get3A_576, %gather3A : vector<16xf32>
        %swap3A_578 = arith.index_cast %scan3A_192 : i32 to index
        %swap3A_579 = arith.constant 864 : index
        %swap3A_580 = tpu.vector_load %arg12[%swap3A_578, %swap3A_579] {strides = array<i32>} : memref<16x1024xf32, #tpu.memory_space<vmem>>, vector<16xf32>,
        tpu.vector_store %arg12[%swap3A_578, %swap3A_579], %mul3A_577 {strides = array<i32>} : memref<16x1024xf32, #tpu.memory_space<vmem>>, vector<16xf32>,
        %get3A_581 = arith.index_cast %scan3A_192 : i32 to index
        %get3A_582 = arith.constant 880 : index
        %get3A_583 = tpu.vector_load %arg12[%get3A_581, %get3A_582] {strides = array<i32>} : memref<16x1024xf32, #tpu.memory_space<vmem>>, vector<16xf32>,
        %mul3A_584 = arith.mulf %get3A_583, %gather3A : vector<16xf32>
        %swap3A_585 = arith.index_cast %scan3A_192 : i32 to index
        %swap3A_586 = arith.constant 880 : index
        %swap3A_587 = tpu.vector_load %arg12[%swap3A_585, %swap3A_586] {strides = array<i32>} : memref<16x1024xf32, #tpu.memory_space<vmem>>, vector<16xf32>,
        tpu.vector_store %arg12[%swap3A_585, %swap3A_586], %mul3A_584 {strides = array<i32>} : memref<16x1024xf32, #tpu.memory_space<vmem>>, vector<16xf32>,
        %get3A_588 = arith.index_cast %scan3A_192 : i32 to index
        %get3A_589 = arith.constant 896 : index
        %get3A_590 = tpu.vector_load %arg12[%get3A_588, %get3A_589] {strides = array<i32>} : memref<16x1024xf32, #tpu.memory_space<vmem>>, vector<16xf32>,
        %mul3A_591 = arith.mulf %get3A_590, %gather3A : vector<16xf32>
        %swap3A_592 = arith.index_cast %scan3A_192 : i32 to index
        %swap3A_593 = arith.constant 896 : index
        %swap3A_594 = tpu.vector_load %arg12[%swap3A_592, %swap3A_593] {strides = array<i32>} : memref<16x1024xf32, #tpu.memory_space<vmem>>, vector<16xf32>,
        tpu.vector_store %arg12[%swap3A_592, %swap3A_593], %mul3A_591 {strides = array<i32>} : memref<16x1024xf32, #tpu.memory_space<vmem>>, vector<16xf32>,
        %get3A_595 = arith.index_cast %scan3A_192 : i32 to index
        %get3A_596 = arith.constant 912 : index
        %get3A_597 = tpu.vector_load %arg12[%get3A_595, %get3A_596] {strides = array<i32>} : memref<16x1024xf32, #tpu.memory_space<vmem>>, vector<16xf32>,
        %mul3A_598 = arith.mulf %get3A_597, %gather3A : vector<16xf32>
        %swap3A_599 = arith.index_cast %scan3A_192 : i32 to index
        %swap3A_600 = arith.constant 912 : index
        %swap3A_601 = tpu.vector_load %arg12[%swap3A_599, %swap3A_600] {strides = array<i32>} : memref<16x1024xf32, #tpu.memory_space<vmem>>, vector<16xf32>,
        tpu.vector_store %arg12[%swap3A_599, %swap3A_600], %mul3A_598 {strides = array<i32>} : memref<16x1024xf32, #tpu.memory_space<vmem>>, vector<16xf32>,
        %get3A_602 = arith.index_cast %scan3A_192 : i32 to index
        %get3A_603 = arith.constant 928 : index
        %get3A_604 = tpu.vector_load %arg12[%get3A_602, %get3A_603] {strides = array<i32>} : memref<16x1024xf32, #tpu.memory_space<vmem>>, vector<16xf32>,
        %mul3A_605 = arith.mulf %get3A_604, %gather3A : vector<16xf32>
        %swap3A_606 = arith.index_cast %scan3A_192 : i32 to index
        %swap3A_607 = arith.constant 928 : index
        %swap3A_608 = tpu.vector_load %arg12[%swap3A_606, %swap3A_607] {strides = array<i32>} : memref<16x1024xf32, #tpu.memory_space<vmem>>, vector<16xf32>,
        tpu.vector_store %arg12[%swap3A_606, %swap3A_607], %mul3A_605 {strides = array<i32>} : memref<16x1024xf32, #tpu.memory_space<vmem>>, vector<16xf32>,
        %get3A_609 = arith.index_cast %scan3A_192 : i32 to index
        %get3A_610 = arith.constant 944 : index
        %get3A_611 = tpu.vector_load %arg12[%get3A_609, %get3A_610] {strides = array<i32>} : memref<16x1024xf32, #tpu.memory_space<vmem>>, vector<16xf32>,
        %mul3A_612 = arith.mulf %get3A_611, %gather3A : vector<16xf32>
        %swap3A_613 = arith.index_cast %scan3A_192 : i32 to index
        %swap3A_614 = arith.constant 944 : index
        %swap3A_615 = tpu.vector_load %arg12[%swap3A_613, %swap3A_614] {strides = array<i32>} : memref<16x1024xf32, #tpu.memory_space<vmem>>, vector<16xf32>,
        tpu.vector_store %arg12[%swap3A_613, %swap3A_614], %mul3A_612 {strides = array<i32>} : memref<16x1024xf32, #tpu.memory_space<vmem>>, vector<16xf32>,
        %get3A_616 = arith.index_cast %scan3A_192 : i32 to index
        %get3A_617 = arith.constant 960 : index
        %get3A_618 = tpu.vector_load %arg12[%get3A_616, %get3A_617] {strides = array<i32>} : memref<16x1024xf32, #tpu.memory_space<vmem>>, vector<16xf32>,
        %mul3A_619 = arith.mulf %get3A_618, %gather3A : vector<16xf32>
        %swap3A_620 = arith.index_cast %scan3A_192 : i32 to index
        %swap3A_621 = arith.constant 960 : index
        %swap3A_622 = tpu.vector_load %arg12[%swap3A_620, %swap3A_621] {strides = array<i32>} : memref<16x1024xf32, #tpu.memory_space<vmem>>, vector<16xf32>,
        tpu.vector_store %arg12[%swap3A_620, %swap3A_621], %mul3A_619 {strides = array<i32>} : memref<16x1024xf32, #tpu.memory_space<vmem>>, vector<16xf32>,
        %get3A_623 = arith.index_cast %scan3A_192 : i32 to index
        %get3A_624 = arith.constant 976 : index
        %get3A_625 = tpu.vector_load %arg12[%get3A_623, %get3A_624] {strides = array<i32>} : memref<16x1024xf32, #tpu.memory_space<vmem>>, vector<16xf32>,
        %mul3A_626 = arith.mulf %get3A_625, %gather3A : vector<16xf32>
        %swap3A_627 = arith.index_cast %scan3A_192 : i32 to index
        %swap3A_628 = arith.constant 976 : index
        %swap3A_629 = tpu.vector_load %arg12[%swap3A_627, %swap3A_628] {strides = array<i32>} : memref<16x1024xf32, #tpu.memory_space<vmem>>, vector<16xf32>,
        tpu.vector_store %arg12[%swap3A_627, %swap3A_628], %mul3A_626 {strides = array<i32>} : memref<16x1024xf32, #tpu.memory_space<vmem>>, vector<16xf32>,
        %get3A_630 = arith.index_cast %scan3A_192 : i32 to index
        %get3A_631 = arith.constant 992 : index
        %get3A_632 = tpu.vector_load %arg12[%get3A_630, %get3A_631] {strides = array<i32>} : memref<16x1024xf32, #tpu.memory_space<vmem>>, vector<16xf32>,
        %mul3A_633 = arith.mulf %get3A_632, %gather3A : vector<16xf32>
        %swap3A_634 = arith.index_cast %scan3A_192 : i32 to index
        %swap3A_635 = arith.constant 992 : index
        %swap3A_636 = tpu.vector_load %arg12[%swap3A_634, %swap3A_635] {strides = array<i32>} : memref<16x1024xf32, #tpu.memory_space<vmem>>, vector<16xf32>,
        tpu.vector_store %arg12[%swap3A_634, %swap3A_635], %mul3A_633 {strides = array<i32>} : memref<16x1024xf32, #tpu.memory_space<vmem>>, vector<16xf32>,
        %get3A_637 = arith.index_cast %scan3A_192 : i32 to index
        %get3A_638 = arith.constant 1008 : index
        %get3A_639 = tpu.vector_load %arg12[%get3A_637, %get3A_638] {strides = array<i32>} : memref<16x1024xf32, #tpu.memory_space<vmem>>, vector<16xf32>,
        %mul3A_640 = arith.mulf %get3A_639, %gather3A : vector<16xf32>
        %swap3A_641 = arith.index_cast %scan3A_192 : i32 to index
        %swap3A_642 = arith.constant 1008 : index
        %swap3A_643 = tpu.vector_load %arg12[%swap3A_641, %swap3A_642] {strides = array<i32>} : memref<16x1024xf32, #tpu.memory_space<vmem>>, vector<16xf32>,
        tpu.vector_store %arg12[%swap3A_641, %swap3A_642], %mul3A_640 {strides = array<i32>} : memref<16x1024xf32, #tpu.memory_space<vmem>>, vector<16xf32>,
        %scan3A_644 = arith.constant 0 : i32
        scf.yield %scan3A_644 : i32
      }
      %scan3A_183 = arith.constant 16 : i32
      %mul3A_184 = arith.constant 16 : i32
      %mul3A_185 = arith.muli %add3A_158, %mul3A_184 : i32
      %add3A_186 = arith.addi %mul3A_2, %mul3A_185 : i32
      %dma_start3A_187 = arith.constant 0 : i32
      %dma_start3A_188 = tpu.memref_slice %arg5[%add3A_186, %dma_start3A_187] : memref<32768x1024xf32, #tpu.memory_space<hbm>> -> memref<16x1024xf32, #tpu.memory_space<hbm>>
      %dma_start3A_189 = arith.constant 0 : i32
      %dma_start3A_190 = tpu.memref_slice %arg5[%add3A_186, %dma_start3A_189] : memref<32768x1024xf32, #tpu.memory_space<hbm>> -> memref<16x1024xf32, #tpu.memory_space<hbm>>
      tpu.enqueue_dma source(%arg12 : memref<16x1024xf32, #tpu.memory_space<vmem>>) target(%dma_start3A_190 : memref<16x1024xf32, #tpu.memory_space<hbm>>) target_semaphore(%arg20 : memref<!tpu.dma_semaphore, #tpu.memory_space<semaphore_mem>>)
      %scan3A_191 = arith.constant 0 : i32
      scf.yield %scan3A_191 : i32
    }
    %scan3A_43 = arith.constant 16 : i32
    %dma_wait3A = arith.constant 0 : i32
    %dma_wait3A_44 = arith.constant 0 : i32
    %dma_wait3A_45 = tpu.memref_slice %arg2[%dma_wait3A, %dma_wait3A_44] : memref<32768x1024xf32, #tpu.memory_space<hbm>> -> memref<16x1024xf32, #tpu.memory_space<hbm>>
    %dma_wait3A_46 = arith.constant 0 : i32
    %dma_wait3A_47 = arith.constant 0 : i32
    %dma_wait3A_48 = tpu.memref_slice %arg2[%dma_wait3A_46, %dma_wait3A_47] : memref<32768x1024xf32, #tpu.memory_space<hbm>> -> memref<16x1024xf32, #tpu.memory_space<hbm>>
    tpu.wait_dma2 semaphore(%arg19 : memref<!tpu.dma_semaphore, #tpu.memory_space<semaphore_mem>>) src(%dma_wait3A_48 : memref<16x1024xf32, #tpu.memory_space<hbm>>) dst(%arg11 : memref<16x1024xf32, #tpu.memory_space<vmem>>)
    %dma_wait3A_49 = arith.constant 0 : i32
    %dma_wait3A_50 = arith.constant 0 : i32
    %dma_wait3A_51 = tpu.memref_slice %arg2[%dma_wait3A_49, %dma_wait3A_50] : memref<32768x1024xf32, #tpu.memory_space<hbm>> -> memref<16x1024xf32, #tpu.memory_space<hbm>>
    %dma_wait3A_52 = arith.constant 0 : i32
    %dma_wait3A_53 = arith.constant 0 : i32
    %dma_wait3A_54 = tpu.memref_slice %arg2[%dma_wait3A_52, %dma_wait3A_53] : memref<32768x1024xf32, #tpu.memory_space<hbm>> -> memref<16x1024xf32, #tpu.memory_space<hbm>>
    tpu.wait_dma2 semaphore(%arg20 : memref<!tpu.dma_semaphore, #tpu.memory_space<semaphore_mem>>) src(%dma_wait3A_54 : memref<16x1024xf32, #tpu.memory_space<hbm>>) dst(%arg12 : memref<16x1024xf32, #tpu.memory_space<vmem>>)
    return
  }
}

</mosaic_0001>

<sc_bundles>
// kernel: kernel.3.cloned.1.call-start
scs
__scs_entry_jumppad:
0x0: {  	(pc) =	sbr.rel $0x88, $3  }
0x1: {  	(tag) =	ssettag $0x0;
	lr =	simm.s32 $0x1  }
0x2: {  	[smem:$0x3F9E] =	sst lr;
	_ =	strace $0xD0000000  }
0x3: {  	_ = 	snop  }
0x4: {  	_ = 	snop  }
0x5: {  	_ = 	snop  }
0x6: {  	_ = 	snop  }
0x7: {  	_ = 	snop  }
__scs_overlays_trampoline_lowered:
0x8: {  	[smem:$0x3FAD] =	sst s0  }
0x9: {  	[smem:$0x3FAE] =	sst s1  }
0xa: {  	[smem:$0x3FAF] =	sst s2  }
0xb: {  	[smem:$0x3FB0] =	sst s3  }
0xc: {  	[smem:$0x3FB1] =	sst s4  }
0xd: {  	[smem:$0x3FB2] =	sst s5  }
0xe: {  	[smem:$0x3FB3] =	sst s6  }
0xf: {  	[smem:$0x3FB4] =	sst s7  }
0x10: {  	[smem:$0x3FB5] =	sst s8  }
0x11: {  	[smem:$0x3FB6] =	sst s9;
	s0 =	simm.s32 @!p0 $0x0  }
0x12: {  	s1 =	sld [smem:$0x3F9C];
	s0 =	simm.s32 @p0 $0x1  }
0x13: {  	[smem:$0x3FB7] =	sst s0;
	s0 =	simm.s32 @!p1 $0x0  }
0x14: {  	s2 =	sld [smem:$0x3F9B];
	s0 =	simm.s32 @p1 $0x1  }
0x15: {  	[smem:$0x3FB8] =	sst s0;
	s0 =	simm.s32 @!p2 $0x0  }
0x16: {  	s3 =	sld [smem:$0x3FDB];
	s0 =	simm.s32 @p2 $0x1  }
0x17: {  	s4 =	simm.s32 $0x1BF5;
	[smem:$0x3FBA] =	sst s0  }
0x18: {  	s0 =	sld [smem:$0x3F9D];
	_ =	swait.ge [sflag:s4], $0x0  }
0x19: {  	s7 =	sld [smem:$0x3F9E]  }
0x1a: {  	s8 =	sadd.s32 $0xFFFFE003, lr  }
0x1b: {  	s9 =	sadd.s32 $0xFFFFFEF7, lr;
	s5 =	simm.s32 $0xFFFFFFFF;
	p2 =	slt.u32 s8, $0xFFFFF086  }
0x1c: {  	p1 =	slt.u32 s9, $0xF7A;
	s5 =	simm.s32 @!p2 $0x0  }
0x1d: {  	s5 =	simm.s32 @p1 $0x1;
	p0 =	seq.s32 s7, s2  }
0x1e: {  	s7 =	smul.u32 @!p0 $0xF7A, s2;
	p2 =	seq.s32 @!p0 s5, $0x0  }
0x1f: {  	s9 =	smul.u32 $0xF7A, s1;
	s8 =	simm.s32 @!p0 $0x1BF5;
	p2 =	por !p2, p0  }
0x20: {  	[sflag:s8] =	ssyncset.s32 @!p0 $0xFFFFF086;
	s6 =	sadd.s32 @!p0 s3, s7;
	s7 =	simm.s32 @!p0 $0x108  }
0x21: {  	s3 =	sadd.s32 s3, s9;
	s6 =	sadd.s32 @!p0 $0x88, s6;
	s7 =	simm.s32 @p2 $0x1082  }
0x22: {  	[simem:s7], [sflag:s8] =	dma.local @!p0 [hbm:s6], $0xF7A  }
0x23: {  	s9 =	sor.u32 $0xD0000000, s2;
	s6 =	simm.s32 $0x108;
	_ =	swait.ge @!p0 [sflag:s8], $0x0  }
0x24: {  	s3 =	sadd.s32 $0x88, s3;
	s6 =	simm.s32 @!p1 $0x1082;
	[sflag:s4] =	ssyncset.s32 $0xFFFFF086  }
0x25: {  	[simem:s6], [sflag:s4] =	dma.local [hbm:s3], $0xF7A  }
0x26: {  	[smem:$0x3F9E] =	sst s1;
	(tag) =	ssettag s2;
	_ =	strace s9  }
0x27: {  	s1 =	sld [smem:$0x3FAE]  }
0x28: {  	s2 =	sld [smem:$0x3FAF]  }
0x29: {  	s4 =	sld [smem:$0x3FB1]  }
0x2a: {  	p0 =	seq.s32 s5, $0x0;
	s5 =	sld [smem:$0x3FB2]  }
0x2b: {  	s6 =	sld [smem:$0x3FB3]  }
0x2c: {  	s7 =	sld [smem:$0x3FB4]  }
0x2d: {  	s3 =	simm.s32 $0x108;
	s8 =	sld [smem:$0x3FB5]  }
0x2e: {  	s3 =	simm.s32 @!p0 $0x1082;
	s9 =	sld [smem:$0x3FB6]  }
0x2f: {  	lr =	sadd.s32 s0, s3;
	s0 =	sld [smem:$0x3FAD]  }
0x30: {  	s3 =	sld [smem:$0x3FB0]  }
0x31: {  	[smem:$0x3FB9] =	sst s10  }
0x32: {  	s10 =	sld [smem:$0x3FB7];
	_ =	sdelay $0x3  }
0x33: {  	p0 =	seq.s32 s10, $0x1;
	s10 =	sld [smem:$0x3FB9];
	_ =	sdelay $0x3  }
0x34: {  	[smem:$0x3FB9] =	sst s10  }
0x35: {  	s10 =	sld [smem:$0x3FB8];
	_ =	sdelay $0x3  }
0x36: {  	p1 =	seq.s32 s10, $0x1;
	s10 =	sld [smem:$0x3FB9];
	_ =	sdelay $0x3  }
0x37: {  	[smem:$0x3FB9] =	sst s10  }
0x38: {  	s10 =	sld [smem:$0x3FBA]  }
0x39: {  	_ = 	snop;
	(pc) =	sbr.ind lr, $3  }
0x3a: {  	_ = 	snop  }
0x3b: {  	_ = 	snop  }
0x3c: {  	p2 =	seq.s32 s10, $0x1;
	s10 =	sld [smem:$0x3FB9]  }
0x3d: {  	_ =	shalt  }
0x3e: {  	_ =	shalt  }
0x3f: {  	_ =	shalt  }
0x40: {  	_ =	shalt  }
0x41: {  	_ =	shalt  }
0x42: {  	_ =	shalt  }
0x43: {  	_ =	shalt  }
0x44: {  	_ =	shalt  }
0x45: {  	_ =	shalt  }
0x46: {  	_ =	shalt  }
0x47: {  	_ =	shalt  }
0x48: {  	_ =	shalt  }
0x49: {  	_ =	shalt  }
0x4a: {  	_ =	shalt  }
0x4b: {  	_ =	shalt  }
0x4c: {  	_ =	shalt  }
0x4d: {  	_ =	shalt  }
0x4e: {  	_ =	shalt  }
0x4f: {  	_ =	shalt  }
0x50: {  	_ =	shalt  }
0x51: {  	_ =	shalt  }
0x52: {  	_ =	shalt  }
0x53: {  	_ =	shalt  }
0x54: {  	_ =	shalt  }
0x55: {  	_ =	shalt  }
0x56: {  	_ =	shalt  }
0x57: {  	_ =	shalt  }
0x58: {  	_ =	shalt  }
0x59: {  	_ =	shalt  }
0x5a: {  	_ =	shalt  }
0x5b: {  	_ =	shalt  }
0x5c: {  	_ =	shalt  }
0x5d: {  	_ =	shalt  }
0x5e: {  	_ =	shalt  }
0x5f: {  	_ =	shalt  }
0x60: {  	_ =	shalt  }
0x61: {  	_ =	shalt  }
0x62: {  	_ =	shalt  }
0x63: {  	_ =	shalt  }
0x64: {  	_ =	shalt  }
0x65: {  	_ =	shalt  }
0x66: {  	_ =	shalt  }
0x67: {  	_ =	shalt  }
0x68: {  	_ =	shalt  }
0x69: {  	_ =	shalt  }
0x6a: {  	_ =	shalt  }
0x6b: {  	_ =	shalt  }
0x6c: {  	_ =	shalt  }
0x6d: {  	_ =	shalt  }
0x6e: {  	_ =	shalt  }
0x6f: {  	_ =	shalt  }
0x70: {  	_ =	shalt  }
0x71: {  	_ =	shalt  }
0x72: {  	_ =	shalt  }
0x73: {  	_ =	shalt  }
0x74: {  	_ =	shalt  }
0x75: {  	_ =	shalt  }
0x76: {  	_ =	shalt  }
0x77: {  	_ =	shalt  }
0x78: {  	_ =	shalt  }
0x79: {  	_ =	shalt  }
0x7a: {  	_ =	shalt  }
0x7b: {  	_ =	shalt  }
0x7c: {  	_ =	shalt  }
0x7d: {  	_ =	shalt  }
0x7e: {  	_ =	shalt  }
0x7f: {  	_ =	shalt  }
0x80: {  	_ =	shalt  }
0x81: {  	_ =	shalt  }
0x82: {  	_ =	shalt  }
0x83: {  	_ =	shalt  }
0x84: {  	_ =	shalt  }
0x85: {  	_ =	shalt  }
0x86: {  	_ =	shalt  }
0x87: {  	_ =	shalt  }
.Lfunc_end0:
.L_simem_size_0:
called_computation_lowered:
.L_overlay_start_0:
0x88: {  	s2 =	sld [smem:$0x3FD9]  }
0x89: {  	s3 =	sld [smem:$0x3FFE];
	_ =	sdelay $0x1  }
0x8a: {  	s1 =	srdreg.scid  }
0x8b: {  	s0 =	sand.u32 $0x1, s1  }
0x8c: {  	s18 =	sshll.u32 s0, $0xA;
	s2 =	sadd.s32 s3, s2  }
0x8d: {  	s2 =	sadd.s32 s2, s18  }
0x8e: {  	[smem:$0x3FC5] =	sst s2  }
0x8f: {  	_ = 	snop  }
0x90: {  	s2 =	sld [smem:$0x3FC9]  }
0x91: {  	s19 =	sld [smem:$0x3FC8]  }
0x92: {  	s4 =	sld [smem:$0x3FC7]  }
0x93: {  	s5 =	sld [smem:$0x3FD0];
	(tm) =	ssettm $0x1  }
0x94: {  	s6 =	sld [smem:$0x3FFB];
	_ =	sdelay $0x3  }
0x95: {  	_ =	strace s6  }
0x96: {  	s6 =	sld [smem:$0x3FFC];
	_ =	sdelay $0x3  }
0x97: {  	_ =	strace s6  }
0x98: {  	s6 =	sld [smem:$0x3FFD];
	_ =	sdelay $0x3  }
0x99: {  	_ =	strace s6  }
0x9a: {  	_ =	strace $0x8FFFFFFF  }
0x9b: {  	s20 =	sld [smem:$0x3FDB];
	_ =	sdelay $0x1  }
0x9c: {  	s7 =	simm.s32 $_scs_section_size  }
0x9d: {  	s8 =	simm.s32 $_size__tile_overlayer_lowered;
	s9 =	simm.s32 $_tile_overlayer_lowered  }
0x9e: {  	s23 =	simm.s32 $0x1BFF;
	s22 =	sshll.u32 s9, $0x1;
	s6 =	sadd.s32 s7, s20  }
0x9f: {  	s10 =	simm.s32 $0x0;
	s21 =	sshll.u32 s8, $0x1;
	s8 =	sadd.s32 s22, s6  }
0xa0: {  	[timem:s10], [sflag:s23] =	dma.local [hbm:s8], s21  }
0xa1: {  	_ =	swait.ge [sflag:s23], s21  }
0xa2: {  	s7 =	ssub.s32 $0x0, s21;
	[sflag:s23] =	ssyncset.done $0x0  }
0xa3: {  	[sflag:s23] =	ssyncadd.s32 s7;
	_ =	sdelay $0x1  }
0xa4: {  	s24 =	simm.s32 $0x1B8B  }
0xa5: {  	_ =	swait.ge [sflag:s24], $0x1  }
0xa6: {  	[sflag:s24] =	ssyncset.done $0x0  }
0xa7: {  	s25 =	simm.s32 $0x1B8E;
	[sflag:s24] =	ssyncadd.s32 $0xFFFFFFFF  }
0xa8: {  	s26 =	simm.s32 $execute0_lowered;
	[smem:$0x3FD2] =	sst s25  }
0xa9: {  	s7 =	sshll.u32 s26, $0x1;
	_ =	strace $0x80000046;
	[dreg:$0x1] =	wrdreg $0xFFFFFFFF  }
0xaa: {  	s28 =	simm.s32 $_size_execute0_lowered;
	s6 =	sadd.s32 s6, s7;
	[dreg:$0x0] =	wrdreg $0x0  }
0xab: {  	s7 =	sshll.u32 s28, $0x1;
	[dreg:$0x2] =	wrdreg s6  }
0xac: {  	[dreg:$0x3] =	wrdreg s7  }
0xad: {  	[dreg:$0x4] =	wrdreg $0xC0  }
0xae: {  	_ =	task [dreg:s10], $0x5FFFF  }
0xaf: {  	[dreg:$0x1] =	wrdreg $0xFFFFFFFF  }
0xb0: {  	[dreg:$0x0] =	wrdreg $0x60  }
0xb1: {  	[dreg:$0x2] =	wrdreg s2  }
0xb2: {  	[dreg:$0x3] =	wrdreg s19  }
0xb3: {  	[dreg:$0x4] =	wrdreg s4  }
0xb4: {  	[dreg:$0x5] =	wrdreg s5  }
0xb5: {  	[dreg:$0x6] =	wrdreg $0x9  }
0xb6: {  	_ =	task.clear_ibuf [dreg:s10], $0x7FFFF;
	_ =	strace $0x90000046  }
0xb7: {  	s29 =	simm.s32 $0x9;
	_ =	strace $0x80000048  }
0xb8: {  	_ =	swait.ge [sflag:s29], $0x1  }
0xb9: {  	[sflag:s29] =	ssyncadd.s32 $0xFFFFFFFF  }
0xba: {  	_ =	strace $0x90000048  }
0xbb: {  	_ =	sfence  }
0xbc: {  	s30 =	sld [smem:$0x0];
	_ =	sdelay $0x2  }
0xbd: {  	s31 =	sshll.u32 s1, $0xD;
	s1 =	sshrl.u32 s1, $0x2  }
0xbe: {  	s3 =	sand.u32 $0x4000, s31;
	s1 =	sadd.s32 s1, s30  }
0xbf: {  	s0 =	sor.u32 s3, s0;
	s1 =	sshll.u32 s1, $0x11  }
0xc0: {  	s0 =	sor.u32 s1, s0  }
0xc1: {  	s0 =	sadd.s32 $0x8F2B, s0  }
0xc2: {  	[sflag:s0] =	ssyncadd.remote.s32 $0x1  }
0xc3: {  	_ =	sfence.sel $0xFFFF  }
0xc4: {  	[dreg:$0x0] =	wrdreg $0xFFFFFFFF;
	(pc) =	sbr.abs _section_cstart, $3  }
0xc5: {  	[dreg:$0x1] =	wrdreg $0xFFFFFFFF  }
0xc6: {  	_ =	task.clear_ibuf [dreg:s10], $0x2FFFF;
	_ =	strace $0x9FFFFFFF  }
0xc7: {  	(tm) =	ssettm $0x7FFFFFFF  }
tec
execute0_lowered:
.L_overlay_start_1:
0x0: {  	(tag) =	ssettag $0x1  }
0x1: {  	s1 =	rddreg [dreg:$0x0]  }
0x2: {  	s0 =	rddreg [dreg:$0x2]  }
0x3: {  	s2 =	rddreg [dreg:$0x3]  }
0x4: {  	s3 =	srdreg.scid;
	s5 =	stileid.u32  }
0x5: {  	s4 =	simm.s32 $0x0;
	s12 =	simm.s32 $0x400;
	s30 =	simm.s32 $0xA800  }
0x6: {  	s17 =	simm.s32 $0x1;
	s18 =	simm.s32 $0x2400;
	s19 =	simm.s32 $0xE800  }
0x7: {  	s29 =	simm.s32 $0x2;
	s11 =	simm.s32 $0x6;
	s31 =	simm.s32 $0x4  }
0x8: {  	s3 =	sand.u32 $0x1, s3;
	s5 =	sshll.u32 s5, $0xB;
	[smem:$0x7FF] =	sst s4  }
0x9: {  	s6 =	sshll.u32 s3, $0xA;
	s3 =	ssub.s32 $0x2, s3;
	_ =	strace $0x80000047  }
0xa: {  	s10 =	sand.u32 $0x6000, s5;
	s7 =	sor.u32 s6, s5;
	s24 =	sshrl.u32 s3, $0x1  }
0xb: {  	s6 =	sadd.s32 $0x100, s1;
	s5 =	simm.s32 $0x5;
	v0 =	vmov s10;
	s10 =	simm.s32 $0x3  }
0xc: {  	s8 =	sshrl.u32 s7, $0x3;
	s3 =	ssub.s32 s3, s24;
	s26 =	sshll.u32 s7, $0x7  }
0xd: {  	v3 =	vlaneseq.u32;
	s7 =	sadd.s32 $0x200, s1;
	s25 =	sand.u32 $0x380, s8;
	s28 =	smax.u32 s3, $0x1  }
0xe: {  	vm0 =	vmmov $0xffff;
	v2 =	vshrl.u32 v3, $0x3;
	s8 =	sadd.s32 $0x300, s1;
	s0 =	sadd.s32 s0, s25;
	[dreg:$0x6] =	wrdreg s28  }
0xf: {  	v1 =	vand.u32 $0x7, v3;
	v3 =	vor.u32 $0x8, v3;
	v2 =	vmul.u32 $0x8, v2;
	s9 =	sadd.s32 s2, s26;
	s3 =	simm.s32 $0x0;
	[dreg:$0x5] =	wrdreg s0  }
.LBB2_1:
0x10: {  	[dreg:$0x7] =	wrdreg s3  }
0x11: {  	s0 =	rddreg [dreg:$0x5];
	s2 =	simm.s32 $0x9  }
0x12: {  	[tilespmem:s4], [sflag:$0x9] =	stream.linear.gather [hbm4b:s0+s4], $0x400, $0x38;
	[tilespmem:$0x12800] =	vst v63  }
0x13: {  	_ =	swait.ge [sflag:s2], $0x400  }
0x14: {  	[sflag:s2] =	ssyncset.done $0x0  }
0x15: {  	[sflag:s2] =	ssyncadd.s32 $0xFFFFFC00  }
0x16: {  	s28 =	rddreg [dreg:$0x1]  }
0x17: {  	[tilespmem:s12], [sflag:$0x9] =	stream.linear.gather [hbm4b:s28+s4], $0x2000, $0x38;
	[tilespmem:$0x12800] =	vst v63  }
0x18: {  	_ =	swait.ge [sflag:s2], $0x2000  }
0x19: {  	[sflag:s2] =	ssyncset.done $0x0  }
0x1a: {  	[sflag:s2] =	ssyncadd.s32 $0xFFFFE000;
	s2 =	simm.s32 $0x10  }
0x1b: {  	v4 =	vld [tilespmem:s2+$0xFFFFFFF0];
	_ =	sdelay $0x7  }
0x1c: {  	v5 =	vld.idx.msk [tilespmem:v4+s12+$0x0], $0xffff;
	_ =	sdelay $0x3  }
0x1d: {  	s0 =	simm.s32 $0x2410  }
0x1e: {  	[tilespmem:s0+$0xFFFFFFF0] =	vst v5  }
0x1f: {  	v5 =	vld [tilespmem:s2+$0x0];
	_ =	sdelay $0x5  }
0x20: {  	v4 =	vadd.s32 v0, v4  }
0x21: {  	[tilespmem:s2+$0xFFFFFFF0] =	vst v4  }
0x22: {  	v4 =	vld.idx.msk [tilespmem:v5+s12+$0x0], $0xffff;
	_ =	sdelay $0x4  }
0x23: {  	s13 =	simm.s32 $0x2;
	s3 =	simm.s32 $0x30;
	[tilespmem:s0+$0x0] =	vst v4;
	v4 =	vadd.s32 v0, v5  }
.LBB2_2:
0x24: {  	s13 =	sadd.s32 $0x2, s13;
	v5 =	vld [tilespmem:s3+$0xFFFFFFF0];
	[tilespmem:s2+$0x0] =	vst v4;
	s0 =	sadd.s32 $0x20, s0;
	s2 =	smov.u32 s3  }
0x25: {  	p0 =	slt.u32 s13, $0x3E;
	_ =	sdelay $0x6  }
0x26: {  	v4 =	vld.idx.msk [tilespmem:v5+s12+$0x0], $0xffff;
	_ =	sdelay $0x5  }
0x27: {  	[tilespmem:s0+$0xFFFFFFF0] =	vst v4  }
0x28: {  	v4 =	vld [tilespmem:s3+$0x0];
	_ =	sdelay $0x5  }
0x29: {  	v5 =	vadd.s32 v0, v5  }
0x2a: {  	[tilespmem:s3+$0xFFFFFFF0] =	vst v5  }
0x2b: {  	v5 =	vld.idx.msk [tilespmem:v4+s12+$0x0], $0xffff;
	_ =	sdelay $0x1  }
.Ltmp0:
0x2c: {  	(pc) =	sbr.rel @p0 .LBB2_2-.Ltmp0, $2  }
0x2d: {  	_ =	sdelay $0x2  }
0x2e: {  	s3 =	sadd.s32 $0x20, s3;
	v4 =	vadd.s32 v0, v4;
	[tilespmem:s0+$0x0] =	vst v5  }
0x2f: {  	v5 =	vld [tilespmem:s3+$0xFFFFFFF0];
	_ =	sdelay $0x6  }
0x30: {  	[tilespmem:s2+$0x0] =	vst v4  }
0x31: {  	v4 =	vld.idx.msk [tilespmem:v5+s12+$0x0], $0xffff;
	_ =	sdelay $0x3  }
0x32: {  	s0 =	sadd.s32 $0x20, s0  }
0x33: {  	[tilespmem:s0+$0xFFFFFFF0] =	vst v4  }
0x34: {  	v4 =	vld [tilespmem:s3+$0x0];
	_ =	sdelay $0x5  }
0x35: {  	v5 =	vadd.s32 v0, v5  }
0x36: {  	[tilespmem:s3+$0xFFFFFFF0] =	vst v5  }
0x37: {  	v5 =	vld.idx.msk [tilespmem:v4+s12+$0x0], $0xffff;
	_ =	sdelay $0x4  }
0x38: {  	v4 =	vadd.s32 v0, v4;
	[tilespmem:s0+$0x0] =	vst v5  }
0x39: {  	[tilespmem:s3+$0x0] =	vst v4  }
0x3a: {  	v4 =	vld [tilespmem:$0x0];
	_ =	sdelay $0x4  }
0x3b: {  	v5 =	vshll.u32 v4, $0x3  }
0x3c: {  	v4 =	vand.u32 $0x7, v4;
	v5 =	vand.u32 $0xFFFFFFC0, v5  }
0x3d: {  	v4 =	vor.u32 v4, v5  }
0x3e: {  	v5 =	vperm.xlane v4, v1;
	_ =	sdelay $0x1  }
0x3f: {  	v5 =	vadd.s32 v2, v5;
	_ =	sdelay $0x3  }
0x40: {  	s25 =	simm.s32 $0x2800;
	s0 =	simm.s32 $0x0  }
0x41: {  	[tilespmem:s25], [sflag:$0x1] =	stream.indirect_vreg.gather [hbm4b:s1+s0], $0x80, v5, vm0, $0xb8;
	[tilespmem:$0x12800] =	vst v63  }
0x42: {  	s26 =	simm.s32 $0x3000;
	v4 =	vperm.xlane v4, v3  }
0x43: {  	[tilespmem:s26], [sflag:$0x1] =	stream.indirect_vreg.gather [hbm4b:s6+s0], $0x80, v5, vm0, $0xb8;
	[tilespmem:$0x12800] =	vst v63  }
0x44: {  	s28 =	simm.s32 $0x3800;
	v4 =	vadd.s32 v2, v4  }
0x45: {  	[tilespmem:s28], [sflag:$0x1] =	stream.indirect_vreg.gather [hbm4b:s7+s0], $0x80, v5, vm0, $0xb8;
	[tilespmem:$0x12800] =	vst v63  }
0x46: {  	s3 =	simm.s32 $0x4000  }
0x47: {  	[tilespmem:s3], [sflag:$0x1] =	stream.indirect_vreg.gather [hbm4b:s8+s0], $0x80, v5, vm0, $0xb8;
	[tilespmem:$0x12800] =	vst v63  }
0x48: {  	s13 =	simm.s32 $0x4800  }
0x49: {  	[tilespmem:s13], [sflag:$0x1] =	stream.indirect_vreg.gather [hbm4b:s1+s0], $0x80, v4, vm0, $0xb8;
	[tilespmem:$0x12800] =	vst v63  }
0x4a: {  	s14 =	simm.s32 $0x5000  }
0x4b: {  	[tilespmem:s14], [sflag:$0x1] =	stream.indirect_vreg.gather [hbm4b:s6+s0], $0x80, v4, vm0, $0xb8;
	[tilespmem:$0x12800] =	vst v63  }
0x4c: {  	s15 =	simm.s32 $0x5800  }
0x4d: {  	[tilespmem:s15], [sflag:$0x1] =	stream.indirect_vreg.gather [hbm4b:s7+s0], $0x80, v4, vm0, $0xb8;
	[tilespmem:$0x12800] =	vst v63  }
0x4e: {  	s16 =	simm.s32 $0x6000  }
0x4f: {  	[tilespmem:s16], [sflag:$0x1] =	stream.indirect_vreg.gather [hbm4b:s8+s0], $0x80, v4, vm0, $0xb8;
	[tilespmem:$0x12800] =	vst v63  }
0x50: {  	v4 =	vld [tilespmem:$0x10];
	_ =	sdelay $0x4  }
0x51: {  	v5 =	vshll.u32 v4, $0x3  }
0x52: {  	v4 =	vand.u32 $0x7, v4;
	v5 =	vand.u32 $0xFFFFFFC0, v5  }
0x53: {  	v4 =	vor.u32 v4, v5  }
0x54: {  	v5 =	vperm.xlane v4, v1;
	_ =	sdelay $0x1  }
0x55: {  	v5 =	vadd.s32 v2, v5;
	_ =	sdelay $0x3  }
0x56: {  	s20 =	simm.s32 $0x6800  }
0x57: {  	[tilespmem:s20], [sflag:$0x2] =	stream.indirect_vreg.gather [hbm4b:s1+s0], $0x80, v5, vm0, $0xb8;
	[tilespmem:$0x12800] =	vst v63  }
0x58: {  	s21 =	simm.s32 $0x7000;
	v4 =	vperm.xlane v4, v3  }
0x59: {  	[tilespmem:s21], [sflag:$0x2] =	stream.indirect_vreg.gather [hbm4b:s6+s0], $0x80, v5, vm0, $0xb8;
	[tilespmem:$0x12800] =	vst v63  }
0x5a: {  	s22 =	simm.s32 $0x7800;
	v4 =	vadd.s32 v2, v4  }
0x5b: {  	[tilespmem:s22], [sflag:$0x2] =	stream.indirect_vreg.gather [hbm4b:s7+s0], $0x80, v5, vm0, $0xb8;
	[tilespmem:$0x12800] =	vst v63  }
0x5c: {  	s23 =	simm.s32 $0x8000  }
0x5d: {  	[tilespmem:s23], [sflag:$0x2] =	stream.indirect_vreg.gather [hbm4b:s8+s0], $0x80, v5, vm0, $0xb8;
	[tilespmem:$0x12800] =	vst v63  }
0x5e: {  	s24 =	simm.s32 $0x8800  }
0x5f: {  	[tilespmem:s24], [sflag:$0x2] =	stream.indirect_vreg.gather [hbm4b:s1+s0], $0x80, v4, vm0, $0xb8;
	[tilespmem:$0x12800] =	vst v63  }
0x60: {  	s2 =	simm.s32 $0x20;
	s25 =	simm.s32 $0x9000  }
0x61: {  	[tilespmem:s25], [sflag:$0x2] =	stream.indirect_vreg.gather [hbm4b:s6+s0], $0x80, v4, vm0, $0xb8;
	[tilespmem:$0x12800] =	vst v63  }
0x62: {  	s26 =	simm.s32 $0x9800;
	s28 =	simm.s32 $0xA000;
	s14 =	simm.s32 $0x30  }
0x63: {  	[tilespmem:s26], [sflag:$0x2] =	stream.indirect_vreg.gather [hbm4b:s7+s0], $0x80, v4, vm0, $0xb8;
	[tilespmem:$0x12800] =	vst v63  }
0x64: {  	s15 =	simm.s32 $0x0;
	s16 =	simm.s32 $0x0;
	s26 =	simm.s32 $0x10  }
0x65: {  	[tilespmem:s28], [sflag:$0x2] =	stream.indirect_vreg.gather [hbm4b:s8+s0], $0x80, v4, vm0, $0xb8;
	[tilespmem:$0x12800] =	vst v63  }
.LBB2_4:
0x66: {  	p0 =	seq.s32 s16, $0x0  }
0x67: {  	s23 =	sshll.u32 s16, $0x2;
	s3 =	simm.s32 @!p0 $0x7  }
0x68: {  	s22 =	sor.u32 $0x2, s23;
	_ =	swait.ge @!p0 [sflag:s3], $0x4000  }
0x69: {  	s13 =	sshll.u32 s22, $0x4;
	[sflag:s3] =	ssyncset.done @!p0 $0x0  }
0x6a: {  	s25 =	sand.u32 $0x3FFFFFF0, s13;
	[sflag:s3] =	ssyncadd.s32 @!p0 $0xFFFFC000  }
0x6b: {  	v4 =	vld [tilespmem:s25+$0x0];
	_ =	sdelay $0x4  }
0x6c: {  	v5 =	vshll.u32 v4, $0x3  }
0x6d: {  	v4 =	vand.u32 $0x7, v4;
	v5 =	vand.u32 $0xFFFFFFC0, v5  }
0x6e: {  	v4 =	vor.u32 v4, v5  }
0x6f: {  	v5 =	vperm.xlane v4, v1;
	_ =	sdelay $0x1  }
0x70: {  	v5 =	vadd.s32 v2, v5;
	_ =	sdelay $0x4  }
0x71: {  	[tilespmem:s30], [sflag:$0x3] =	stream.indirect_vreg.gather [hbm4b:s1+s0], $0x80, v5, vm0, $0xb8;
	[tilespmem:$0x12800] =	vst v63  }
0x72: {  	v4 =	vperm.xlane v4, v3;
	s30 =	simm.s32 $0xB000  }
0x73: {  	[tilespmem:s30], [sflag:$0x3] =	stream.indirect_vreg.gather [hbm4b:s6+s0], $0x80, v5, vm0, $0xb8;
	[tilespmem:$0x12800] =	vst v63  }
0x74: {  	s13 =	simm.s32 $0xB800;
	v4 =	vadd.s32 v2, v4  }
0x75: {  	[tilespmem:s13], [sflag:$0x3] =	stream.indirect_vreg.gather [hbm4b:s7+s0], $0x80, v5, vm0, $0xb8;
	[tilespmem:$0x12800] =	vst v63  }
0x76: {  	s20 =	simm.s32 $0xC000  }
0x77: {  	[tilespmem:s20], [sflag:$0x3] =	stream.indirect_vreg.gather [hbm4b:s8+s0], $0x80, v5, vm0, $0xb8;
	[tilespmem:$0x12800] =	vst v63  }
0x78: {  	s21 =	simm.s32 $0xC800  }
0x79: {  	[tilespmem:s21], [sflag:$0x3] =	stream.indirect_vreg.gather [hbm4b:s1+s0], $0x80, v4, vm0, $0xb8;
	[tilespmem:$0x12800] =	vst v63  }
0x7a: {  	s24 =	simm.s32 $0xD000  }
0x7b: {  	[tilespmem:s24], [sflag:$0x3] =	stream.indirect_vreg.gather [hbm4b:s6+s0], $0x80, v4, vm0, $0xb8;
	[tilespmem:$0x12800] =	vst v63  }
0x7c: {  	s25 =	simm.s32 $0xD800  }
0x7d: {  	[tilespmem:s25], [sflag:$0x3] =	stream.indirect_vreg.gather [hbm4b:s7+s0], $0x80, v4, vm0, $0xb8;
	[tilespmem:$0x12800] =	vst v63  }
0x7e: {  	s30 =	simm.s32 $0xE000  }
0x7f: {  	[tilespmem:s30], [sflag:$0x3] =	stream.indirect_vreg.gather [hbm4b:s8+s0], $0x80, v4, vm0, $0xb8;
	[tilespmem:$0x12800] =	vst v63  }
0x80: {  	s28 =	simm.s32 $0x0;
	_ =	swait.ge [sflag:s17], $0x4000  }
0x81: {  	s3 =	simm.s32 $0x0;
	s20 =	simm.s32 $0xFFFFC000;
	[sflag:s17] =	ssyncset.done $0x0  }
0x82: {  	s24 =	smov.u32 s15;
	s25 =	simm.s32 $0x0;
	[sflag:s17] =	ssyncadd.s32 $0xFFFFC000  }
.LBB2_5:
0x83: {  	v4 =	vmov s24  }
0x84: {  	s13 =	sadd.s32 $0x4000, s20  }
0x85: {  	s21 =	sand.u32 $0x380, s28;
	s13 =	sand.u32 $0x2000, s13  }
0x86: {  	s13 =	sor.u32 s21, s13  }
0x87: {  	v5 =	vld [tilespmem:s13+$0x2800]  }
0x88: {  	v4 =	vld.idx.msk [tilespmem:v4+s18+$0x0], $0xffff  }
0x89: {  	v6 =	vld [tilespmem:s13+$0x2810]  }
0x8a: {  	v8 =	vld [tilespmem:s13+$0x2830]  }
0x8b: {  	v10 =	vld [tilespmem:s13+$0x2860]  }
0x8c: {  	v7 =	vld [tilespmem:s13+$0x2820]  }
0x8d: {  	v43 =	vld [tilespmem:s13+$0x2C00];
	v5 =	vmul.f32 v5, v4  }
0x8e: {  	v9 =	vld [tilespmem:s13+$0x2850];
	v6 =	vmul.f32 v6, v4  }
0x8f: {  	v46 =	vld [tilespmem:s13+$0x2C20];
	v44 =	vmul.f32 v8, v4;
	[tilespmem:s13+$0x2800] =	vst v5  }
0x90: {  	v11 =	vld [tilespmem:s13+$0x2870];
	v47 =	vmul.f32 v10, v4;
	[tilespmem:s13+$0x2810] =	vst v6  }
0x91: {  	v49 =	vld [tilespmem:s13+$0x2C50];
	v5 =	vmul.f32 v7, v4;
	[tilespmem:s13+$0x2830] =	vst v44  }
0x92: {  	v45 =	vld [tilespmem:s13+$0x2C10];
	v50 =	vmul.f32 v43, v4;
	[tilespmem:s13+$0x2860] =	vst v47  }
0x93: {  	v52 =	vld [tilespmem:s13+$0x2C70];
	[tilespmem:s13+$0x2820] =	vst v5;
	v5 =	vmul.f32 v9, v4  }
0x94: {  	v48 =	vld [tilespmem:s13+$0x2C30];
	v53 =	vmul.f32 v46, v4;
	[tilespmem:s13+$0x2C00] =	vst v50  }
0x95: {  	v55 =	vld [tilespmem:s13+$0x3010];
	[tilespmem:s13+$0x2850] =	vst v5;
	v5 =	vmul.f32 v11, v4  }
0x96: {  	v51 =	vld [tilespmem:s13+$0x2C60];
	v56 =	vmul.f32 v49, v4;
	[tilespmem:s13+$0x2C20] =	vst v53  }
0x97: {  	v58 =	vld [tilespmem:s13+$0x3030];
	[tilespmem:s13+$0x2870] =	vst v5;
	v5 =	vmul.f32 v45, v4  }
0x98: {  	v54 =	vld [tilespmem:s13+$0x3000];
	v59 =	vmul.f32 v52, v4;
	[tilespmem:s13+$0x2C50] =	vst v56  }
0x99: {  	v61 =	vld [tilespmem:s13+$0x3060];
	[tilespmem:s13+$0x2C10] =	vst v5;
	v5 =	vmul.f32 v48, v4  }
0x9a: {  	v57 =	vld [tilespmem:s13+$0x3020];
	v62 =	vmul.f32 v55, v4;
	[tilespmem:s13+$0x2C70] =	vst v59  }
0x9b: {  	v12 =	vld [tilespmem:s13+$0x3400];
	[tilespmem:s13+$0x2C30] =	vst v5;
	v5 =	vmul.f32 v51, v4  }
0x9c: {  	v60 =	vld [tilespmem:s13+$0x3050];
	v13 =	vmul.f32 v58, v4;
	[tilespmem:s13+$0x3010] =	vst v62  }
0x9d: {  	v15 =	vld [tilespmem:s13+$0x3420];
	[tilespmem:s13+$0x2C60] =	vst v5;
	v5 =	vmul.f32 v54, v4  }
0x9e: {  	v63 =	vld [tilespmem:s13+$0x3070];
	v16 =	vmul.f32 v61, v4;
	[tilespmem:s13+$0x3030] =	vst v13  }
0x9f: {  	v18 =	vld [tilespmem:s13+$0x3450];
	[tilespmem:s13+$0x3000] =	vst v5;
	v5 =	vmul.f32 v57, v4  }
0xa0: {  	v14 =	vld [tilespmem:s13+$0x3410];
	v19 =	vmul.f32 v12, v4;
	[tilespmem:s13+$0x3060] =	vst v16  }
0xa1: {  	v21 =	vld [tilespmem:s13+$0x3470];
	[tilespmem:s13+$0x3020] =	vst v5;
	v5 =	vmul.f32 v60, v4  }
0xa2: {  	v17 =	vld [tilespmem:s13+$0x3430];
	v22 =	vmul.f32 v15, v4;
	[tilespmem:s13+$0x3400] =	vst v19  }
0xa3: {  	v24 =	vld [tilespmem:s13+$0x3810];
	[tilespmem:s13+$0x3050] =	vst v5;
	v5 =	vmul.f32 v63, v4  }
0xa4: {  	v20 =	vld [tilespmem:s13+$0x3460];
	v25 =	vmul.f32 v18, v4;
	[tilespmem:s13+$0x3420] =	vst v22  }
0xa5: {  	v27 =	vld [tilespmem:s13+$0x3830];
	[tilespmem:s13+$0x3070] =	vst v5;
	v5 =	vmul.f32 v14, v4  }
0xa6: {  	v23 =	vld [tilespmem:s13+$0x3800];
	v28 =	vmul.f32 v21, v4;
	[tilespmem:s13+$0x3450] =	vst v25  }
0xa7: {  	v30 =	vld [tilespmem:s13+$0x3860];
	[tilespmem:s13+$0x3410] =	vst v5;
	v5 =	vmul.f32 v17, v4  }
0xa8: {  	v26 =	vld [tilespmem:s13+$0x3820];
	v31 =	vmul.f32 v24, v4;
	[tilespmem:s13+$0x3470] =	vst v28  }
0xa9: {  	v33 =	vld [tilespmem:s13+$0x3C00];
	[tilespmem:s13+$0x3430] =	vst v5;
	v5 =	vmul.f32 v20, v4  }
0xaa: {  	v29 =	vld [tilespmem:s13+$0x3850];
	v34 =	vmul.f32 v27, v4;
	[tilespmem:s13+$0x3810] =	vst v31  }
0xab: {  	v36 =	vld [tilespmem:s13+$0x3C20];
	[tilespmem:s13+$0x3460] =	vst v5;
	v5 =	vmul.f32 v23, v4  }
0xac: {  	v32 =	vld [tilespmem:s13+$0x3870];
	v37 =	vmul.f32 v30, v4;
	[tilespmem:s13+$0x3830] =	vst v34  }
0xad: {  	v39 =	vld [tilespmem:s13+$0x3C50];
	[tilespmem:s13+$0x3800] =	vst v5;
	v5 =	vmul.f32 v26, v4  }
0xae: {  	v35 =	vld [tilespmem:s13+$0x3C10];
	v40 =	vmul.f32 v33, v4;
	[tilespmem:s13+$0x3860] =	vst v37  }
0xaf: {  	v42 =	vld [tilespmem:s13+$0x3C70];
	[tilespmem:s13+$0x3820] =	vst v5;
	v5 =	vmul.f32 v29, v4  }
0xb0: {  	v38 =	vld [tilespmem:s13+$0x3C30];
	v43 =	vmul.f32 v36, v4;
	[tilespmem:s13+$0x3C00] =	vst v40  }
0xb1: {  	v47 =	vld [tilespmem:s13+$0x4020];
	[tilespmem:s13+$0x3850] =	vst v5;
	v5 =	vmul.f32 v32, v4  }
0xb2: {  	v41 =	vld [tilespmem:s13+$0x3C60];
	v46 =	vmul.f32 v39, v4;
	[tilespmem:s13+$0x3C20] =	vst v43  }
0xb3: {  	v50 =	vld [tilespmem:s13+$0x4050];
	[tilespmem:s13+$0x3870] =	vst v5;
	v5 =	vmul.f32 v35, v4  }
0xb4: {  	v49 =	vmul.f32 v42, v4;
	v44 =	vld [tilespmem:s13+$0x4000];
	[tilespmem:s13+$0x3C50] =	vst v46  }
0xb5: {  	v53 =	vld [tilespmem:s13+$0x4070];
	[tilespmem:s13+$0x3C10] =	vst v5;
	v5 =	vmul.f32 v38, v4  }
0xb6: {  	[tilespmem:s13+$0x3C70] =	vst v49;
	v9 =	vmul.f32 v47, v4;
	v45 =	vld [tilespmem:s13+$0x4010]  }
0xb7: {  	v48 =	vld [tilespmem:s13+$0x4030];
	[tilespmem:s13+$0x3C30] =	vst v5;
	v5 =	vmul.f32 v41, v4  }
0xb8: {  	v11 =	vmul.f32 v50, v4;
	[tilespmem:s13+$0x4020] =	vst v9;
	v51 =	vld [tilespmem:s13+$0x4060]  }
0xb9: {  	[tilespmem:s13+$0x3C60] =	vst v5;
	v5 =	vmul.f32 v44, v4  }
0xba: {  	v58 =	vld [tilespmem:s13+$0x3C40];
	v8 =	vmul.f32 v53, v4;
	[tilespmem:s13+$0x4050] =	vst v11  }
0xbb: {  	v52 =	vmul.f32 v45, v4;
	[tilespmem:s13+$0x4000] =	vst v5;
	v5 =	vld [tilespmem:s13+$0x2840]  }
0xbc: {  	s30 =	sand.u32 $0x7, s25;
	v56 =	vld [tilespmem:s13+$0x3440];
	[tilespmem:s13+$0x4070] =	vst v8;
	v10 =	vmul.f32 v48, v4  }
0xbd: {  	s21 =	sshll.u32 s30, $0x7;
	v55 =	vld [tilespmem:s13+$0x3040];
	[tilespmem:s13+$0x4010] =	vst v52;
	v7 =	vmul.f32 v51, v4  }
0xbe: {  	s21 =	sadd.s32 s21, s3;
	v54 =	vld [tilespmem:s13+$0x2C40];
	[tilespmem:s13+$0x4030] =	vst v10  }
0xbf: {  	s30 =	sor.u32 $0x1C00, s21;
	v62 =	vmul.f32 v58, v4;
	v57 =	vld [tilespmem:s13+$0x3840];
	[tilespmem:s13+$0x4060] =	vst v7  }
0xc0: {  	v60 =	vld [tilespmem:s30+$0x2800];
	v5 =	vmul.f32 v5, v4  }
0xc1: {  	v59 =	vld [tilespmem:s13+$0x4040];
	v61 =	vmul.f32 v56, v4;
	[tilespmem:s13+$0x3C40] =	vst v62  }
0xc2: {  	[tilespmem:s13+$0x2840] =	vst v5;
	v5 =	vmul.f32 v55, v4  }
0xc3: {  	[tilespmem:s13+$0x3440] =	vst v61;
	v6 =	vmul.f32 v54, v4  }
0xc4: {  	[tilespmem:s13+$0x3040] =	vst v5;
	v5 =	vmul.f32 v57, v4  }
0xc5: {  	[tilespmem:s13+$0x2C40] =	vst v6;
	v63 =	vmul.f32 v60, v4  }
0xc6: {  	[tilespmem:s13+$0x3840] =	vst v5;
	v5 =	vmul.f32 v59, v4  }
0xc7: {  	[tilespmem:s30+$0x2800] =	vst v63  }
0xc8: {  	s30 =	sor.u32 $0x1C10, s21;
	[tilespmem:s13+$0x4040] =	vst v5  }
0xc9: {  	v5 =	vld [tilespmem:s30+$0x2800];
	_ =	sdelay $0x4  }
0xca: {  	v5 =	vmul.f32 v5, v4;
	_ =	sdelay $0x1  }
0xcb: {  	[tilespmem:s30+$0x2800] =	vst v5;
	s30 =	sor.u32 $0x1C20, s21  }
0xcc: {  	v5 =	vld [tilespmem:s30+$0x2800];
	_ =	sdelay $0x4  }
0xcd: {  	v5 =	vmul.f32 v5, v4;
	_ =	sdelay $0x1  }
0xce: {  	[tilespmem:s30+$0x2800] =	vst v5;
	s30 =	sor.u32 $0x1C30, s21  }
0xcf: {  	v5 =	vld [tilespmem:s30+$0x2800];
	_ =	sdelay $0x4  }
0xd0: {  	v5 =	vmul.f32 v5, v4;
	_ =	sdelay $0x1  }
0xd1: {  	[tilespmem:s30+$0x2800] =	vst v5;
	s30 =	sor.u32 $0x1C40, s21  }
0xd2: {  	v5 =	vld [tilespmem:s30+$0x2800];
	_ =	sdelay $0x4  }
0xd3: {  	v5 =	vmul.f32 v5, v4;
	_ =	sdelay $0x1  }
0xd4: {  	[tilespmem:s30+$0x2800] =	vst v5;
	s30 =	sor.u32 $0x1C50, s21  }
0xd5: {  	v5 =	vld [tilespmem:s30+$0x2800];
	_ =	sdelay $0x4  }
0xd6: {  	v5 =	vmul.f32 v5, v4;
	_ =	sdelay $0x1  }
0xd7: {  	[tilespmem:s30+$0x2800] =	vst v5;
	s30 =	sor.u32 $0x1C60, s21  }
0xd8: {  	v5 =	vld [tilespmem:s30+$0x2800];
	_ =	sdelay $0x4  }
0xd9: {  	v5 =	vmul.f32 v5, v4;
	_ =	sdelay $0x1  }
0xda: {  	[tilespmem:s30+$0x2800] =	vst v5;
	s30 =	sor.u32 $0x1C70, s21  }
0xdb: {  	v5 =	vld [tilespmem:s30+$0x2800];
	_ =	sdelay $0x1  }
0xdc: {  	p1 =	sne.s32 s28, $0x780  }
.Ltmp1:
0xdd: {  	_ = 	snop;
	(pc) =	sbr.rel @p1 .LBB2_5-.Ltmp1, $4  }
0xde: {  	_ = 	snop  }
0xdf: {  	v4 =	vmul.f32 v5, v4  }
0xe0: {  	s25 =	sadd.s32 $0x1, s25;
	s20 =	sadd.s32 $0x400, s20  }
0xe1: {  	s24 =	sadd.s32 $0x1, s24;
	s28 =	sadd.s32 $0x80, s28;
	s3 =	sadd.s32 $0x400, s3;
	[tilespmem:s30+$0x2800] =	vst v4  }
0xe2: {  	s3 =	sshll.u32 s16, $0xD  }
0xe3: {  	s13 =	simm.s32 $0x2800;
	s3 =	sadd.s32 s3, s9  }
0xe4: {  	[hbm4b:s3+s4] =	stream.linear.scatter [tilespmem:s13], [sflag:$0x5], $0x4000, $0x38;
	[tilespmem:$0x12800] =	vst v63  }
0xe5: {  	s3 =	simm.s32 @!p0 $0x8  }
0xe6: {  	s20 =	sor.u32 $0x3, s23;
	_ =	swait.ge @!p0 [sflag:s3], $0x4000  }
0xe7: {  	s21 =	sshll.u32 s20, $0x4;
	[sflag:s3] =	ssyncset.done @!p0 $0x0  }
0xe8: {  	s24 =	sand.u32 $0x3FFFFFF0, s21;
	[sflag:s3] =	ssyncadd.s32 @!p0 $0xFFFFC000  }
0xe9: {  	v4 =	vld [tilespmem:s24+$0x0];
	_ =	sdelay $0x4  }
0xea: {  	v5 =	vshll.u32 v4, $0x3  }
0xeb: {  	v4 =	vand.u32 $0x7, v4;
	v5 =	vand.u32 $0xFFFFFFC0, v5  }
0xec: {  	v4 =	vor.u32 v4, v5  }
0xed: {  	v5 =	vperm.xlane v4, v1;
	_ =	sdelay $0x1  }
0xee: {  	v5 =	vadd.s32 v2, v5;
	_ =	sdelay $0x3  }
0xef: {  	s24 =	simm.s32 $0x0  }
0xf0: {  	[tilespmem:s19], [sflag:$0x4] =	stream.indirect_vreg.gather [hbm4b:s1+s24], $0x80, v5, vm0, $0xb8;
	[tilespmem:$0x12800] =	vst v63  }
0xf1: {  	s25 =	simm.s32 $0xF000;
	v4 =	vperm.xlane v4, v3  }
0xf2: {  	[tilespmem:s25], [sflag:$0x4] =	stream.indirect_vreg.gather [hbm4b:s6+s24], $0x80, v5, vm0, $0xb8;
	[tilespmem:$0x12800] =	vst v63  }
0xf3: {  	s30 =	simm.s32 $0xF800;
	v4 =	vadd.s32 v2, v4  }
0xf4: {  	[tilespmem:s30], [sflag:$0x4] =	stream.indirect_vreg.gather [hbm4b:s7+s24], $0x80, v5, vm0, $0xb8;
	[tilespmem:$0x12800] =	vst v63  }
0xf5: {  	s13 =	simm.s32 $0x10000  }
0xf6: {  	[tilespmem:s13], [sflag:$0x4] =	stream.indirect_vreg.gather [hbm4b:s8+s24], $0x80, v5, vm0, $0xb8;
	[tilespmem:$0x12800] =	vst v63  }
0xf7: {  	s19 =	simm.s32 $0x10800  }
0xf8: {  	[tilespmem:s19], [sflag:$0x4] =	stream.indirect_vreg.gather [hbm4b:s1+s24], $0x80, v4, vm0, $0xb8;
	[tilespmem:$0x12800] =	vst v63  }
0xf9: {  	s21 =	simm.s32 $0x11000  }
0xfa: {  	[tilespmem:s21], [sflag:$0x4] =	stream.indirect_vreg.gather [hbm4b:s6+s24], $0x80, v4, vm0, $0xb8;
	[tilespmem:$0x12800] =	vst v63  }
0xfb: {  	s25 =	simm.s32 $0x11800  }
0xfc: {  	[tilespmem:s25], [sflag:$0x4] =	stream.indirect_vreg.gather [hbm4b:s7+s24], $0x80, v4, vm0, $0xb8;
	[tilespmem:$0x12800] =	vst v63  }
0xfd: {  	s30 =	simm.s32 $0x12000  }
0xfe: {  	[tilespmem:s30], [sflag:$0x4] =	stream.indirect_vreg.gather [hbm4b:s8+s24], $0x80, v4, vm0, $0xb8;
	[tilespmem:$0x12800] =	vst v63  }
0xff: {  	s23 =	sor.u32 $0x1, s23;
	_ =	swait.ge [sflag:s29], $0x4000  }
0x100: {  	s28 =	simm.s32 $0x0;
	s3 =	smov.u32 s26;
	[sflag:s29] =	ssyncset.done $0x0  }
0x101: {  	s13 =	simm.s32 $0x0;
	s25 =	simm.s32 $0xFFFFC000;
	[sflag:s29] =	ssyncadd.s32 $0xFFFFC000  }
.LBB2_7:
0x102: {  	v4 =	vmov s3  }
0x103: {  	s21 =	sadd.s32 $0x4000, s25  }
0x104: {  	s30 =	sand.u32 $0x380, s13;
	s21 =	sand.u32 $0x2000, s21  }
0x105: {  	s21 =	sor.u32 s30, s21  }
0x106: {  	v5 =	vld [tilespmem:s21+$0x6800]  }
0x107: {  	v4 =	vld.idx.msk [tilespmem:v4+s18+$0x0], $0xffff  }
0x108: {  	v6 =	vld [tilespmem:s21+$0x6810]  }
0x109: {  	v8 =	vld [tilespmem:s21+$0x6830]  }
0x10a: {  	v10 =	vld [tilespmem:s21+$0x6860]  }
0x10b: {  	v7 =	vld [tilespmem:s21+$0x6820]  }
0x10c: {  	v43 =	vld [tilespmem:s21+$0x6C00];
	v5 =	vmul.f32 v5, v4  }
0x10d: {  	v9 =	vld [tilespmem:s21+$0x6850];
	v6 =	vmul.f32 v6, v4  }
0x10e: {  	v46 =	vld [tilespmem:s21+$0x6C20];
	v44 =	vmul.f32 v8, v4;
	[tilespmem:s21+$0x6800] =	vst v5  }
0x10f: {  	v11 =	vld [tilespmem:s21+$0x6870];
	v47 =	vmul.f32 v10, v4;
	[tilespmem:s21+$0x6810] =	vst v6  }
0x110: {  	v49 =	vld [tilespmem:s21+$0x6C50];
	v5 =	vmul.f32 v7, v4;
	[tilespmem:s21+$0x6830] =	vst v44  }
0x111: {  	v45 =	vld [tilespmem:s21+$0x6C10];
	v50 =	vmul.f32 v43, v4;
	[tilespmem:s21+$0x6860] =	vst v47  }
0x112: {  	v52 =	vld [tilespmem:s21+$0x6C70];
	[tilespmem:s21+$0x6820] =	vst v5;
	v5 =	vmul.f32 v9, v4  }
0x113: {  	v48 =	vld [tilespmem:s21+$0x6C30];
	v53 =	vmul.f32 v46, v4;
	[tilespmem:s21+$0x6C00] =	vst v50  }
0x114: {  	v55 =	vld [tilespmem:s21+$0x7010];
	[tilespmem:s21+$0x6850] =	vst v5;
	v5 =	vmul.f32 v11, v4  }
0x115: {  	v51 =	vld [tilespmem:s21+$0x6C60];
	v56 =	vmul.f32 v49, v4;
	[tilespmem:s21+$0x6C20] =	vst v53  }
0x116: {  	v58 =	vld [tilespmem:s21+$0x7030];
	[tilespmem:s21+$0x6870] =	vst v5;
	v5 =	vmul.f32 v45, v4  }
0x117: {  	v54 =	vld [tilespmem:s21+$0x7000];
	v59 =	vmul.f32 v52, v4;
	[tilespmem:s21+$0x6C50] =	vst v56  }
0x118: {  	v61 =	vld [tilespmem:s21+$0x7060];
	[tilespmem:s21+$0x6C10] =	vst v5;
	v5 =	vmul.f32 v48, v4  }
0x119: {  	v57 =	vld [tilespmem:s21+$0x7020];
	v62 =	vmul.f32 v55, v4;
	[tilespmem:s21+$0x6C70] =	vst v59  }
0x11a: {  	v12 =	vld [tilespmem:s21+$0x7400];
	[tilespmem:s21+$0x6C30] =	vst v5;
	v5 =	vmul.f32 v51, v4  }
0x11b: {  	v60 =	vld [tilespmem:s21+$0x7050];
	v13 =	vmul.f32 v58, v4;
	[tilespmem:s21+$0x7010] =	vst v62  }
0x11c: {  	v15 =	vld [tilespmem:s21+$0x7420];
	[tilespmem:s21+$0x6C60] =	vst v5;
	v5 =	vmul.f32 v54, v4  }
0x11d: {  	v63 =	vld [tilespmem:s21+$0x7070];
	v16 =	vmul.f32 v61, v4;
	[tilespmem:s21+$0x7030] =	vst v13  }
0x11e: {  	v18 =	vld [tilespmem:s21+$0x7450];
	[tilespmem:s21+$0x7000] =	vst v5;
	v5 =	vmul.f32 v57, v4  }
0x11f: {  	v14 =	vld [tilespmem:s21+$0x7410];
	v19 =	vmul.f32 v12, v4;
	[tilespmem:s21+$0x7060] =	vst v16  }
0x120: {  	v21 =	vld [tilespmem:s21+$0x7470];
	[tilespmem:s21+$0x7020] =	vst v5;
	v5 =	vmul.f32 v60, v4  }
0x121: {  	v17 =	vld [tilespmem:s21+$0x7430];
	v22 =	vmul.f32 v15, v4;
	[tilespmem:s21+$0x7400] =	vst v19  }
0x122: {  	v24 =	vld [tilespmem:s21+$0x7810];
	[tilespmem:s21+$0x7050] =	vst v5;
	v5 =	vmul.f32 v63, v4  }
0x123: {  	v20 =	vld [tilespmem:s21+$0x7460];
	v25 =	vmul.f32 v18, v4;
	[tilespmem:s21+$0x7420] =	vst v22  }
0x124: {  	v27 =	vld [tilespmem:s21+$0x7830];
	[tilespmem:s21+$0x7070] =	vst v5;
	v5 =	vmul.f32 v14, v4  }
0x125: {  	v23 =	vld [tilespmem:s21+$0x7800];
	v28 =	vmul.f32 v21, v4;
	[tilespmem:s21+$0x7450] =	vst v25  }
0x126: {  	v30 =	vld [tilespmem:s21+$0x7860];
	[tilespmem:s21+$0x7410] =	vst v5;
	v5 =	vmul.f32 v17, v4  }
0x127: {  	v26 =	vld [tilespmem:s21+$0x7820];
	v31 =	vmul.f32 v24, v4;
	[tilespmem:s21+$0x7470] =	vst v28  }
0x128: {  	v33 =	vld [tilespmem:s21+$0x7C00];
	[tilespmem:s21+$0x7430] =	vst v5;
	v5 =	vmul.f32 v20, v4  }
0x129: {  	v29 =	vld [tilespmem:s21+$0x7850];
	v34 =	vmul.f32 v27, v4;
	[tilespmem:s21+$0x7810] =	vst v31  }
0x12a: {  	v36 =	vld [tilespmem:s21+$0x7C20];
	[tilespmem:s21+$0x7460] =	vst v5;
	v5 =	vmul.f32 v23, v4  }
0x12b: {  	v32 =	vld [tilespmem:s21+$0x7870];
	v37 =	vmul.f32 v30, v4;
	[tilespmem:s21+$0x7830] =	vst v34  }
0x12c: {  	v39 =	vld [tilespmem:s21+$0x7C50];
	[tilespmem:s21+$0x7800] =	vst v5;
	v5 =	vmul.f32 v26, v4  }
0x12d: {  	v35 =	vld [tilespmem:s21+$0x7C10];
	v40 =	vmul.f32 v33, v4;
	[tilespmem:s21+$0x7860] =	vst v37  }
0x12e: {  	v42 =	vld [tilespmem:s21+$0x7C70];
	[tilespmem:s21+$0x7820] =	vst v5;
	v5 =	vmul.f32 v29, v4  }
0x12f: {  	v38 =	vld [tilespmem:s21+$0x7C30];
	v43 =	vmul.f32 v36, v4;
	[tilespmem:s21+$0x7C00] =	vst v40  }
0x130: {  	v47 =	vld [tilespmem:s21+$0x8020];
	[tilespmem:s21+$0x7850] =	vst v5;
	v5 =	vmul.f32 v32, v4  }
0x131: {  	v41 =	vld [tilespmem:s21+$0x7C60];
	v46 =	vmul.f32 v39, v4;
	[tilespmem:s21+$0x7C20] =	vst v43  }
0x132: {  	v50 =	vld [tilespmem:s21+$0x8050];
	[tilespmem:s21+$0x7870] =	vst v5;
	v5 =	vmul.f32 v35, v4  }
0x133: {  	v49 =	vmul.f32 v42, v4;
	v44 =	vld [tilespmem:s21+$0x8000];
	[tilespmem:s21+$0x7C50] =	vst v46  }
0x134: {  	v53 =	vld [tilespmem:s21+$0x8070];
	[tilespmem:s21+$0x7C10] =	vst v5;
	v5 =	vmul.f32 v38, v4  }
0x135: {  	[tilespmem:s21+$0x7C70] =	vst v49;
	v9 =	vmul.f32 v47, v4;
	v45 =	vld [tilespmem:s21+$0x8010]  }
0x136: {  	v48 =	vld [tilespmem:s21+$0x8030];
	[tilespmem:s21+$0x7C30] =	vst v5;
	v5 =	vmul.f32 v41, v4  }
0x137: {  	v11 =	vmul.f32 v50, v4;
	[tilespmem:s21+$0x8020] =	vst v9;
	v51 =	vld [tilespmem:s21+$0x8060]  }
0x138: {  	[tilespmem:s21+$0x7C60] =	vst v5;
	v5 =	vmul.f32 v44, v4  }
0x139: {  	v58 =	vld [tilespmem:s21+$0x7C40];
	v8 =	vmul.f32 v53, v4;
	[tilespmem:s21+$0x8050] =	vst v11  }
0x13a: {  	v52 =	vmul.f32 v45, v4;
	[tilespmem:s21+$0x8000] =	vst v5;
	v5 =	vld [tilespmem:s21+$0x6840]  }
0x13b: {  	s19 =	sand.u32 $0x7, s24;
	v56 =	vld [tilespmem:s21+$0x7440];
	[tilespmem:s21+$0x8070] =	vst v8;
	v10 =	vmul.f32 v48, v4  }
0x13c: {  	s30 =	sshll.u32 s19, $0x7;
	v55 =	vld [tilespmem:s21+$0x7040];
	[tilespmem:s21+$0x8010] =	vst v52;
	v7 =	vmul.f32 v51, v4  }
0x13d: {  	s30 =	sadd.s32 s30, s28;
	v54 =	vld [tilespmem:s21+$0x6C40];
	[tilespmem:s21+$0x8030] =	vst v10  }
0x13e: {  	s19 =	sor.u32 $0x1C00, s30;
	v62 =	vmul.f32 v58, v4;
	v57 =	vld [tilespmem:s21+$0x7840];
	[tilespmem:s21+$0x8060] =	vst v7  }
0x13f: {  	v60 =	vld [tilespmem:s19+$0x6800];
	v5 =	vmul.f32 v5, v4  }
0x140: {  	v59 =	vld [tilespmem:s21+$0x8040];
	v61 =	vmul.f32 v56, v4;
	[tilespmem:s21+$0x7C40] =	vst v62  }
0x141: {  	[tilespmem:s21+$0x6840] =	vst v5;
	v5 =	vmul.f32 v55, v4  }
0x142: {  	[tilespmem:s21+$0x7440] =	vst v61;
	v6 =	vmul.f32 v54, v4  }
0x143: {  	[tilespmem:s21+$0x7040] =	vst v5;
	v5 =	vmul.f32 v57, v4  }
0x144: {  	[tilespmem:s21+$0x6C40] =	vst v6;
	v63 =	vmul.f32 v60, v4  }
0x145: {  	[tilespmem:s21+$0x7840] =	vst v5;
	v5 =	vmul.f32 v59, v4  }
0x146: {  	[tilespmem:s19+$0x6800] =	vst v63  }
0x147: {  	[tilespmem:s21+$0x8040] =	vst v5;
	s21 =	sor.u32 $0x1C10, s30  }
0x148: {  	v5 =	vld [tilespmem:s21+$0x6800];
	_ =	sdelay $0x4  }
0x149: {  	v5 =	vmul.f32 v5, v4;
	_ =	sdelay $0x1  }
0x14a: {  	[tilespmem:s21+$0x6800] =	vst v5;
	s21 =	sor.u32 $0x1C20, s30  }
0x14b: {  	v5 =	vld [tilespmem:s21+$0x6800];
	_ =	sdelay $0x4  }
0x14c: {  	v5 =	vmul.f32 v5, v4;
	_ =	sdelay $0x1  }
0x14d: {  	[tilespmem:s21+$0x6800] =	vst v5;
	s21 =	sor.u32 $0x1C30, s30  }
0x14e: {  	v5 =	vld [tilespmem:s21+$0x6800];
	_ =	sdelay $0x4  }
0x14f: {  	v5 =	vmul.f32 v5, v4;
	_ =	sdelay $0x1  }
0x150: {  	[tilespmem:s21+$0x6800] =	vst v5;
	s21 =	sor.u32 $0x1C40, s30  }
0x151: {  	v5 =	vld [tilespmem:s21+$0x6800];
	_ =	sdelay $0x4  }
0x152: {  	v5 =	vmul.f32 v5, v4;
	_ =	sdelay $0x1  }
0x153: {  	[tilespmem:s21+$0x6800] =	vst v5;
	s21 =	sor.u32 $0x1C50, s30  }
0x154: {  	v5 =	vld [tilespmem:s21+$0x6800];
	_ =	sdelay $0x4  }
0x155: {  	v5 =	vmul.f32 v5, v4;
	_ =	sdelay $0x1  }
0x156: {  	[tilespmem:s21+$0x6800] =	vst v5;
	s21 =	sor.u32 $0x1C60, s30  }
0x157: {  	v5 =	vld [tilespmem:s21+$0x6800];
	_ =	sdelay $0x4  }
0x158: {  	v5 =	vmul.f32 v5, v4;
	_ =	sdelay $0x1  }
0x159: {  	s30 =	sor.u32 $0x1C70, s30;
	[tilespmem:s21+$0x6800] =	vst v5  }
0x15a: {  	v5 =	vld [tilespmem:s30+$0x6800];
	_ =	sdelay $0x1  }
0x15b: {  	p0 =	sne.s32 s13, $0x780  }
.Ltmp2:
0x15c: {  	_ = 	snop;
	(pc) =	sbr.rel @p0 .LBB2_7-.Ltmp2, $4  }
0x15d: {  	_ = 	snop  }
0x15e: {  	v4 =	vmul.f32 v5, v4  }
0x15f: {  	s24 =	sadd.s32 $0x1, s24;
	s25 =	sadd.s32 $0x400, s25  }
0x160: {  	s3 =	sadd.s32 $0x1, s3;
	s13 =	sadd.s32 $0x80, s13;
	s28 =	sadd.s32 $0x400, s28;
	[tilespmem:s30+$0x6800] =	vst v4  }
0x161: {  	s3 =	sshll.u32 s23, $0xB  }
0x162: {  	s13 =	simm.s32 $0x6800;
	s3 =	sadd.s32 s3, s9  }
0x163: {  	[hbm4b:s3+s4] =	stream.linear.scatter [tilespmem:s13], [sflag:$0x6], $0x4000, $0x38;
	[tilespmem:$0x12800] =	vst v63  }
0x164: {  	p0 =	seq.s32 s16, $0xF;
	_ =	swait.ge [sflag:s5], $0x4000  }
0x165: {  	s3 =	sshll.u32 @!p0 s16, $0x6;
	[sflag:s5] =	ssyncset.done $0x0  }
0x166: {  	s23 =	sand.u32 @!p0 $0x3FFFFFC0, s3;
	[sflag:s5] =	ssyncadd.s32 $0xFFFFC000  }
0x167: {  	v4 =	vld @!p0 [tilespmem:s23+$0x40];
	_ =	sdelay $0x4  }
0x168: {  	v5 =	vshll.u32 @!p0 v4, $0x3  }
0x169: {  	v6 =	vlaneseq.u32 @!p0;
	v4 =	vand.u32 @!p0 $0x7, v4;
	v5 =	vand.u32 @!p0 $0xFFFFFFC0, v5  }
0x16a: {  	v7 =	vshrl.u32 @!p0 v6, $0x3;
	v4 =	vor.u32 @!p0 v4, v5;
	v5 =	vand.u32 @!p0 $0x7, v6  }
0x16b: {  	v7 =	vmul.u32 @!p0 $0x8, v7;
	v5 =	vperm.xlane @!p0 v4, v5;
	_ =	sdelay $0x1  }
0x16c: {  	v5 =	vadd.s32 @!p0 v7, v5;
	_ =	sdelay $0x3  }
0x16d: {  	vm1 =	vmmov @!p0 $0xffff;
	s13 =	simm.s32 @!p0 $0x2800;
	s3 =	simm.s32 @!p0 $0x0  }
0x16e: {  	v6 =	vor.u32 @!p0 $0x8, v6;
	[tilespmem:s13], [sflag:$0x1] =	stream.indirect_vreg.gather @!p0 [hbm4b:s1+s3], $0x80, v5, vm1, $0xb8;
	[tilespmem:$0x12800] =	vst v63  }
0x16f: {  	v4 =	vperm.xlane @!p0 v4, v6;
	s13 =	simm.s32 @!p0 $0x3000  }
0x170: {  	[tilespmem:s13], [sflag:$0x1] =	stream.indirect_vreg.gather @!p0 [hbm4b:s6+s3], $0x80, v5, vm1, $0xb8;
	[tilespmem:$0x12800] =	vst v63  }
0x171: {  	v4 =	vadd.s32 @!p0 v7, v4;
	s13 =	simm.s32 @!p0 $0x3800  }
0x172: {  	[tilespmem:s13], [sflag:$0x1] =	stream.indirect_vreg.gather @!p0 [hbm4b:s7+s3], $0x80, v5, vm1, $0xb8;
	[tilespmem:$0x12800] =	vst v63  }
0x173: {  	s13 =	simm.s32 @!p0 $0x4000  }
0x174: {  	[tilespmem:s13], [sflag:$0x1] =	stream.indirect_vreg.gather @!p0 [hbm4b:s8+s3], $0x80, v5, vm1, $0xb8;
	[tilespmem:$0x12800] =	vst v63  }
0x175: {  	s13 =	simm.s32 @!p0 $0x4800  }
0x176: {  	[tilespmem:s13], [sflag:$0x1] =	stream.indirect_vreg.gather @!p0 [hbm4b:s1+s3], $0x80, v4, vm1, $0xb8;
	[tilespmem:$0x12800] =	vst v63  }
0x177: {  	s13 =	simm.s32 @!p0 $0x5000  }
0x178: {  	[tilespmem:s13], [sflag:$0x1] =	stream.indirect_vreg.gather @!p0 [hbm4b:s6+s3], $0x80, v4, vm1, $0xb8;
	[tilespmem:$0x12800] =	vst v63  }
0x179: {  	s13 =	simm.s32 @!p0 $0x5800  }
0x17a: {  	[tilespmem:s13], [sflag:$0x1] =	stream.indirect_vreg.gather @!p0 [hbm4b:s7+s3], $0x80, v4, vm1, $0xb8;
	[tilespmem:$0x12800] =	vst v63  }
0x17b: {  	s13 =	simm.s32 @!p0 $0x6000  }
0x17c: {  	[tilespmem:s13], [sflag:$0x1] =	stream.indirect_vreg.gather @!p0 [hbm4b:s8+s3], $0x80, v4, vm1, $0xb8;
	[tilespmem:$0x12800] =	vst v63  }
0x17d: {  	s24 =	simm.s32 $0x0;
	_ =	swait.ge [sflag:s10], $0x4000  }
0x17e: {  	s25 =	simm.s32 $0xFFFFC000;
	s28 =	simm.s32 $0x0;
	[sflag:s10] =	ssyncset.done $0x0  }
0x17f: {  	s3 =	smov.u32 s2;
	s13 =	simm.s32 $0x0;
	[sflag:s10] =	ssyncadd.s32 $0xFFFFC000  }
.LBB2_9:
0x180: {  	v4 =	vmov s3  }
0x181: {  	s19 =	sadd.s32 $0x4000, s25  }
0x182: {  	s21 =	sand.u32 $0x380, s13;
	s19 =	sand.u32 $0x2000, s19  }
0x183: {  	s21 =	sor.u32 s21, s19  }
0x184: {  	v5 =	vld [tilespmem:s21+$0xA800]  }
0x185: {  	v4 =	vld.idx.msk [tilespmem:v4+s18+$0x0], $0xffff  }
0x186: {  	v6 =	vld [tilespmem:s21+$0xA810]  }
0x187: {  	v8 =	vld [tilespmem:s21+$0xA830]  }
0x188: {  	v10 =	vld [tilespmem:s21+$0xA860]  }
0x189: {  	v7 =	vld [tilespmem:s21+$0xA820]  }
0x18a: {  	v43 =	vld [tilespmem:s21+$0xAC00];
	v5 =	vmul.f32 v5, v4  }
0x18b: {  	v9 =	vld [tilespmem:s21+$0xA850];
	v6 =	vmul.f32 v6, v4  }
0x18c: {  	v46 =	vld [tilespmem:s21+$0xAC20];
	v44 =	vmul.f32 v8, v4;
	[tilespmem:s21+$0xA800] =	vst v5  }
0x18d: {  	v11 =	vld [tilespmem:s21+$0xA870];
	v47 =	vmul.f32 v10, v4;
	[tilespmem:s21+$0xA810] =	vst v6  }
0x18e: {  	v49 =	vld [tilespmem:s21+$0xAC50];
	v5 =	vmul.f32 v7, v4;
	[tilespmem:s21+$0xA830] =	vst v44  }
0x18f: {  	v45 =	vld [tilespmem:s21+$0xAC10];
	v50 =	vmul.f32 v43, v4;
	[tilespmem:s21+$0xA860] =	vst v47  }
0x190: {  	v52 =	vld [tilespmem:s21+$0xAC70];
	[tilespmem:s21+$0xA820] =	vst v5;
	v5 =	vmul.f32 v9, v4  }
0x191: {  	v48 =	vld [tilespmem:s21+$0xAC30];
	v53 =	vmul.f32 v46, v4;
	[tilespmem:s21+$0xAC00] =	vst v50  }
0x192: {  	v55 =	vld [tilespmem:s21+$0xB010];
	[tilespmem:s21+$0xA850] =	vst v5;
	v5 =	vmul.f32 v11, v4  }
0x193: {  	v51 =	vld [tilespmem:s21+$0xAC60];
	v56 =	vmul.f32 v49, v4;
	[tilespmem:s21+$0xAC20] =	vst v53  }
0x194: {  	v58 =	vld [tilespmem:s21+$0xB030];
	[tilespmem:s21+$0xA870] =	vst v5;
	v5 =	vmul.f32 v45, v4  }
0x195: {  	v54 =	vld [tilespmem:s21+$0xB000];
	v59 =	vmul.f32 v52, v4;
	[tilespmem:s21+$0xAC50] =	vst v56  }
0x196: {  	v61 =	vld [tilespmem:s21+$0xB060];
	[tilespmem:s21+$0xAC10] =	vst v5;
	v5 =	vmul.f32 v48, v4  }
0x197: {  	v57 =	vld [tilespmem:s21+$0xB020];
	v62 =	vmul.f32 v55, v4;
	[tilespmem:s21+$0xAC70] =	vst v59  }
0x198: {  	v12 =	vld [tilespmem:s21+$0xB400];
	[tilespmem:s21+$0xAC30] =	vst v5;
	v5 =	vmul.f32 v51, v4  }
0x199: {  	v60 =	vld [tilespmem:s21+$0xB050];
	v13 =	vmul.f32 v58, v4;
	[tilespmem:s21+$0xB010] =	vst v62  }
0x19a: {  	v15 =	vld [tilespmem:s21+$0xB420];
	[tilespmem:s21+$0xAC60] =	vst v5;
	v5 =	vmul.f32 v54, v4  }
0x19b: {  	v63 =	vld [tilespmem:s21+$0xB070];
	v16 =	vmul.f32 v61, v4;
	[tilespmem:s21+$0xB030] =	vst v13  }
0x19c: {  	v18 =	vld [tilespmem:s21+$0xB450];
	[tilespmem:s21+$0xB000] =	vst v5;
	v5 =	vmul.f32 v57, v4  }
0x19d: {  	v14 =	vld [tilespmem:s21+$0xB410];
	v19 =	vmul.f32 v12, v4;
	[tilespmem:s21+$0xB060] =	vst v16  }
0x19e: {  	v21 =	vld [tilespmem:s21+$0xB470];
	[tilespmem:s21+$0xB020] =	vst v5;
	v5 =	vmul.f32 v60, v4  }
0x19f: {  	v17 =	vld [tilespmem:s21+$0xB430];
	v22 =	vmul.f32 v15, v4;
	[tilespmem:s21+$0xB400] =	vst v19  }
0x1a0: {  	v24 =	vld [tilespmem:s21+$0xB810];
	[tilespmem:s21+$0xB050] =	vst v5;
	v5 =	vmul.f32 v63, v4  }
0x1a1: {  	v20 =	vld [tilespmem:s21+$0xB460];
	v25 =	vmul.f32 v18, v4;
	[tilespmem:s21+$0xB420] =	vst v22  }
0x1a2: {  	v27 =	vld [tilespmem:s21+$0xB830];
	[tilespmem:s21+$0xB070] =	vst v5;
	v5 =	vmul.f32 v14, v4  }
0x1a3: {  	v23 =	vld [tilespmem:s21+$0xB800];
	v28 =	vmul.f32 v21, v4;
	[tilespmem:s21+$0xB450] =	vst v25  }
0x1a4: {  	v30 =	vld [tilespmem:s21+$0xB860];
	[tilespmem:s21+$0xB410] =	vst v5;
	v5 =	vmul.f32 v17, v4  }
0x1a5: {  	v26 =	vld [tilespmem:s21+$0xB820];
	v31 =	vmul.f32 v24, v4;
	[tilespmem:s21+$0xB470] =	vst v28  }
0x1a6: {  	v33 =	vld [tilespmem:s21+$0xBC00];
	[tilespmem:s21+$0xB430] =	vst v5;
	v5 =	vmul.f32 v20, v4  }
0x1a7: {  	v29 =	vld [tilespmem:s21+$0xB850];
	v34 =	vmul.f32 v27, v4;
	[tilespmem:s21+$0xB810] =	vst v31  }
0x1a8: {  	v36 =	vld [tilespmem:s21+$0xBC20];
	[tilespmem:s21+$0xB460] =	vst v5;
	v5 =	vmul.f32 v23, v4  }
0x1a9: {  	v32 =	vld [tilespmem:s21+$0xB870];
	v37 =	vmul.f32 v30, v4;
	[tilespmem:s21+$0xB830] =	vst v34  }
0x1aa: {  	v39 =	vld [tilespmem:s21+$0xBC50];
	[tilespmem:s21+$0xB800] =	vst v5;
	v5 =	vmul.f32 v26, v4  }
0x1ab: {  	v35 =	vld [tilespmem:s21+$0xBC10];
	v40 =	vmul.f32 v33, v4;
	[tilespmem:s21+$0xB860] =	vst v37  }
0x1ac: {  	v42 =	vld [tilespmem:s21+$0xBC70];
	[tilespmem:s21+$0xB820] =	vst v5;
	v5 =	vmul.f32 v29, v4  }
0x1ad: {  	v38 =	vld [tilespmem:s21+$0xBC30];
	v43 =	vmul.f32 v36, v4;
	[tilespmem:s21+$0xBC00] =	vst v40  }
0x1ae: {  	v47 =	vld [tilespmem:s21+$0xC020];
	[tilespmem:s21+$0xB850] =	vst v5;
	v5 =	vmul.f32 v32, v4  }
0x1af: {  	v41 =	vld [tilespmem:s21+$0xBC60];
	v46 =	vmul.f32 v39, v4;
	[tilespmem:s21+$0xBC20] =	vst v43  }
0x1b0: {  	v50 =	vld [tilespmem:s21+$0xC050];
	[tilespmem:s21+$0xB870] =	vst v5;
	v5 =	vmul.f32 v35, v4  }
0x1b1: {  	v49 =	vmul.f32 v42, v4;
	v44 =	vld [tilespmem:s21+$0xC000];
	[tilespmem:s21+$0xBC50] =	vst v46  }
0x1b2: {  	v53 =	vld [tilespmem:s21+$0xC070];
	[tilespmem:s21+$0xBC10] =	vst v5;
	v5 =	vmul.f32 v38, v4  }
0x1b3: {  	[tilespmem:s21+$0xBC70] =	vst v49;
	v9 =	vmul.f32 v47, v4;
	v45 =	vld [tilespmem:s21+$0xC010]  }
0x1b4: {  	v48 =	vld [tilespmem:s21+$0xC030];
	[tilespmem:s21+$0xBC30] =	vst v5;
	v5 =	vmul.f32 v41, v4  }
0x1b5: {  	v11 =	vmul.f32 v50, v4;
	[tilespmem:s21+$0xC020] =	vst v9;
	v51 =	vld [tilespmem:s21+$0xC060]  }
0x1b6: {  	[tilespmem:s21+$0xBC60] =	vst v5;
	v5 =	vmul.f32 v44, v4  }
0x1b7: {  	v58 =	vld [tilespmem:s21+$0xBC40];
	v8 =	vmul.f32 v53, v4;
	[tilespmem:s21+$0xC050] =	vst v11  }
0x1b8: {  	v52 =	vmul.f32 v45, v4;
	[tilespmem:s21+$0xC000] =	vst v5;
	v5 =	vld [tilespmem:s21+$0xA840]  }
0x1b9: {  	s30 =	sand.u32 $0x7, s24;
	v56 =	vld [tilespmem:s21+$0xB440];
	[tilespmem:s21+$0xC070] =	vst v8;
	v10 =	vmul.f32 v48, v4  }
0x1ba: {  	s19 =	sshll.u32 s30, $0x7;
	v55 =	vld [tilespmem:s21+$0xB040];
	[tilespmem:s21+$0xC010] =	vst v52;
	v7 =	vmul.f32 v51, v4  }
0x1bb: {  	s19 =	sadd.s32 s19, s28;
	v54 =	vld [tilespmem:s21+$0xAC40];
	[tilespmem:s21+$0xC030] =	vst v10  }
0x1bc: {  	s30 =	sor.u32 $0x1C00, s19;
	v62 =	vmul.f32 v58, v4;
	v57 =	vld [tilespmem:s21+$0xB840];
	[tilespmem:s21+$0xC060] =	vst v7  }
0x1bd: {  	v60 =	vld [tilespmem:s30+$0xA800];
	v5 =	vmul.f32 v5, v4  }
0x1be: {  	v59 =	vld [tilespmem:s21+$0xC040];
	v61 =	vmul.f32 v56, v4;
	[tilespmem:s21+$0xBC40] =	vst v62  }
0x1bf: {  	[tilespmem:s21+$0xA840] =	vst v5;
	v5 =	vmul.f32 v55, v4  }
0x1c0: {  	[tilespmem:s21+$0xB440] =	vst v61;
	v6 =	vmul.f32 v54, v4  }
0x1c1: {  	[tilespmem:s21+$0xB040] =	vst v5;
	v5 =	vmul.f32 v57, v4  }
0x1c2: {  	[tilespmem:s21+$0xAC40] =	vst v6;
	v63 =	vmul.f32 v60, v4  }
0x1c3: {  	[tilespmem:s21+$0xB840] =	vst v5;
	v5 =	vmul.f32 v59, v4  }
0x1c4: {  	[tilespmem:s30+$0xA800] =	vst v63  }
0x1c5: {  	s30 =	sor.u32 $0x1C10, s19;
	[tilespmem:s21+$0xC040] =	vst v5  }
0x1c6: {  	v5 =	vld [tilespmem:s30+$0xA800];
	_ =	sdelay $0x4  }
0x1c7: {  	v5 =	vmul.f32 v5, v4;
	_ =	sdelay $0x1  }
0x1c8: {  	[tilespmem:s30+$0xA800] =	vst v5;
	s30 =	sor.u32 $0x1C20, s19  }
0x1c9: {  	v5 =	vld [tilespmem:s30+$0xA800];
	_ =	sdelay $0x4  }
0x1ca: {  	v5 =	vmul.f32 v5, v4;
	_ =	sdelay $0x1  }
0x1cb: {  	[tilespmem:s30+$0xA800] =	vst v5;
	s30 =	sor.u32 $0x1C30, s19  }
0x1cc: {  	v5 =	vld [tilespmem:s30+$0xA800];
	_ =	sdelay $0x4  }
0x1cd: {  	v5 =	vmul.f32 v5, v4;
	_ =	sdelay $0x1  }
0x1ce: {  	[tilespmem:s30+$0xA800] =	vst v5;
	s30 =	sor.u32 $0x1C40, s19  }
0x1cf: {  	v5 =	vld [tilespmem:s30+$0xA800];
	_ =	sdelay $0x4  }
0x1d0: {  	v5 =	vmul.f32 v5, v4;
	_ =	sdelay $0x1  }
0x1d1: {  	[tilespmem:s30+$0xA800] =	vst v5;
	s30 =	sor.u32 $0x1C50, s19  }
0x1d2: {  	v5 =	vld [tilespmem:s30+$0xA800];
	_ =	sdelay $0x4  }
0x1d3: {  	v5 =	vmul.f32 v5, v4;
	_ =	sdelay $0x1  }
0x1d4: {  	[tilespmem:s30+$0xA800] =	vst v5;
	s30 =	sor.u32 $0x1C60, s19  }
0x1d5: {  	v5 =	vld [tilespmem:s30+$0xA800];
	_ =	sdelay $0x4  }
0x1d6: {  	v5 =	vmul.f32 v5, v4;
	_ =	sdelay $0x1  }
0x1d7: {  	s19 =	sor.u32 $0x1C70, s19;
	[tilespmem:s30+$0xA800] =	vst v5  }
0x1d8: {  	v5 =	vld [tilespmem:s19+$0xA800];
	_ =	sdelay $0x1  }
0x1d9: {  	p1 =	sne.s32 s13, $0x780  }
.Ltmp3:
0x1da: {  	_ = 	snop;
	(pc) =	sbr.rel @p1 .LBB2_9-.Ltmp3, $4  }
0x1db: {  	_ = 	snop  }
0x1dc: {  	v4 =	vmul.f32 v5, v4  }
0x1dd: {  	s24 =	sadd.s32 $0x1, s24;
	s25 =	sadd.s32 $0x400, s25  }
0x1de: {  	s3 =	sadd.s32 $0x1, s3;
	s13 =	sadd.s32 $0x80, s13;
	s28 =	sadd.s32 $0x400, s28;
	[tilespmem:s19+$0xA800] =	vst v4  }
0x1df: {  	s3 =	sshll.u32 s22, $0xB  }
0x1e0: {  	s30 =	simm.s32 $0xA800;
	s3 =	sadd.s32 s3, s9  }
0x1e1: {  	[hbm4b:s3+s4] =	stream.linear.scatter [tilespmem:s30], [sflag:$0x7], $0x4000, $0x38;
	[tilespmem:$0x12800] =	vst v63  }
0x1e2: {  	_ =	swait.ge [sflag:s11], $0x4000  }
0x1e3: {  	[sflag:s11] =	ssyncset.done $0x0  }
0x1e4: {  	[sflag:s11] =	ssyncadd.s32 $0xFFFFC000  }
0x1e5: {  	v4 =	vld @!p0 [tilespmem:s23+$0x50];
	_ =	sdelay $0x4  }
0x1e6: {  	v5 =	vshll.u32 @!p0 v4, $0x3  }
0x1e7: {  	v6 =	vlaneseq.u32 @!p0;
	v4 =	vand.u32 @!p0 $0x7, v4;
	v5 =	vand.u32 @!p0 $0xFFFFFFC0, v5  }
0x1e8: {  	v7 =	vshrl.u32 @!p0 v6, $0x3;
	v4 =	vor.u32 @!p0 v4, v5;
	v5 =	vand.u32 @!p0 $0x7, v6  }
0x1e9: {  	v7 =	vmul.u32 @!p0 $0x8, v7;
	v5 =	vperm.xlane @!p0 v4, v5;
	_ =	sdelay $0x1  }
0x1ea: {  	v5 =	vadd.s32 @!p0 v7, v5;
	_ =	sdelay $0x3  }
0x1eb: {  	s13 =	simm.s32 @!p0 $0x6800;
	s3 =	simm.s32 @!p0 $0x0  }
0x1ec: {  	v6 =	vor.u32 @!p0 $0x8, v6;
	[tilespmem:s13], [sflag:$0x2] =	stream.indirect_vreg.gather @!p0 [hbm4b:s1+s3], $0x80, v5, vm1, $0xb8;
	[tilespmem:$0x12800] =	vst v63  }
0x1ed: {  	v4 =	vperm.xlane @!p0 v4, v6;
	s13 =	simm.s32 @!p0 $0x7000  }
0x1ee: {  	[tilespmem:s13], [sflag:$0x2] =	stream.indirect_vreg.gather @!p0 [hbm4b:s6+s3], $0x80, v5, vm1, $0xb8;
	[tilespmem:$0x12800] =	vst v63  }
0x1ef: {  	v4 =	vadd.s32 @!p0 v7, v4;
	s13 =	simm.s32 @!p0 $0x7800  }
0x1f0: {  	[tilespmem:s13], [sflag:$0x2] =	stream.indirect_vreg.gather @!p0 [hbm4b:s7+s3], $0x80, v5, vm1, $0xb8;
	[tilespmem:$0x12800] =	vst v63  }
0x1f1: {  	s13 =	simm.s32 @!p0 $0x8000  }
0x1f2: {  	[tilespmem:s13], [sflag:$0x2] =	stream.indirect_vreg.gather @!p0 [hbm4b:s8+s3], $0x80, v5, vm1, $0xb8;
	[tilespmem:$0x12800] =	vst v63  }
0x1f3: {  	s13 =	simm.s32 @!p0 $0x8800  }
0x1f4: {  	[tilespmem:s13], [sflag:$0x2] =	stream.indirect_vreg.gather @!p0 [hbm4b:s1+s3], $0x80, v4, vm1, $0xb8;
	[tilespmem:$0x12800] =	vst v63  }
0x1f5: {  	s13 =	simm.s32 @!p0 $0x9000  }
0x1f6: {  	[tilespmem:s13], [sflag:$0x2] =	stream.indirect_vreg.gather @!p0 [hbm4b:s6+s3], $0x80, v4, vm1, $0xb8;
	[tilespmem:$0x12800] =	vst v63  }
0x1f7: {  	s13 =	simm.s32 @!p0 $0x9800  }
0x1f8: {  	[tilespmem:s13], [sflag:$0x2] =	stream.indirect_vreg.gather @!p0 [hbm4b:s7+s3], $0x80, v4, vm1, $0xb8;
	[tilespmem:$0x12800] =	vst v63  }
0x1f9: {  	s13 =	simm.s32 @!p0 $0xA000  }
0x1fa: {  	[tilespmem:s13], [sflag:$0x2] =	stream.indirect_vreg.gather @!p0 [hbm4b:s8+s3], $0x80, v4, vm1, $0xb8;
	[tilespmem:$0x12800] =	vst v63  }
0x1fb: {  	s22 =	simm.s32 $0x0;
	_ =	swait.ge [sflag:s31], $0x4000  }
0x1fc: {  	s24 =	smov.u32 s14;
	s25 =	simm.s32 $0x0;
	[sflag:s31] =	ssyncset.done $0x0  }
0x1fd: {  	s23 =	simm.s32 $0xFFFFC000;
	s3 =	simm.s32 $0x0;
	[sflag:s31] =	ssyncadd.s32 $0xFFFFC000  }
.LBB2_11:
0x1fe: {  	v4 =	vmov s24  }
0x1ff: {  	s13 =	sadd.s32 $0x4000, s23  }
0x200: {  	s19 =	sand.u32 $0x380, s25;
	s13 =	sand.u32 $0x2000, s13  }
0x201: {  	s13 =	sor.u32 s19, s13  }
0x202: {  	v5 =	vld [tilespmem:s13+$0xE800]  }
0x203: {  	v4 =	vld.idx.msk [tilespmem:v4+s18+$0x0], $0xffff  }
0x204: {  	v6 =	vld [tilespmem:s13+$0xE810]  }
0x205: {  	v8 =	vld [tilespmem:s13+$0xE830]  }
0x206: {  	v10 =	vld [tilespmem:s13+$0xE860]  }
0x207: {  	v7 =	vld [tilespmem:s13+$0xE820]  }
0x208: {  	v43 =	vld [tilespmem:s13+$0xEC00];
	v5 =	vmul.f32 v5, v4  }
0x209: {  	v9 =	vld [tilespmem:s13+$0xE850];
	v6 =	vmul.f32 v6, v4  }
0x20a: {  	v46 =	vld [tilespmem:s13+$0xEC20];
	v44 =	vmul.f32 v8, v4;
	[tilespmem:s13+$0xE800] =	vst v5  }
0x20b: {  	v11 =	vld [tilespmem:s13+$0xE870];
	v47 =	vmul.f32 v10, v4;
	[tilespmem:s13+$0xE810] =	vst v6  }
0x20c: {  	v49 =	vld [tilespmem:s13+$0xEC50];
	v5 =	vmul.f32 v7, v4;
	[tilespmem:s13+$0xE830] =	vst v44  }
0x20d: {  	v45 =	vld [tilespmem:s13+$0xEC10];
	v50 =	vmul.f32 v43, v4;
	[tilespmem:s13+$0xE860] =	vst v47  }
0x20e: {  	v52 =	vld [tilespmem:s13+$0xEC70];
	[tilespmem:s13+$0xE820] =	vst v5;
	v5 =	vmul.f32 v9, v4  }
0x20f: {  	v48 =	vld [tilespmem:s13+$0xEC30];
	v53 =	vmul.f32 v46, v4;
	[tilespmem:s13+$0xEC00] =	vst v50  }
0x210: {  	v55 =	vld [tilespmem:s13+$0xF010];
	[tilespmem:s13+$0xE850] =	vst v5;
	v5 =	vmul.f32 v11, v4  }
0x211: {  	v51 =	vld [tilespmem:s13+$0xEC60];
	v56 =	vmul.f32 v49, v4;
	[tilespmem:s13+$0xEC20] =	vst v53  }
0x212: {  	v58 =	vld [tilespmem:s13+$0xF030];
	[tilespmem:s13+$0xE870] =	vst v5;
	v5 =	vmul.f32 v45, v4  }
0x213: {  	v54 =	vld [tilespmem:s13+$0xF000];
	v59 =	vmul.f32 v52, v4;
	[tilespmem:s13+$0xEC50] =	vst v56  }
0x214: {  	v61 =	vld [tilespmem:s13+$0xF060];
	[tilespmem:s13+$0xEC10] =	vst v5;
	v5 =	vmul.f32 v48, v4  }
0x215: {  	v57 =	vld [tilespmem:s13+$0xF020];
	v62 =	vmul.f32 v55, v4;
	[tilespmem:s13+$0xEC70] =	vst v59  }
0x216: {  	v12 =	vld [tilespmem:s13+$0xF400];
	[tilespmem:s13+$0xEC30] =	vst v5;
	v5 =	vmul.f32 v51, v4  }
0x217: {  	v60 =	vld [tilespmem:s13+$0xF050];
	v13 =	vmul.f32 v58, v4;
	[tilespmem:s13+$0xF010] =	vst v62  }
0x218: {  	v15 =	vld [tilespmem:s13+$0xF420];
	[tilespmem:s13+$0xEC60] =	vst v5;
	v5 =	vmul.f32 v54, v4  }
0x219: {  	v63 =	vld [tilespmem:s13+$0xF070];
	v16 =	vmul.f32 v61, v4;
	[tilespmem:s13+$0xF030] =	vst v13  }
0x21a: {  	v18 =	vld [tilespmem:s13+$0xF450];
	[tilespmem:s13+$0xF000] =	vst v5;
	v5 =	vmul.f32 v57, v4  }
0x21b: {  	v14 =	vld [tilespmem:s13+$0xF410];
	v19 =	vmul.f32 v12, v4;
	[tilespmem:s13+$0xF060] =	vst v16  }
0x21c: {  	v21 =	vld [tilespmem:s13+$0xF470];
	[tilespmem:s13+$0xF020] =	vst v5;
	v5 =	vmul.f32 v60, v4  }
0x21d: {  	v17 =	vld [tilespmem:s13+$0xF430];
	v22 =	vmul.f32 v15, v4;
	[tilespmem:s13+$0xF400] =	vst v19  }
0x21e: {  	v24 =	vld [tilespmem:s13+$0xF810];
	[tilespmem:s13+$0xF050] =	vst v5;
	v5 =	vmul.f32 v63, v4  }
0x21f: {  	v20 =	vld [tilespmem:s13+$0xF460];
	v25 =	vmul.f32 v18, v4;
	[tilespmem:s13+$0xF420] =	vst v22  }
0x220: {  	v27 =	vld [tilespmem:s13+$0xF830];
	[tilespmem:s13+$0xF070] =	vst v5;
	v5 =	vmul.f32 v14, v4  }
0x221: {  	v23 =	vld [tilespmem:s13+$0xF800];
	v28 =	vmul.f32 v21, v4;
	[tilespmem:s13+$0xF450] =	vst v25  }
0x222: {  	v30 =	vld [tilespmem:s13+$0xF860];
	[tilespmem:s13+$0xF410] =	vst v5;
	v5 =	vmul.f32 v17, v4  }
0x223: {  	v26 =	vld [tilespmem:s13+$0xF820];
	v31 =	vmul.f32 v24, v4;
	[tilespmem:s13+$0xF470] =	vst v28  }
0x224: {  	v33 =	vld [tilespmem:s13+$0xFC00];
	[tilespmem:s13+$0xF430] =	vst v5;
	v5 =	vmul.f32 v20, v4  }
0x225: {  	v29 =	vld [tilespmem:s13+$0xF850];
	v34 =	vmul.f32 v27, v4;
	[tilespmem:s13+$0xF810] =	vst v31  }
0x226: {  	v36 =	vld [tilespmem:s13+$0xFC20];
	[tilespmem:s13+$0xF460] =	vst v5;
	v5 =	vmul.f32 v23, v4  }
0x227: {  	v32 =	vld [tilespmem:s13+$0xF870];
	v37 =	vmul.f32 v30, v4;
	[tilespmem:s13+$0xF830] =	vst v34  }
0x228: {  	v39 =	vld [tilespmem:s13+$0xFC50];
	[tilespmem:s13+$0xF800] =	vst v5;
	v5 =	vmul.f32 v26, v4  }
0x229: {  	v35 =	vld [tilespmem:s13+$0xFC10];
	v40 =	vmul.f32 v33, v4;
	[tilespmem:s13+$0xF860] =	vst v37  }
0x22a: {  	v42 =	vld [tilespmem:s13+$0xFC70];
	[tilespmem:s13+$0xF820] =	vst v5;
	v5 =	vmul.f32 v29, v4  }
0x22b: {  	v38 =	vld [tilespmem:s13+$0xFC30];
	s21 =	sadd.s32 $0xE800, s13;
	v43 =	vmul.f32 v36, v4;
	[tilespmem:s13+$0xFC00] =	vst v40  }
0x22c: {  	v47 =	vld [tilespmem:s21+$0x1820];
	[tilespmem:s13+$0xF850] =	vst v5;
	v5 =	vmul.f32 v32, v4  }
0x22d: {  	v41 =	vld [tilespmem:s13+$0xFC60];
	v46 =	vmul.f32 v39, v4;
	[tilespmem:s13+$0xFC20] =	vst v43  }
0x22e: {  	v50 =	vld [tilespmem:s21+$0x1850];
	[tilespmem:s13+$0xF870] =	vst v5;
	v5 =	vmul.f32 v35, v4  }
0x22f: {  	v49 =	vmul.f32 v42, v4;
	v44 =	vld [tilespmem:s21+$0x1800];
	[tilespmem:s13+$0xFC50] =	vst v46  }
0x230: {  	v53 =	vld [tilespmem:s21+$0x1870];
	[tilespmem:s13+$0xFC10] =	vst v5;
	v5 =	vmul.f32 v38, v4  }
0x231: {  	[tilespmem:s13+$0xFC70] =	vst v49;
	v9 =	vmul.f32 v47, v4;
	v45 =	vld [tilespmem:s21+$0x1810]  }
0x232: {  	v48 =	vld [tilespmem:s21+$0x1830];
	[tilespmem:s13+$0xFC30] =	vst v5;
	v5 =	vmul.f32 v41, v4  }
0x233: {  	v11 =	vmul.f32 v50, v4;
	[tilespmem:s21+$0x1820] =	vst v9;
	v51 =	vld [tilespmem:s21+$0x1860]  }
0x234: {  	[tilespmem:s13+$0xFC60] =	vst v5;
	v5 =	vmul.f32 v44, v4  }
0x235: {  	v58 =	vld [tilespmem:s13+$0xFC40];
	v8 =	vmul.f32 v53, v4;
	[tilespmem:s21+$0x1850] =	vst v11  }
0x236: {  	v52 =	vmul.f32 v45, v4;
	[tilespmem:s21+$0x1800] =	vst v5;
	v5 =	vld [tilespmem:s13+$0xE840]  }
0x237: {  	s28 =	sand.u32 $0x7, s22;
	v56 =	vld [tilespmem:s13+$0xF440];
	[tilespmem:s21+$0x1870] =	vst v8;
	v10 =	vmul.f32 v48, v4  }
0x238: {  	s19 =	sshll.u32 s28, $0x7;
	v55 =	vld [tilespmem:s13+$0xF040];
	[tilespmem:s21+$0x1810] =	vst v52;
	v7 =	vmul.f32 v51, v4  }
0x239: {  	s19 =	sadd.s32 s19, s3;
	v54 =	vld [tilespmem:s13+$0xEC40];
	[tilespmem:s21+$0x1830] =	vst v10  }
0x23a: {  	s28 =	sor.u32 $0x1C00, s19;
	v62 =	vmul.f32 v58, v4;
	v57 =	vld [tilespmem:s13+$0xF840];
	[tilespmem:s21+$0x1860] =	vst v7  }
0x23b: {  	v60 =	vld [tilespmem:s28+$0xE800];
	v5 =	vmul.f32 v5, v4  }
0x23c: {  	v59 =	vld [tilespmem:s21+$0x1840];
	v61 =	vmul.f32 v56, v4;
	[tilespmem:s13+$0xFC40] =	vst v62  }
0x23d: {  	[tilespmem:s13+$0xE840] =	vst v5;
	v5 =	vmul.f32 v55, v4  }
0x23e: {  	[tilespmem:s13+$0xF440] =	vst v61;
	v6 =	vmul.f32 v54, v4  }
0x23f: {  	[tilespmem:s13+$0xF040] =	vst v5;
	v5 =	vmul.f32 v57, v4  }
0x240: {  	[tilespmem:s13+$0xEC40] =	vst v6;
	v63 =	vmul.f32 v60, v4  }
0x241: {  	[tilespmem:s13+$0xF840] =	vst v5;
	v5 =	vmul.f32 v59, v4  }
0x242: {  	[tilespmem:s28+$0xE800] =	vst v63  }
0x243: {  	s28 =	sor.u32 $0x1C10, s19;
	[tilespmem:s21+$0x1840] =	vst v5  }
0x244: {  	v5 =	vld [tilespmem:s28+$0xE800];
	_ =	sdelay $0x4  }
0x245: {  	v5 =	vmul.f32 v5, v4;
	_ =	sdelay $0x1  }
0x246: {  	s21 =	sor.u32 $0x1C20, s19;
	[tilespmem:s28+$0xE800] =	vst v5  }
0x247: {  	v5 =	vld [tilespmem:s21+$0xE800];
	_ =	sdelay $0x4  }
0x248: {  	v5 =	vmul.f32 v5, v4;
	_ =	sdelay $0x1  }
0x249: {  	s28 =	sor.u32 $0x1C30, s19;
	[tilespmem:s21+$0xE800] =	vst v5  }
0x24a: {  	v5 =	vld [tilespmem:s28+$0xE800];
	_ =	sdelay $0x4  }
0x24b: {  	v5 =	vmul.f32 v5, v4;
	_ =	sdelay $0x1  }
0x24c: {  	s21 =	sor.u32 $0x1C40, s19;
	[tilespmem:s28+$0xE800] =	vst v5  }
0x24d: {  	v5 =	vld [tilespmem:s21+$0xE800];
	_ =	sdelay $0x4  }
0x24e: {  	v5 =	vmul.f32 v5, v4;
	_ =	sdelay $0x1  }
0x24f: {  	s28 =	sor.u32 $0x1C50, s19;
	[tilespmem:s21+$0xE800] =	vst v5  }
0x250: {  	v5 =	vld [tilespmem:s28+$0xE800];
	_ =	sdelay $0x4  }
0x251: {  	v5 =	vmul.f32 v5, v4;
	_ =	sdelay $0x1  }
0x252: {  	s21 =	sor.u32 $0x1C60, s19;
	[tilespmem:s28+$0xE800] =	vst v5  }
0x253: {  	v5 =	vld [tilespmem:s21+$0xE800];
	_ =	sdelay $0x4  }
0x254: {  	v5 =	vmul.f32 v5, v4;
	_ =	sdelay $0x1  }
0x255: {  	s28 =	sor.u32 $0x1C70, s19;
	[tilespmem:s21+$0xE800] =	vst v5  }
0x256: {  	v5 =	vld [tilespmem:s28+$0xE800];
	_ =	sdelay $0x1  }
0x257: {  	p0 =	sne.s32 s25, $0x780  }
.Ltmp4:
0x258: {  	_ = 	snop;
	(pc) =	sbr.rel @p0 .LBB2_11-.Ltmp4, $4  }
0x259: {  	_ = 	snop  }
0x25a: {  	v4 =	vmul.f32 v5, v4  }
0x25b: {  	s22 =	sadd.s32 $0x1, s22;
	s23 =	sadd.s32 $0x400, s23  }
0x25c: {  	s24 =	sadd.s32 $0x1, s24;
	s25 =	sadd.s32 $0x80, s25;
	s3 =	sadd.s32 $0x400, s3;
	[tilespmem:s28+$0xE800] =	vst v4  }
0x25d: {  	s16 =	sadd.s32 $0x1, s16  }
0x25e: {  	p0 =	sne.s32 s16, $0x10  }
.Ltmp5:
0x25f: {  	_ = 	snop;
	(pc) =	sbr.rel @p0 .LBB2_4-.Ltmp5, $4  }
0x260: {  	s3 =	sshll.u32 s20, $0xB  }
0x261: {  	s19 =	simm.s32 $0xE800;
	s15 =	sadd.s32 $0x40, s15;
	s26 =	sadd.s32 $0x40, s26  }
0x262: {  	s2 =	sadd.s32 $0x40, s2;
	s14 =	sadd.s32 $0x40, s14;
	s3 =	sadd.s32 s3, s9  }
0x263: {  	[hbm4b:s3+s4] =	stream.linear.scatter [tilespmem:s19], [sflag:$0x8], $0x4000, $0x38;
	[tilespmem:$0x12800] =	vst v63  }
0x264: {  	s0 =	simm.s32 $0x7  }
0x265: {  	_ =	swait.ge [sflag:s0], $0x4000  }
0x266: {  	[sflag:s0] =	ssyncset.done $0x0  }
0x267: {  	s2 =	simm.s32 $0x8;
	[sflag:s0] =	ssyncadd.s32 $0xFFFFC000  }
0x268: {  	_ =	swait.ge [sflag:s2], $0x4000  }
0x269: {  	s3 =	rddreg [dreg:$0x7]  }
0x26a: {  	s28 =	rddreg [dreg:$0x6];
	s3 =	sadd.s32 $0x1, s3  }
0x26b: {  	p0 =	sne.s32 s3, s28  }
.Ltmp6:
0x26c: {  	_ = 	snop;
	(pc) =	sbr.rel @p0 .LBB2_1-.Ltmp6, $3  }
0x26d: {  	_ =	sdelay $0x1  }
0x26e: {  	[sflag:s2] =	ssyncset.done $0x0  }
0x26f: {  	[sflag:s2] =	ssyncadd.s32 $0xFFFFC000  }
0x270: {  	_ =	sfence.sel $0x180000  }
0x271: {  	[bflag:$0x0] =	sbarrier.arrive $0xFFFF  }
0x272: {  	_ =	strace $0x90000047  }
0x273: {  	s0 =	stileid.u32;
	[bflag:$0x2] =	sbarrier.arrive $0xFFFF  }
0x274: {  	p0 =	sne.s32 s0, $0x0;
	s0 =	rddreg [dreg:$0x4]  }
0x275: {  	s0 =	sadd.s32 @!p0 $0x100000, s0  }
0x276: {  	[sflag:s0] =	ssyncadd.tile.s32 @!p0 $0x1;
	_ =	shalt  }
.Lfunc_end2:
_tile_overlayer_lowered:
.L_overlay_start_2:
0x277: {  	(tag) =	ssettag $0x2  }
0x278: {  	s0 =	rddreg [dreg:$0x0];
	s2 =	stileid.u32  }
0x279: {  	s1 =	rddreg [dreg:$0x1];
	p0 =	sne.s32 s2, $0x0  }
0x27a: {  	s3 =	rddreg [dreg:$0x2];
	[bflag:$0x3] =	sbarrier.arrive $0xFFFF;
	s2 =	simm.s32 @!p0 $0x1C09  }
0x27b: {  	[timem:s3], [sflag:s2] =	dma.local @!p0 [hbm:s0], s1  }
0x27c: {  	s0 =	simm.s32 @!p0 $0x9  }
0x27d: {  	_ =	swait.ge @!p0 [sflag:s0], s1  }
0x27e: {  	s1 =	ssub.s32 @!p0 $0x0, s1;
	[sflag:s0] =	ssyncset.done @!p0 $0x0  }
0x27f: {  	[sflag:s0] =	ssyncadd.s32 @!p0 s1  }
0x280: {  	[bflag:$0x3] =	sbarrier.arrive $0xFFFF  }
0x281: {  	_ =	shalt  }

</sc_bundles>
